<compile_context>
chip_gen: v7x
topology: tpu7x:2x2x1
jax: 0.10.2.dev20260603
libtpu: 0.0.44.dev20260713+nightly
codegen_flags: <defaults>
</compile_context>

<pallas_src>
import functools

import jax
import jax.numpy as jnp
from jax import lax
from jax.experimental import pallas as pl
from jax.experimental.pallas import tpu as pltpu
from jax.experimental.pallas import tpu_sc as plsc

D = 128
S = 50
NB = 4096
NC, NS = 2, 16
NW = NC * NS
CW = NB // NW
HC = 64
NSTEP = 2 * S
M = 12
PF = 8
NSG = NSTEP // M
REM = NSTEP - NSG * M

_mesh = plsc.VectorSubcoreMesh(core_axis_name="c", subcore_axis_name="s")


@functools.partial(
    pl.kernel,
    mesh=_mesh,
    out_type=jax.ShapeDtypeStruct((S, NB, D), jnp.float32),
    scratch_types=[
        pltpu.VMEM((S, CW), jnp.int32),
        pltpu.VMEM((M, HC, D), jnp.float32),
    ]
    + [pltpu.SemaphoreType.DMA] * (2 * M),
    compiler_params=pltpu.CompilerParams(use_tc_tiling_on_sc=True),
)
def _embed_gather(xt_hbm, table_hbm, out_hbm, x_v, bufs, *sems):
    in_sems, out_sems = sems[:M], sems[M:]
    wid = lax.axis_index("s") * NC + lax.axis_index("c")
    b0 = wid * CW
    pltpu.sync_copy(xt_hbm.at[:, pl.ds(b0, CW)], x_v)

    def _src(j):
        return table_hbm.at[x_v.at[j // 2, pl.ds((j % 2) * HC, HC)]]

    def _dst(j):
        return out_hbm.at[j // 2, pl.ds(b0 + (j % 2) * HC, HC)]

    def gather(j, b):
        pltpu.async_copy(_src(j), bufs.at[b], in_sems[b])

    def wait_gather(j, b):
        pltpu.make_async_copy(_src(j), bufs.at[b], in_sems[b]).wait()

    def put(j, b):
        pltpu.async_copy(bufs.at[b], _dst(j), out_sems[b])

    def wait_put(j, b):
        pltpu.make_async_copy(bufs.at[b], _dst(j), out_sems[b]).wait()

    for b in range(PF):
        gather(b, b)

    def cycle(sg, carry):
        for b in range(M):
            j = sg * M + b
            wait_gather(j, b)
            put(j, b)
            bp = (b + PF) % M
            jn = j + PF
            if b < M - PF:

                @pl.when(sg > 0)
                def _():
                    wait_put(jn - M, bp)

                gather(jn, bp)
            else:
                wait_put(jn - M, bp)

                @pl.when(jn < NSTEP)
                def _():
                    gather(jn, bp)

        return carry

    lax.fori_loop(0, NSG, cycle, 0)

    tail = NSG * M
    for r in range(REM):
        j = tail + r
        wait_gather(j, j % M)
        put(j, j % M)
    lastw = NSTEP - REM - 1 - (M - PF)
    for j in range(lastw + 1, NSTEP):
        wait_put(j, j % M)


def kernel(x, tok_embed):
    out_t = _embed_gather(x.T, tok_embed)
    return out_t.transpose(1, 0, 2)

# --- scband reference (transcript-rebuilt; emitter-appended) ---
"""Pipeline reference for scband-token-embedding-23862838297100 (READ-ONLY COPY).

The authoritative reference and input builder live on the scoring server;
editing this copy changes nothing except your own understanding.
"""

import jax, jax.numpy as jnp
import numpy as np

N_VOCAB = 100000
D_MODEL = 128

def setup_inputs(seed: int = 0) -> dict:
    key = jax.random.key(seed)
    k1, k2 = jax.random.split(key)
    x = jax.random.randint(k1, (4096, 50), 0, N_VOCAB, dtype=jnp.int64 if jax.config.jax_enable_x64 else jnp.int32)
    tok_embed = jax.random.normal(k2, (N_VOCAB, D_MODEL), dtype=jnp.float32)
    return {"x": x, "tok_embed": tok_embed}

def reference(x, tok_embed):
    # nn.Embedding forward: gather rows of the table by index
    out = jnp.take(tok_embed, x, axis=0)
    return out

if __name__ == "__main__":
    import jax
    _d = setup_inputs()
    print(jax.jit(kernel)(*tuple(_d.values())))

</pallas_src>

<mosaic_0001>
#map = affine_map<(d0, d1) -> (0, 0)>
#map1 = affine_map<(d0, d1) -> (0, 0, 0)>
module attributes {stable_mosaic.version = 14 : i64} {
  func.func @_embed_gather(%arg0: i32, %arg1: i32, %arg2: memref<50x4096xi32, #tpu.memory_space<hbm>>, %arg3: memref<100000x128xf32, #tpu.memory_space<hbm>>, %arg4: memref<50x4096x128xf32, #tpu.memory_space<hbm>>, %arg5: memref<50x128xi32, #tpu.memory_space<vmem>>, %arg6: memref<12x64x128xf32, #tpu.memory_space<vmem>>, %arg7: memref<!tpu.dma_semaphore, #tpu.memory_space<semaphore_mem>>, %arg8: memref<!tpu.dma_semaphore, #tpu.memory_space<semaphore_mem>>, %arg9: memref<!tpu.dma_semaphore, #tpu.memory_space<semaphore_mem>>, %arg10: memref<!tpu.dma_semaphore, #tpu.memory_space<semaphore_mem>>, %arg11: memref<!tpu.dma_semaphore, #tpu.memory_space<semaphore_mem>>, %arg12: memref<!tpu.dma_semaphore, #tpu.memory_space<semaphore_mem>>, %arg13: memref<!tpu.dma_semaphore, #tpu.memory_space<semaphore_mem>>, %arg14: memref<!tpu.dma_semaphore, #tpu.memory_space<semaphore_mem>>, %arg15: memref<!tpu.dma_semaphore, #tpu.memory_space<semaphore_mem>>, %arg16: memref<!tpu.dma_semaphore, #tpu.memory_space<semaphore_mem>>, %arg17: memref<!tpu.dma_semaphore, #tpu.memory_space<semaphore_mem>>, %arg18: memref<!tpu.dma_semaphore, #tpu.memory_space<semaphore_mem>>, %arg19: memref<!tpu.dma_semaphore, #tpu.memory_space<semaphore_mem>>, %arg20: memref<!tpu.dma_semaphore, #tpu.memory_space<semaphore_mem>>, %arg21: memref<!tpu.dma_semaphore, #tpu.memory_space<semaphore_mem>>, %arg22: memref<!tpu.dma_semaphore, #tpu.memory_space<semaphore_mem>>, %arg23: memref<!tpu.dma_semaphore, #tpu.memory_space<semaphore_mem>>, %arg24: memref<!tpu.dma_semaphore, #tpu.memory_space<semaphore_mem>>, %arg25: memref<!tpu.dma_semaphore, #tpu.memory_space<semaphore_mem>>, %arg26: memref<!tpu.dma_semaphore, #tpu.memory_space<semaphore_mem>>, %arg27: memref<!tpu.dma_semaphore, #tpu.memory_space<semaphore_mem>>, %arg28: memref<!tpu.dma_semaphore, #tpu.memory_space<semaphore_mem>>, %arg29: memref<!tpu.dma_semaphore, #tpu.memory_space<semaphore_mem>>, %arg30: memref<!tpu.dma_semaphore, #tpu.memory_space<semaphore_mem>>) attributes {dimension_semantics = [#tpu.dimension_semantics<core_parallel>, #tpu.dimension_semantics<subcore_parallel>], iteration_bounds = array<i64: 2, 16>, scalar_prefetch = 0 : i64, scratch_operands = 26 : i64, tpu.core_type = #tpu.core_type<sc_vector_subcore>, window_params = [{transform_indices = #map}, {transform_indices = #map}, {transform_indices = #map1}]} {
    %mul3A = arith.constant 2 : i32
    %mul3A_0 = arith.muli %arg1, %mul3A : i32
    %add3A = arith.addi %mul3A_0, %arg0 : i32
    %mul3A_1 = arith.constant 128 : i32
    %mul3A_2 = arith.muli %add3A, %mul3A_1 : i32
    "tpu.region"() ({
      %run_scoped3A = tpu.sem_alloc : memref<!tpu.dma_semaphore, #tpu.memory_space<semaphore_mem>>
      %dma_start3A_366 = arith.constant 0 : i32
      %dma_start3A_367 = tpu.memref_slice %arg2[%dma_start3A_366, %mul3A_2] : memref<50x4096xi32, #tpu.memory_space<hbm>> -> memref<50x128xi32, #tpu.memory_space<hbm>>
      %dma_start3A_368 = arith.constant 0 : i32
      %dma_start3A_369 = tpu.memref_slice %arg2[%dma_start3A_368, %mul3A_2] : memref<50x4096xi32, #tpu.memory_space<hbm>> -> memref<50x128xi32, #tpu.memory_space<hbm>>
      tpu.enqueue_dma source(%dma_start3A_369 : memref<50x128xi32, #tpu.memory_space<hbm>>) target(%arg5 : memref<50x128xi32, #tpu.memory_space<vmem>>) target_semaphore(%run_scoped3A : memref<!tpu.dma_semaphore, #tpu.memory_space<semaphore_mem>>)
      %dma_wait3A_370 = arith.constant 0 : i32
      %dma_wait3A_371 = tpu.memref_slice %arg2[%dma_wait3A_370, %mul3A_2] : memref<50x4096xi32, #tpu.memory_space<hbm>> -> memref<50x128xi32, #tpu.memory_space<hbm>>
      %dma_wait3A_372 = arith.constant 0 : i32
      %dma_wait3A_373 = tpu.memref_slice %arg2[%dma_wait3A_372, %mul3A_2] : memref<50x4096xi32, #tpu.memory_space<hbm>> -> memref<50x128xi32, #tpu.memory_space<hbm>>
      tpu.wait_dma2 semaphore(%run_scoped3A : memref<!tpu.dma_semaphore, #tpu.memory_space<semaphore_mem>>) src(%dma_wait3A_373 : memref<50x128xi32, #tpu.memory_space<hbm>>) dst(%arg5 : memref<50x128xi32, #tpu.memory_space<vmem>>)
      tpu.yield
    }) : () -> ()
    %dma_start3A = arith.constant 0 : i32
    %dma_start3A_3 = arith.constant 0 : i32
    %dma_start3A_4 = arith.constant 0 : i32
    %dma_start3A_5 = arith.constant 0 : i32
    %dma_start3A_6 = tpu.memref_slice %arg6[%dma_start3A_3, %dma_start3A_4, %dma_start3A_5] : memref<12x64x128xf32, #tpu.memory_space<vmem>> -> memref<1x64x128xf32, #tpu.memory_space<vmem>>
    %dma_start3A_7 = tpu.memref_squeeze %dma_start3A_6 : memref<1x64x128xf32, #tpu.memory_space<vmem>> -> memref<64x128xf32, #tpu.memory_space<vmem>>
    %dma_start3A_8 = arith.constant 0 : i32
    %dma_start3A_9 = tpu.memref_slice %arg5[%dma_start3A, %dma_start3A_8] : memref<50x128xi32, #tpu.memory_space<vmem>> -> memref<1x64xi32, #tpu.memory_space<vmem>>
    %dma_start3A_10 = tpu.memref_squeeze %dma_start3A_9 : memref<1x64xi32, #tpu.memory_space<vmem>> -> memref<64xi32, #tpu.memory_space<vmem>>
    %dma_start3A_11 = arith.constant 0 : i32
    %dma_start3A_12 = arith.constant 0 : i32
    %dma_start3A_13 = tpu.memref_slice %arg3[%dma_start3A_11, %dma_start3A_12] : memref<100000x128xf32, #tpu.memory_space<hbm>> -> memref<100000x128xf32, #tpu.memory_space<hbm>>
    tpu.enqueue_indirect_dma source(%dma_start3A_13 : memref<100000x128xf32, #tpu.memory_space<hbm>>) target(%dma_start3A_7 : memref<64x128xf32, #tpu.memory_space<vmem>>) offsets(%dma_start3A_10 : memref<64xi32, #tpu.memory_space<vmem>>) semaphore(%arg7 : memref<!tpu.dma_semaphore, #tpu.memory_space<semaphore_mem>>)
    %dma_start3A_14 = arith.constant 0 : i32
    %dma_start3A_15 = arith.constant 1 : i32
    %dma_start3A_16 = arith.constant 0 : i32
    %dma_start3A_17 = arith.constant 0 : i32
    %dma_start3A_18 = tpu.memref_slice %arg6[%dma_start3A_15, %dma_start3A_16, %dma_start3A_17] : memref<12x64x128xf32, #tpu.memory_space<vmem>> -> memref<1x64x128xf32, #tpu.memory_space<vmem>>
    %dma_start3A_19 = tpu.memref_squeeze %dma_start3A_18 : memref<1x64x128xf32, #tpu.memory_space<vmem>> -> memref<64x128xf32, #tpu.memory_space<vmem>>
    %dma_start3A_20 = arith.constant 64 : i32
    %dma_start3A_21 = tpu.memref_slice %arg5[%dma_start3A_14, %dma_start3A_20] : memref<50x128xi32, #tpu.memory_space<vmem>> -> memref<1x64xi32, #tpu.memory_space<vmem>>
    %dma_start3A_22 = tpu.memref_squeeze %dma_start3A_21 : memref<1x64xi32, #tpu.memory_space<vmem>> -> memref<64xi32, #tpu.memory_space<vmem>>
    %dma_start3A_23 = arith.constant 0 : i32
    %dma_start3A_24 = arith.constant 0 : i32
    %dma_start3A_25 = tpu.memref_slice %arg3[%dma_start3A_23, %dma_start3A_24] : memref<100000x128xf32, #tpu.memory_space<hbm>> -> memref<100000x128xf32, #tpu.memory_space<hbm>>
    tpu.enqueue_indirect_dma source(%dma_start3A_25 : memref<100000x128xf32, #tpu.memory_space<hbm>>) target(%dma_start3A_19 : memref<64x128xf32, #tpu.memory_space<vmem>>) offsets(%dma_start3A_22 : memref<64xi32, #tpu.memory_space<vmem>>) semaphore(%arg8 : memref<!tpu.dma_semaphore, #tpu.memory_space<semaphore_mem>>)
    %dma_start3A_26 = arith.constant 1 : i32
    %dma_start3A_27 = arith.constant 2 : i32
    %dma_start3A_28 = arith.constant 0 : i32
    %dma_start3A_29 = arith.constant 0 : i32
    %dma_start3A_30 = tpu.memref_slice %arg6[%dma_start3A_27, %dma_start3A_28, %dma_start3A_29] : memref<12x64x128xf32, #tpu.memory_space<vmem>> -> memref<1x64x128xf32, #tpu.memory_space<vmem>>
    %dma_start3A_31 = tpu.memref_squeeze %dma_start3A_30 : memref<1x64x128xf32, #tpu.memory_space<vmem>> -> memref<64x128xf32, #tpu.memory_space<vmem>>
    %dma_start3A_32 = arith.constant 0 : i32
    %dma_start3A_33 = tpu.memref_slice %arg5[%dma_start3A_26, %dma_start3A_32] : memref<50x128xi32, #tpu.memory_space<vmem>> -> memref<1x64xi32, #tpu.memory_space<vmem>>
    %dma_start3A_34 = tpu.memref_squeeze %dma_start3A_33 : memref<1x64xi32, #tpu.memory_space<vmem>> -> memref<64xi32, #tpu.memory_space<vmem>>
    %dma_start3A_35 = arith.constant 0 : i32
    %dma_start3A_36 = arith.constant 0 : i32
    %dma_start3A_37 = tpu.memref_slice %arg3[%dma_start3A_35, %dma_start3A_36] : memref<100000x128xf32, #tpu.memory_space<hbm>> -> memref<100000x128xf32, #tpu.memory_space<hbm>>
    tpu.enqueue_indirect_dma source(%dma_start3A_37 : memref<100000x128xf32, #tpu.memory_space<hbm>>) target(%dma_start3A_31 : memref<64x128xf32, #tpu.memory_space<vmem>>) offsets(%dma_start3A_34 : memref<64xi32, #tpu.memory_space<vmem>>) semaphore(%arg9 : memref<!tpu.dma_semaphore, #tpu.memory_space<semaphore_mem>>)
    %dma_start3A_38 = arith.constant 1 : i32
    %dma_start3A_39 = arith.constant 3 : i32
    %dma_start3A_40 = arith.constant 0 : i32
    %dma_start3A_41 = arith.constant 0 : i32
    %dma_start3A_42 = tpu.memref_slice %arg6[%dma_start3A_39, %dma_start3A_40, %dma_start3A_41] : memref<12x64x128xf32, #tpu.memory_space<vmem>> -> memref<1x64x128xf32, #tpu.memory_space<vmem>>
    %dma_start3A_43 = tpu.memref_squeeze %dma_start3A_42 : memref<1x64x128xf32, #tpu.memory_space<vmem>> -> memref<64x128xf32, #tpu.memory_space<vmem>>
    %dma_start3A_44 = arith.constant 64 : i32
    %dma_start3A_45 = tpu.memref_slice %arg5[%dma_start3A_38, %dma_start3A_44] : memref<50x128xi32, #tpu.memory_space<vmem>> -> memref<1x64xi32, #tpu.memory_space<vmem>>
    %dma_start3A_46 = tpu.memref_squeeze %dma_start3A_45 : memref<1x64xi32, #tpu.memory_space<vmem>> -> memref<64xi32, #tpu.memory_space<vmem>>
    %dma_start3A_47 = arith.constant 0 : i32
    %dma_start3A_48 = arith.constant 0 : i32
    %dma_start3A_49 = tpu.memref_slice %arg3[%dma_start3A_47, %dma_start3A_48] : memref<100000x128xf32, #tpu.memory_space<hbm>> -> memref<100000x128xf32, #tpu.memory_space<hbm>>
    tpu.enqueue_indirect_dma source(%dma_start3A_49 : memref<100000x128xf32, #tpu.memory_space<hbm>>) target(%dma_start3A_43 : memref<64x128xf32, #tpu.memory_space<vmem>>) offsets(%dma_start3A_46 : memref<64xi32, #tpu.memory_space<vmem>>) semaphore(%arg10 : memref<!tpu.dma_semaphore, #tpu.memory_space<semaphore_mem>>)
    %dma_start3A_50 = arith.constant 2 : i32
    %dma_start3A_51 = arith.constant 4 : i32
    %dma_start3A_52 = arith.constant 0 : i32
    %dma_start3A_53 = arith.constant 0 : i32
    %dma_start3A_54 = tpu.memref_slice %arg6[%dma_start3A_51, %dma_start3A_52, %dma_start3A_53] : memref<12x64x128xf32, #tpu.memory_space<vmem>> -> memref<1x64x128xf32, #tpu.memory_space<vmem>>
    %dma_start3A_55 = tpu.memref_squeeze %dma_start3A_54 : memref<1x64x128xf32, #tpu.memory_space<vmem>> -> memref<64x128xf32, #tpu.memory_space<vmem>>
    %dma_start3A_56 = arith.constant 0 : i32
    %dma_start3A_57 = tpu.memref_slice %arg5[%dma_start3A_50, %dma_start3A_56] : memref<50x128xi32, #tpu.memory_space<vmem>> -> memref<1x64xi32, #tpu.memory_space<vmem>>
    %dma_start3A_58 = tpu.memref_squeeze %dma_start3A_57 : memref<1x64xi32, #tpu.memory_space<vmem>> -> memref<64xi32, #tpu.memory_space<vmem>>
    %dma_start3A_59 = arith.constant 0 : i32
    %dma_start3A_60 = arith.constant 0 : i32
    %dma_start3A_61 = tpu.memref_slice %arg3[%dma_start3A_59, %dma_start3A_60] : memref<100000x128xf32, #tpu.memory_space<hbm>> -> memref<100000x128xf32, #tpu.memory_space<hbm>>
    tpu.enqueue_indirect_dma source(%dma_start3A_61 : memref<100000x128xf32, #tpu.memory_space<hbm>>) target(%dma_start3A_55 : memref<64x128xf32, #tpu.memory_space<vmem>>) offsets(%dma_start3A_58 : memref<64xi32, #tpu.memory_space<vmem>>) semaphore(%arg11 : memref<!tpu.dma_semaphore, #tpu.memory_space<semaphore_mem>>)
    %dma_start3A_62 = arith.constant 2 : i32
    %dma_start3A_63 = arith.constant 5 : i32
    %dma_start3A_64 = arith.constant 0 : i32
    %dma_start3A_65 = arith.constant 0 : i32
    %dma_start3A_66 = tpu.memref_slice %arg6[%dma_start3A_63, %dma_start3A_64, %dma_start3A_65] : memref<12x64x128xf32, #tpu.memory_space<vmem>> -> memref<1x64x128xf32, #tpu.memory_space<vmem>>
    %dma_start3A_67 = tpu.memref_squeeze %dma_start3A_66 : memref<1x64x128xf32, #tpu.memory_space<vmem>> -> memref<64x128xf32, #tpu.memory_space<vmem>>
    %dma_start3A_68 = arith.constant 64 : i32
    %dma_start3A_69 = tpu.memref_slice %arg5[%dma_start3A_62, %dma_start3A_68] : memref<50x128xi32, #tpu.memory_space<vmem>> -> memref<1x64xi32, #tpu.memory_space<vmem>>
    %dma_start3A_70 = tpu.memref_squeeze %dma_start3A_69 : memref<1x64xi32, #tpu.memory_space<vmem>> -> memref<64xi32, #tpu.memory_space<vmem>>
    %dma_start3A_71 = arith.constant 0 : i32
    %dma_start3A_72 = arith.constant 0 : i32
    %dma_start3A_73 = tpu.memref_slice %arg3[%dma_start3A_71, %dma_start3A_72] : memref<100000x128xf32, #tpu.memory_space<hbm>> -> memref<100000x128xf32, #tpu.memory_space<hbm>>
    tpu.enqueue_indirect_dma source(%dma_start3A_73 : memref<100000x128xf32, #tpu.memory_space<hbm>>) target(%dma_start3A_67 : memref<64x128xf32, #tpu.memory_space<vmem>>) offsets(%dma_start3A_70 : memref<64xi32, #tpu.memory_space<vmem>>) semaphore(%arg12 : memref<!tpu.dma_semaphore, #tpu.memory_space<semaphore_mem>>)
    %dma_start3A_74 = arith.constant 3 : i32
    %dma_start3A_75 = arith.constant 6 : i32
    %dma_start3A_76 = arith.constant 0 : i32
    %dma_start3A_77 = arith.constant 0 : i32
    %dma_start3A_78 = tpu.memref_slice %arg6[%dma_start3A_75, %dma_start3A_76, %dma_start3A_77] : memref<12x64x128xf32, #tpu.memory_space<vmem>> -> memref<1x64x128xf32, #tpu.memory_space<vmem>>
    %dma_start3A_79 = tpu.memref_squeeze %dma_start3A_78 : memref<1x64x128xf32, #tpu.memory_space<vmem>> -> memref<64x128xf32, #tpu.memory_space<vmem>>
    %dma_start3A_80 = arith.constant 0 : i32
    %dma_start3A_81 = tpu.memref_slice %arg5[%dma_start3A_74, %dma_start3A_80] : memref<50x128xi32, #tpu.memory_space<vmem>> -> memref<1x64xi32, #tpu.memory_space<vmem>>
    %dma_start3A_82 = tpu.memref_squeeze %dma_start3A_81 : memref<1x64xi32, #tpu.memory_space<vmem>> -> memref<64xi32, #tpu.memory_space<vmem>>
    %dma_start3A_83 = arith.constant 0 : i32
    %dma_start3A_84 = arith.constant 0 : i32
    %dma_start3A_85 = tpu.memref_slice %arg3[%dma_start3A_83, %dma_start3A_84] : memref<100000x128xf32, #tpu.memory_space<hbm>> -> memref<100000x128xf32, #tpu.memory_space<hbm>>
    tpu.enqueue_indirect_dma source(%dma_start3A_85 : memref<100000x128xf32, #tpu.memory_space<hbm>>) target(%dma_start3A_79 : memref<64x128xf32, #tpu.memory_space<vmem>>) offsets(%dma_start3A_82 : memref<64xi32, #tpu.memory_space<vmem>>) semaphore(%arg13 : memref<!tpu.dma_semaphore, #tpu.memory_space<semaphore_mem>>)
    %dma_start3A_86 = arith.constant 3 : i32
    %dma_start3A_87 = arith.constant 7 : i32
    %dma_start3A_88 = arith.constant 0 : i32
    %dma_start3A_89 = arith.constant 0 : i32
    %dma_start3A_90 = tpu.memref_slice %arg6[%dma_start3A_87, %dma_start3A_88, %dma_start3A_89] : memref<12x64x128xf32, #tpu.memory_space<vmem>> -> memref<1x64x128xf32, #tpu.memory_space<vmem>>
    %dma_start3A_91 = tpu.memref_squeeze %dma_start3A_90 : memref<1x64x128xf32, #tpu.memory_space<vmem>> -> memref<64x128xf32, #tpu.memory_space<vmem>>
    %dma_start3A_92 = arith.constant 64 : i32
    %dma_start3A_93 = tpu.memref_slice %arg5[%dma_start3A_86, %dma_start3A_92] : memref<50x128xi32, #tpu.memory_space<vmem>> -> memref<1x64xi32, #tpu.memory_space<vmem>>
    %dma_start3A_94 = tpu.memref_squeeze %dma_start3A_93 : memref<1x64xi32, #tpu.memory_space<vmem>> -> memref<64xi32, #tpu.memory_space<vmem>>
    %dma_start3A_95 = arith.constant 0 : i32
    %dma_start3A_96 = arith.constant 0 : i32
    %dma_start3A_97 = tpu.memref_slice %arg3[%dma_start3A_95, %dma_start3A_96] : memref<100000x128xf32, #tpu.memory_space<hbm>> -> memref<100000x128xf32, #tpu.memory_space<hbm>>
    tpu.enqueue_indirect_dma source(%dma_start3A_97 : memref<100000x128xf32, #tpu.memory_space<hbm>>) target(%dma_start3A_91 : memref<64x128xf32, #tpu.memory_space<vmem>>) offsets(%dma_start3A_94 : memref<64xi32, #tpu.memory_space<vmem>>) semaphore(%arg14 : memref<!tpu.dma_semaphore, #tpu.memory_space<semaphore_mem>>)
    %scan3A = arith.constant 0 : i32
    %scan3A_98 = arith.constant 0 : i32
    %scan3A_99 = arith.constant 8 : i32
    %scan3A_100 = arith.addi %scan3A_98, %scan3A_99 : i32
    %scan3A_101 = arith.constant 1 : i32
    scf.for %scan3A_366 = %scan3A_98 to %scan3A_100 step %scan3A_101  : i32 {
      %mul3A_367 = arith.constant 12 : i32
      %mul3A_368 = arith.muli %scan3A_366, %mul3A_367 : i32
      %add3A_369 = arith.constant 0 : i32
      %add3A_370 = arith.addi %mul3A_368, %add3A_369 : i32
      %jit3A = arith.constant 2 : i32
      %div3A = arith.divsi %add3A_370, %jit3A : i32
      %sign3A = arith.constant 0 : i32
      %sign3A_371 = arith.cmpi sgt, %add3A_370, %sign3A : i32
      %sign3A_372 = arith.extui %sign3A_371 : i1 to i32
      %sign3A_373 = arith.constant 0 : i32
      %sign3A_374 = arith.cmpi slt, %add3A_370, %sign3A_373 : i32
      %sign3A_375 = arith.extui %sign3A_374 : i1 to i32
      %sign3A_376 = arith.subi %sign3A_372, %sign3A_375 : i32
      %sign3A_377 = arith.constant 0 : i32
      %sign3A_378 = arith.cmpi sgt, %jit3A, %sign3A_377 : i32
      %sign3A_379 = arith.extui %sign3A_378 : i1 to i32
      %sign3A_380 = arith.constant 0 : i32
      %sign3A_381 = arith.cmpi slt, %jit3A, %sign3A_380 : i32
      %sign3A_382 = arith.extui %sign3A_381 : i1 to i32
      %sign3A_383 = arith.subi %sign3A_379, %sign3A_382 : i32
      %ne3A = arith.cmpi ne, %sign3A_376, %sign3A_383 : i32
      %rem3A = arith.remsi %add3A_370, %jit3A : i32
      %ne3A_384 = arith.constant 0 : i32
      %ne3A_385 = arith.cmpi ne, %rem3A, %ne3A_384 : i32
      %and3A = arith.andi %ne3A, %ne3A_385 : i1
      %sub3A = arith.constant 1 : i32
      %sub3A_386 = arith.subi %div3A, %sub3A : i32
      %select_n3A = arith.select %and3A, %sub3A_386, %div3A : i32
      %jit3A_387 = arith.constant 2 : i32
      %eq3A = arith.constant 0 : i32
      %eq3A_388 = arith.cmpi eq, %jit3A_387, %eq3A : i32
      %jit3A_389 = arith.constant 1 : i32
      %select_n3A_390 = arith.select %eq3A_388, %jit3A_389, %jit3A_387 : i32
      %rem3A_391 = arith.remsi %add3A_370, %select_n3A_390 : i32
      %ne3A_392 = arith.constant 0 : i32
      %ne3A_393 = arith.cmpi ne, %rem3A_391, %ne3A_392 : i32
      %lt3A = arith.constant 0 : i32
      %lt3A_394 = arith.cmpi slt, %rem3A_391, %lt3A : i32
      %lt3A_395 = arith.constant 0 : i32
      %lt3A_396 = arith.cmpi slt, %select_n3A_390, %lt3A_395 : i32
      %ne3A_397 = arith.xori %lt3A_394, %lt3A_396 : i1
      %and3A_398 = arith.andi %ne3A_397, %ne3A_393 : i1
      %add3A_399 = arith.addi %rem3A_391, %select_n3A_390 : i32
      %select_n3A_400 = arith.select %and3A_398, %add3A_399, %rem3A_391 : i32
      %mul3A_401 = arith.constant 64 : i32
      %mul3A_402 = arith.muli %select_n3A_400, %mul3A_401 : i32
      %dma_wait3A_403 = arith.constant 0 : i32
      %dma_wait3A_404 = arith.constant 0 : i32
      %dma_wait3A_405 = arith.constant 0 : i32
      %dma_wait3A_406 = tpu.memref_slice %arg6[%dma_wait3A_403, %dma_wait3A_404, %dma_wait3A_405] : memref<12x64x128xf32, #tpu.memory_space<vmem>> -> memref<1x64x128xf32, #tpu.memory_space<vmem>>
      %dma_wait3A_407 = tpu.memref_squeeze %dma_wait3A_406 : memref<1x64x128xf32, #tpu.memory_space<vmem>> -> memref<64x128xf32, #tpu.memory_space<vmem>>
      %dma_wait3A_408 = tpu.memref_slice %arg5[%select_n3A, %mul3A_402] : memref<50x128xi32, #tpu.memory_space<vmem>> -> memref<1x64xi32, #tpu.memory_space<vmem>>
      %dma_wait3A_409 = tpu.memref_squeeze %dma_wait3A_408 : memref<1x64xi32, #tpu.memory_space<vmem>> -> memref<64xi32, #tpu.memory_space<vmem>>
      %dma_wait3A_410 = arith.constant 0 : i32
      %dma_wait3A_411 = arith.constant 0 : i32
      %dma_wait3A_412 = tpu.memref_slice %arg3[%dma_wait3A_410, %dma_wait3A_411] : memref<100000x128xf32, #tpu.memory_space<hbm>> -> memref<100000x128xf32, #tpu.memory_space<hbm>>
      tpu.wait_indirect_dma semaphore(%arg7 : memref<!tpu.dma_semaphore, #tpu.memory_space<semaphore_mem>>) src(%dma_wait3A_412 : memref<100000x128xf32, #tpu.memory_space<hbm>>) dst(%dma_wait3A_407 : memref<64x128xf32, #tpu.memory_space<vmem>>)
      %jit3A_413 = arith.constant 2 : i32
      %div3A_414 = arith.divsi %add3A_370, %jit3A_413 : i32
      %sign3A_415 = arith.constant 0 : i32
      %sign3A_416 = arith.cmpi sgt, %add3A_370, %sign3A_415 : i32
      %sign3A_417 = arith.extui %sign3A_416 : i1 to i32
      %sign3A_418 = arith.constant 0 : i32
      %sign3A_419 = arith.cmpi slt, %add3A_370, %sign3A_418 : i32
      %sign3A_420 = arith.extui %sign3A_419 : i1 to i32
      %sign3A_421 = arith.subi %sign3A_417, %sign3A_420 : i32
      %sign3A_422 = arith.constant 0 : i32
      %sign3A_423 = arith.cmpi sgt, %jit3A_413, %sign3A_422 : i32
      %sign3A_424 = arith.extui %sign3A_423 : i1 to i32
      %sign3A_425 = arith.constant 0 : i32
      %sign3A_426 = arith.cmpi slt, %jit3A_413, %sign3A_425 : i32
      %sign3A_427 = arith.extui %sign3A_426 : i1 to i32
      %sign3A_428 = arith.subi %sign3A_424, %sign3A_427 : i32
      %ne3A_429 = arith.cmpi ne, %sign3A_421, %sign3A_428 : i32
      %rem3A_430 = arith.remsi %add3A_370, %jit3A_413 : i32
      %ne3A_431 = arith.constant 0 : i32
      %ne3A_432 = arith.cmpi ne, %rem3A_430, %ne3A_431 : i32
      %and3A_433 = arith.andi %ne3A_429, %ne3A_432 : i1
      %sub3A_434 = arith.constant 1 : i32
      %sub3A_435 = arith.subi %div3A_414, %sub3A_434 : i32
      %select_n3A_436 = arith.select %and3A_433, %sub3A_435, %div3A_414 : i32
      %jit3A_437 = arith.constant 2 : i32
      %eq3A_438 = arith.constant 0 : i32
      %eq3A_439 = arith.cmpi eq, %jit3A_437, %eq3A_438 : i32
      %jit3A_440 = arith.constant 1 : i32
      %select_n3A_441 = arith.select %eq3A_439, %jit3A_440, %jit3A_437 : i32
      %rem3A_442 = arith.remsi %add3A_370, %select_n3A_441 : i32
      %ne3A_443 = arith.constant 0 : i32
      %ne3A_444 = arith.cmpi ne, %rem3A_442, %ne3A_443 : i32
      %lt3A_445 = arith.constant 0 : i32
      %lt3A_446 = arith.cmpi slt, %rem3A_442, %lt3A_445 : i32
      %lt3A_447 = arith.constant 0 : i32
      %lt3A_448 = arith.cmpi slt, %select_n3A_441, %lt3A_447 : i32
      %ne3A_449 = arith.xori %lt3A_446, %lt3A_448 : i1
      %and3A_450 = arith.andi %ne3A_449, %ne3A_444 : i1
      %add3A_451 = arith.addi %rem3A_442, %select_n3A_441 : i32
      %select_n3A_452 = arith.select %and3A_450, %add3A_451, %rem3A_442 : i32
      %mul3A_453 = arith.constant 64 : i32
      %mul3A_454 = arith.muli %select_n3A_452, %mul3A_453 : i32
      %add3A_455 = arith.addi %mul3A_2, %mul3A_454 : i32
      %dma_start3A_456 = arith.constant 0 : i32
      %dma_start3A_457 = arith.constant 0 : i32
      %dma_start3A_458 = arith.constant 0 : i32
      %dma_start3A_459 = tpu.memref_slice %arg6[%dma_start3A_456, %dma_start3A_457, %dma_start3A_458] : memref<12x64x128xf32, #tpu.memory_space<vmem>> -> memref<1x64x128xf32, #tpu.memory_space<vmem>>
      %dma_start3A_460 = tpu.memref_squeeze %dma_start3A_459 : memref<1x64x128xf32, #tpu.memory_space<vmem>> -> memref<64x128xf32, #tpu.memory_space<vmem>>
      %dma_start3A_461 = arith.constant 0 : i32
      %dma_start3A_462 = tpu.memref_slice %arg4[%select_n3A_436, %add3A_455, %dma_start3A_461] : memref<50x4096x128xf32, #tpu.memory_space<hbm>> -> memref<1x64x128xf32, #tpu.memory_space<hbm>>
      %dma_start3A_463 = tpu.memref_squeeze %dma_start3A_462 : memref<1x64x128xf32, #tpu.memory_space<hbm>> -> memref<64x128xf32, #tpu.memory_space<hbm>>
      %dma_start3A_464 = arith.constant 0 : i32
      %dma_start3A_465 = tpu.memref_slice %arg4[%select_n3A_436, %add3A_455, %dma_start3A_464] : memref<50x4096x128xf32, #tpu.memory_space<hbm>> -> memref<1x64x128xf32, #tpu.memory_space<hbm>>
      %dma_start3A_466 = tpu.memref_squeeze %dma_start3A_465 : memref<1x64x128xf32, #tpu.memory_space<hbm>> -> memref<64x128xf32, #tpu.memory_space<hbm>>
      %dma_start3A_467 = arith.constant 0 : i32
      %dma_start3A_468 = arith.constant 0 : i32
      %dma_start3A_469 = tpu.memref_slice %arg6[%dma_start3A_456, %dma_start3A_467, %dma_start3A_468] : memref<12x64x128xf32, #tpu.memory_space<vmem>> -> memref<1x64x128xf32, #tpu.memory_space<vmem>>
      %dma_start3A_470 = tpu.memref_squeeze %dma_start3A_469 : memref<1x64x128xf32, #tpu.memory_space<vmem>> -> memref<64x128xf32, #tpu.memory_space<vmem>>
      tpu.enqueue_dma source(%dma_start3A_470 : memref<64x128xf32, #tpu.memory_space<vmem>>) target(%dma_start3A_466 : memref<64x128xf32, #tpu.memory_space<hbm>>) target_semaphore(%arg19 : memref<!tpu.dma_semaphore, #tpu.memory_space<semaphore_mem>>)
      %add3A_471 = arith.constant 8 : i32
      %add3A_472 = arith.addi %add3A_370, %add3A_471 : i32
      %gt3A = arith.constant 0 : i32
      %gt3A_473 = arith.cmpi sgt, %scan3A_366, %gt3A : i32
      %convert_element_type3A = arith.extui %gt3A_473 : i1 to i32
      %cond3A = arith.constant 0 : i32
      %cond3A_474 = arith.cmpi ne, %convert_element_type3A, %cond3A : i32
      scf.if %cond3A_474 {
        %sub3A_2494 = arith.constant 12 : i32
        %sub3A_2495 = arith.subi %add3A_472, %sub3A_2494 : i32
        %jit3A_2496 = arith.constant 2 : i32
        %div3A_2497 = arith.divsi %sub3A_2495, %jit3A_2496 : i32
        %sign3A_2498 = arith.constant 0 : i32
        %sign3A_2499 = arith.cmpi sgt, %sub3A_2495, %sign3A_2498 : i32
        %sign3A_2500 = arith.extui %sign3A_2499 : i1 to i32
        %sign3A_2501 = arith.constant 0 : i32
        %sign3A_2502 = arith.cmpi slt, %sub3A_2495, %sign3A_2501 : i32
        %sign3A_2503 = arith.extui %sign3A_2502 : i1 to i32
        %sign3A_2504 = arith.subi %sign3A_2500, %sign3A_2503 : i32
        %sign3A_2505 = arith.constant 0 : i32
        %sign3A_2506 = arith.cmpi sgt, %jit3A_2496, %sign3A_2505 : i32
        %sign3A_2507 = arith.extui %sign3A_2506 : i1 to i32
        %sign3A_2508 = arith.constant 0 : i32
        %sign3A_2509 = arith.cmpi slt, %jit3A_2496, %sign3A_2508 : i32
        %sign3A_2510 = arith.extui %sign3A_2509 : i1 to i32
        %sign3A_2511 = arith.subi %sign3A_2507, %sign3A_2510 : i32
        %ne3A_2512 = arith.cmpi ne, %sign3A_2504, %sign3A_2511 : i32
        %rem3A_2513 = arith.remsi %sub3A_2495, %jit3A_2496 : i32
        %ne3A_2514 = arith.constant 0 : i32
        %ne3A_2515 = arith.cmpi ne, %rem3A_2513, %ne3A_2514 : i32
        %and3A_2516 = arith.andi %ne3A_2512, %ne3A_2515 : i1
        %sub3A_2517 = arith.constant 1 : i32
        %sub3A_2518 = arith.subi %div3A_2497, %sub3A_2517 : i32
        %select_n3A_2519 = arith.select %and3A_2516, %sub3A_2518, %div3A_2497 : i32
        %jit3A_2520 = arith.constant 2 : i32
        %eq3A_2521 = arith.constant 0 : i32
        %eq3A_2522 = arith.cmpi eq, %jit3A_2520, %eq3A_2521 : i32
        %jit3A_2523 = arith.constant 1 : i32
        %select_n3A_2524 = arith.select %eq3A_2522, %jit3A_2523, %jit3A_2520 : i32
        %rem3A_2525 = arith.remsi %sub3A_2495, %select_n3A_2524 : i32
        %ne3A_2526 = arith.constant 0 : i32
        %ne3A_2527 = arith.cmpi ne, %rem3A_2525, %ne3A_2526 : i32
        %lt3A_2528 = arith.constant 0 : i32
        %lt3A_2529 = arith.cmpi slt, %rem3A_2525, %lt3A_2528 : i32
        %lt3A_2530 = arith.constant 0 : i32
        %lt3A_2531 = arith.cmpi slt, %select_n3A_2524, %lt3A_2530 : i32
        %ne3A_2532 = arith.xori %lt3A_2529, %lt3A_2531 : i1
        %and3A_2533 = arith.andi %ne3A_2532, %ne3A_2527 : i1
        %add3A_2534 = arith.addi %rem3A_2525, %select_n3A_2524 : i32
        %select_n3A_2535 = arith.select %and3A_2533, %add3A_2534, %rem3A_2525 : i32
        %mul3A_2536 = arith.constant 64 : i32
        %mul3A_2537 = arith.muli %select_n3A_2535, %mul3A_2536 : i32
        %add3A_2538 = arith.addi %mul3A_2, %mul3A_2537 : i32
        %dma_wait3A_2539 = arith.constant 8 : i32
        %dma_wait3A_2540 = arith.constant 0 : i32
        %dma_wait3A_2541 = arith.constant 0 : i32
        %dma_wait3A_2542 = tpu.memref_slice %arg6[%dma_wait3A_2539, %dma_wait3A_2540, %dma_wait3A_2541] : memref<12x64x128xf32, #tpu.memory_space<vmem>> -> memref<1x64x128xf32, #tpu.memory_space<vmem>>
        %dma_wait3A_2543 = tpu.memref_squeeze %dma_wait3A_2542 : memref<1x64x128xf32, #tpu.memory_space<vmem>> -> memref<64x128xf32, #tpu.memory_space<vmem>>
        %dma_wait3A_2544 = arith.constant 0 : i32
        %dma_wait3A_2545 = tpu.memref_slice %arg4[%select_n3A_2519, %add3A_2538, %dma_wait3A_2544] : memref<50x4096x128xf32, #tpu.memory_space<hbm>> -> memref<1x64x128xf32, #tpu.memory_space<hbm>>
        %dma_wait3A_2546 = tpu.memref_squeeze %dma_wait3A_2545 : memref<1x64x128xf32, #tpu.memory_space<hbm>> -> memref<64x128xf32, #tpu.memory_space<hbm>>
        %dma_wait3A_2547 = arith.constant 0 : i32
        %dma_wait3A_2548 = tpu.memref_slice %arg4[%select_n3A_2519, %add3A_2538, %dma_wait3A_2547] : memref<50x4096x128xf32, #tpu.memory_space<hbm>> -> memref<1x64x128xf32, #tpu.memory_space<hbm>>
        %dma_wait3A_2549 = tpu.memref_squeeze %dma_wait3A_2548 : memref<1x64x128xf32, #tpu.memory_space<hbm>> -> memref<64x128xf32, #tpu.memory_space<hbm>>
        %dma_wait3A_2550 = arith.constant 0 : i32
        %dma_wait3A_2551 = arith.constant 0 : i32
        %dma_wait3A_2552 = tpu.memref_slice %arg6[%dma_wait3A_2539, %dma_wait3A_2550, %dma_wait3A_2551] : memref<12x64x128xf32, #tpu.memory_space<vmem>> -> memref<1x64x128xf32, #tpu.memory_space<vmem>>
        %dma_wait3A_2553 = tpu.memref_squeeze %dma_wait3A_2552 : memref<1x64x128xf32, #tpu.memory_space<vmem>> -> memref<64x128xf32, #tpu.memory_space<vmem>>
        tpu.wait_dma2 semaphore(%arg27 : memref<!tpu.dma_semaphore, #tpu.memory_space<semaphore_mem>>) src(%dma_wait3A_2553 : memref<64x128xf32, #tpu.memory_space<vmem>>) dst(%dma_wait3A_2549 : memref<64x128xf32, #tpu.memory_space<hbm>>)
      } else {
      }
      %jit3A_475 = arith.constant 2 : i32
      %div3A_476 = arith.divsi %add3A_472, %jit3A_475 : i32
      %sign3A_477 = arith.constant 0 : i32
      %sign3A_478 = arith.cmpi sgt, %add3A_472, %sign3A_477 : i32
      %sign3A_479 = arith.extui %sign3A_478 : i1 to i32
      %sign3A_480 = arith.constant 0 : i32
      %sign3A_481 = arith.cmpi slt, %add3A_472, %sign3A_480 : i32
      %sign3A_482 = arith.extui %sign3A_481 : i1 to i32
      %sign3A_483 = arith.subi %sign3A_479, %sign3A_482 : i32
      %sign3A_484 = arith.constant 0 : i32
      %sign3A_485 = arith.cmpi sgt, %jit3A_475, %sign3A_484 : i32
      %sign3A_486 = arith.extui %sign3A_485 : i1 to i32
      %sign3A_487 = arith.constant 0 : i32
      %sign3A_488 = arith.cmpi slt, %jit3A_475, %sign3A_487 : i32
      %sign3A_489 = arith.extui %sign3A_488 : i1 to i32
      %sign3A_490 = arith.subi %sign3A_486, %sign3A_489 : i32
      %ne3A_491 = arith.cmpi ne, %sign3A_483, %sign3A_490 : i32
      %rem3A_492 = arith.remsi %add3A_472, %jit3A_475 : i32
      %ne3A_493 = arith.constant 0 : i32
      %ne3A_494 = arith.cmpi ne, %rem3A_492, %ne3A_493 : i32
      %and3A_495 = arith.andi %ne3A_491, %ne3A_494 : i1
      %sub3A_496 = arith.constant 1 : i32
      %sub3A_497 = arith.subi %div3A_476, %sub3A_496 : i32
      %select_n3A_498 = arith.select %and3A_495, %sub3A_497, %div3A_476 : i32
      %jit3A_499 = arith.constant 2 : i32
      %eq3A_500 = arith.constant 0 : i32
      %eq3A_501 = arith.cmpi eq, %jit3A_499, %eq3A_500 : i32
      %jit3A_502 = arith.constant 1 : i32
      %select_n3A_503 = arith.select %eq3A_501, %jit3A_502, %jit3A_499 : i32
      %rem3A_504 = arith.remsi %add3A_472, %select_n3A_503 : i32
      %ne3A_505 = arith.constant 0 : i32
      %ne3A_506 = arith.cmpi ne, %rem3A_504, %ne3A_505 : i32
      %lt3A_507 = arith.constant 0 : i32
      %lt3A_508 = arith.cmpi slt, %rem3A_504, %lt3A_507 : i32
      %lt3A_509 = arith.constant 0 : i32
      %lt3A_510 = arith.cmpi slt, %select_n3A_503, %lt3A_509 : i32
      %ne3A_511 = arith.xori %lt3A_508, %lt3A_510 : i1
      %and3A_512 = arith.andi %ne3A_511, %ne3A_506 : i1
      %add3A_513 = arith.addi %rem3A_504, %select_n3A_503 : i32
      %select_n3A_514 = arith.select %and3A_512, %add3A_513, %rem3A_504 : i32
      %mul3A_515 = arith.constant 64 : i32
      %mul3A_516 = arith.muli %select_n3A_514, %mul3A_515 : i32
      %dma_start3A_517 = arith.constant 8 : i32
      %dma_start3A_518 = arith.constant 0 : i32
      %dma_start3A_519 = arith.constant 0 : i32
      %dma_start3A_520 = tpu.memref_slice %arg6[%dma_start3A_517, %dma_start3A_518, %dma_start3A_519] : memref<12x64x128xf32, #tpu.memory_space<vmem>> -> memref<1x64x128xf32, #tpu.memory_space<vmem>>
      %dma_start3A_521 = tpu.memref_squeeze %dma_start3A_520 : memref<1x64x128xf32, #tpu.memory_space<vmem>> -> memref<64x128xf32, #tpu.memory_space<vmem>>
      %dma_start3A_522 = tpu.memref_slice %arg5[%select_n3A_498, %mul3A_516] : memref<50x128xi32, #tpu.memory_space<vmem>> -> memref<1x64xi32, #tpu.memory_space<vmem>>
      %dma_start3A_523 = tpu.memref_squeeze %dma_start3A_522 : memref<1x64xi32, #tpu.memory_space<vmem>> -> memref<64xi32, #tpu.memory_space<vmem>>
      %dma_start3A_524 = arith.constant 0 : i32
      %dma_start3A_525 = arith.constant 0 : i32
      %dma_start3A_526 = tpu.memref_slice %arg3[%dma_start3A_524, %dma_start3A_525] : memref<100000x128xf32, #tpu.memory_space<hbm>> -> memref<100000x128xf32, #tpu.memory_space<hbm>>
      tpu.enqueue_indirect_dma source(%dma_start3A_526 : memref<100000x128xf32, #tpu.memory_space<hbm>>) target(%dma_start3A_521 : memref<64x128xf32, #tpu.memory_space<vmem>>) offsets(%dma_start3A_523 : memref<64xi32, #tpu.memory_space<vmem>>) semaphore(%arg15 : memref<!tpu.dma_semaphore, #tpu.memory_space<semaphore_mem>>)
      %mul3A_527 = arith.constant 12 : i32
      %mul3A_528 = arith.muli %scan3A_366, %mul3A_527 : i32
      %add3A_529 = arith.constant 1 : i32
      %add3A_530 = arith.addi %mul3A_528, %add3A_529 : i32
      %jit3A_531 = arith.constant 2 : i32
      %div3A_532 = arith.divsi %add3A_530, %jit3A_531 : i32
      %sign3A_533 = arith.constant 0 : i32
      %sign3A_534 = arith.cmpi sgt, %add3A_530, %sign3A_533 : i32
      %sign3A_535 = arith.extui %sign3A_534 : i1 to i32
      %sign3A_536 = arith.constant 0 : i32
      %sign3A_537 = arith.cmpi slt, %add3A_530, %sign3A_536 : i32
      %sign3A_538 = arith.extui %sign3A_537 : i1 to i32
      %sign3A_539 = arith.subi %sign3A_535, %sign3A_538 : i32
      %sign3A_540 = arith.constant 0 : i32
      %sign3A_541 = arith.cmpi sgt, %jit3A_531, %sign3A_540 : i32
      %sign3A_542 = arith.extui %sign3A_541 : i1 to i32
      %sign3A_543 = arith.constant 0 : i32
      %sign3A_544 = arith.cmpi slt, %jit3A_531, %sign3A_543 : i32
      %sign3A_545 = arith.extui %sign3A_544 : i1 to i32
      %sign3A_546 = arith.subi %sign3A_542, %sign3A_545 : i32
      %ne3A_547 = arith.cmpi ne, %sign3A_539, %sign3A_546 : i32
      %rem3A_548 = arith.remsi %add3A_530, %jit3A_531 : i32
      %ne3A_549 = arith.constant 0 : i32
      %ne3A_550 = arith.cmpi ne, %rem3A_548, %ne3A_549 : i32
      %and3A_551 = arith.andi %ne3A_547, %ne3A_550 : i1
      %sub3A_552 = arith.constant 1 : i32
      %sub3A_553 = arith.subi %div3A_532, %sub3A_552 : i32
      %select_n3A_554 = arith.select %and3A_551, %sub3A_553, %div3A_532 : i32
      %jit3A_555 = arith.constant 2 : i32
      %eq3A_556 = arith.constant 0 : i32
      %eq3A_557 = arith.cmpi eq, %jit3A_555, %eq3A_556 : i32
      %jit3A_558 = arith.constant 1 : i32
      %select_n3A_559 = arith.select %eq3A_557, %jit3A_558, %jit3A_555 : i32
      %rem3A_560 = arith.remsi %add3A_530, %select_n3A_559 : i32
      %ne3A_561 = arith.constant 0 : i32
      %ne3A_562 = arith.cmpi ne, %rem3A_560, %ne3A_561 : i32
      %lt3A_563 = arith.constant 0 : i32
      %lt3A_564 = arith.cmpi slt, %rem3A_560, %lt3A_563 : i32
      %lt3A_565 = arith.constant 0 : i32
      %lt3A_566 = arith.cmpi slt, %select_n3A_559, %lt3A_565 : i32
      %ne3A_567 = arith.xori %lt3A_564, %lt3A_566 : i1
      %and3A_568 = arith.andi %ne3A_567, %ne3A_562 : i1
      %add3A_569 = arith.addi %rem3A_560, %select_n3A_559 : i32
      %select_n3A_570 = arith.select %and3A_568, %add3A_569, %rem3A_560 : i32
      %mul3A_571 = arith.constant 64 : i32
      %mul3A_572 = arith.muli %select_n3A_570, %mul3A_571 : i32
      %dma_wait3A_573 = arith.constant 1 : i32
      %dma_wait3A_574 = arith.constant 0 : i32
      %dma_wait3A_575 = arith.constant 0 : i32
      %dma_wait3A_576 = tpu.memref_slice %arg6[%dma_wait3A_573, %dma_wait3A_574, %dma_wait3A_575] : memref<12x64x128xf32, #tpu.memory_space<vmem>> -> memref<1x64x128xf32, #tpu.memory_space<vmem>>
      %dma_wait3A_577 = tpu.memref_squeeze %dma_wait3A_576 : memref<1x64x128xf32, #tpu.memory_space<vmem>> -> memref<64x128xf32, #tpu.memory_space<vmem>>
      %dma_wait3A_578 = tpu.memref_slice %arg5[%select_n3A_554, %mul3A_572] : memref<50x128xi32, #tpu.memory_space<vmem>> -> memref<1x64xi32, #tpu.memory_space<vmem>>
      %dma_wait3A_579 = tpu.memref_squeeze %dma_wait3A_578 : memref<1x64xi32, #tpu.memory_space<vmem>> -> memref<64xi32, #tpu.memory_space<vmem>>
      %dma_wait3A_580 = arith.constant 0 : i32
      %dma_wait3A_581 = arith.constant 0 : i32
      %dma_wait3A_582 = tpu.memref_slice %arg3[%dma_wait3A_580, %dma_wait3A_581] : memref<100000x128xf32, #tpu.memory_space<hbm>> -> memref<100000x128xf32, #tpu.memory_space<hbm>>
      tpu.wait_indirect_dma semaphore(%arg8 : memref<!tpu.dma_semaphore, #tpu.memory_space<semaphore_mem>>) src(%dma_wait3A_582 : memref<100000x128xf32, #tpu.memory_space<hbm>>) dst(%dma_wait3A_577 : memref<64x128xf32, #tpu.memory_space<vmem>>)
      %jit3A_583 = arith.constant 2 : i32
      %div3A_584 = arith.divsi %add3A_530, %jit3A_583 : i32
      %sign3A_585 = arith.constant 0 : i32
      %sign3A_586 = arith.cmpi sgt, %add3A_530, %sign3A_585 : i32
      %sign3A_587 = arith.extui %sign3A_586 : i1 to i32
      %sign3A_588 = arith.constant 0 : i32
      %sign3A_589 = arith.cmpi slt, %add3A_530, %sign3A_588 : i32
      %sign3A_590 = arith.extui %sign3A_589 : i1 to i32
      %sign3A_591 = arith.subi %sign3A_587, %sign3A_590 : i32
      %sign3A_592 = arith.constant 0 : i32
      %sign3A_593 = arith.cmpi sgt, %jit3A_583, %sign3A_592 : i32
      %sign3A_594 = arith.extui %sign3A_593 : i1 to i32
      %sign3A_595 = arith.constant 0 : i32
      %sign3A_596 = arith.cmpi slt, %jit3A_583, %sign3A_595 : i32
      %sign3A_597 = arith.extui %sign3A_596 : i1 to i32
      %sign3A_598 = arith.subi %sign3A_594, %sign3A_597 : i32
      %ne3A_599 = arith.cmpi ne, %sign3A_591, %sign3A_598 : i32
      %rem3A_600 = arith.remsi %add3A_530, %jit3A_583 : i32
      %ne3A_601 = arith.constant 0 : i32
      %ne3A_602 = arith.cmpi ne, %rem3A_600, %ne3A_601 : i32
      %and3A_603 = arith.andi %ne3A_599, %ne3A_602 : i1
      %sub3A_604 = arith.constant 1 : i32
      %sub3A_605 = arith.subi %div3A_584, %sub3A_604 : i32
      %select_n3A_606 = arith.select %and3A_603, %sub3A_605, %div3A_584 : i32
      %jit3A_607 = arith.constant 2 : i32
      %eq3A_608 = arith.constant 0 : i32
      %eq3A_609 = arith.cmpi eq, %jit3A_607, %eq3A_608 : i32
      %jit3A_610 = arith.constant 1 : i32
      %select_n3A_611 = arith.select %eq3A_609, %jit3A_610, %jit3A_607 : i32
      %rem3A_612 = arith.remsi %add3A_530, %select_n3A_611 : i32
      %ne3A_613 = arith.constant 0 : i32
      %ne3A_614 = arith.cmpi ne, %rem3A_612, %ne3A_613 : i32
      %lt3A_615 = arith.constant 0 : i32
      %lt3A_616 = arith.cmpi slt, %rem3A_612, %lt3A_615 : i32
      %lt3A_617 = arith.constant 0 : i32
      %lt3A_618 = arith.cmpi slt, %select_n3A_611, %lt3A_617 : i32
      %ne3A_619 = arith.xori %lt3A_616, %lt3A_618 : i1
      %and3A_620 = arith.andi %ne3A_619, %ne3A_614 : i1
      %add3A_621 = arith.addi %rem3A_612, %select_n3A_611 : i32
      %select_n3A_622 = arith.select %and3A_620, %add3A_621, %rem3A_612 : i32
      %mul3A_623 = arith.constant 64 : i32
      %mul3A_624 = arith.muli %select_n3A_622, %mul3A_623 : i32
      %add3A_625 = arith.addi %mul3A_2, %mul3A_624 : i32
      %dma_start3A_626 = arith.constant 1 : i32
      %dma_start3A_627 = arith.constant 0 : i32
      %dma_start3A_628 = arith.constant 0 : i32
      %dma_start3A_629 = tpu.memref_slice %arg6[%dma_start3A_626, %dma_start3A_627, %dma_start3A_628] : memref<12x64x128xf32, #tpu.memory_space<vmem>> -> memref<1x64x128xf32, #tpu.memory_space<vmem>>
      %dma_start3A_630 = tpu.memref_squeeze %dma_start3A_629 : memref<1x64x128xf32, #tpu.memory_space<vmem>> -> memref<64x128xf32, #tpu.memory_space<vmem>>
      %dma_start3A_631 = arith.constant 0 : i32
      %dma_start3A_632 = tpu.memref_slice %arg4[%select_n3A_606, %add3A_625, %dma_start3A_631] : memref<50x4096x128xf32, #tpu.memory_space<hbm>> -> memref<1x64x128xf32, #tpu.memory_space<hbm>>
      %dma_start3A_633 = tpu.memref_squeeze %dma_start3A_632 : memref<1x64x128xf32, #tpu.memory_space<hbm>> -> memref<64x128xf32, #tpu.memory_space<hbm>>
      %dma_start3A_634 = arith.constant 0 : i32
      %dma_start3A_635 = tpu.memref_slice %arg4[%select_n3A_606, %add3A_625, %dma_start3A_634] : memref<50x4096x128xf32, #tpu.memory_space<hbm>> -> memref<1x64x128xf32, #tpu.memory_space<hbm>>
      %dma_start3A_636 = tpu.memref_squeeze %dma_start3A_635 : memref<1x64x128xf32, #tpu.memory_space<hbm>> -> memref<64x128xf32, #tpu.memory_space<hbm>>
      %dma_start3A_637 = arith.constant 0 : i32
      %dma_start3A_638 = arith.constant 0 : i32
      %dma_start3A_639 = tpu.memref_slice %arg6[%dma_start3A_626, %dma_start3A_637, %dma_start3A_638] : memref<12x64x128xf32, #tpu.memory_space<vmem>> -> memref<1x64x128xf32, #tpu.memory_space<vmem>>
      %dma_start3A_640 = tpu.memref_squeeze %dma_start3A_639 : memref<1x64x128xf32, #tpu.memory_space<vmem>> -> memref<64x128xf32, #tpu.memory_space<vmem>>
      tpu.enqueue_dma source(%dma_start3A_640 : memref<64x128xf32, #tpu.memory_space<vmem>>) target(%dma_start3A_636 : memref<64x128xf32, #tpu.memory_space<hbm>>) target_semaphore(%arg20 : memref<!tpu.dma_semaphore, #tpu.memory_space<semaphore_mem>>)
      %add3A_641 = arith.constant 8 : i32
      %add3A_642 = arith.addi %add3A_530, %add3A_641 : i32
      %gt3A_643 = arith.constant 0 : i32
      %gt3A_644 = arith.cmpi sgt, %scan3A_366, %gt3A_643 : i32
      %convert_element_type3A_645 = arith.extui %gt3A_644 : i1 to i32
      %cond3A_646 = arith.constant 0 : i32
      %cond3A_647 = arith.cmpi ne, %convert_element_type3A_645, %cond3A_646 : i32
      scf.if %cond3A_647 {
        %sub3A_2494 = arith.constant 12 : i32
        %sub3A_2495 = arith.subi %add3A_642, %sub3A_2494 : i32
        %jit3A_2496 = arith.constant 2 : i32
        %div3A_2497 = arith.divsi %sub3A_2495, %jit3A_2496 : i32
        %sign3A_2498 = arith.constant 0 : i32
        %sign3A_2499 = arith.cmpi sgt, %sub3A_2495, %sign3A_2498 : i32
        %sign3A_2500 = arith.extui %sign3A_2499 : i1 to i32
        %sign3A_2501 = arith.constant 0 : i32
        %sign3A_2502 = arith.cmpi slt, %sub3A_2495, %sign3A_2501 : i32
        %sign3A_2503 = arith.extui %sign3A_2502 : i1 to i32
        %sign3A_2504 = arith.subi %sign3A_2500, %sign3A_2503 : i32
        %sign3A_2505 = arith.constant 0 : i32
        %sign3A_2506 = arith.cmpi sgt, %jit3A_2496, %sign3A_2505 : i32
        %sign3A_2507 = arith.extui %sign3A_2506 : i1 to i32
        %sign3A_2508 = arith.constant 0 : i32
        %sign3A_2509 = arith.cmpi slt, %jit3A_2496, %sign3A_2508 : i32
        %sign3A_2510 = arith.extui %sign3A_2509 : i1 to i32
        %sign3A_2511 = arith.subi %sign3A_2507, %sign3A_2510 : i32
        %ne3A_2512 = arith.cmpi ne, %sign3A_2504, %sign3A_2511 : i32
        %rem3A_2513 = arith.remsi %sub3A_2495, %jit3A_2496 : i32
        %ne3A_2514 = arith.constant 0 : i32
        %ne3A_2515 = arith.cmpi ne, %rem3A_2513, %ne3A_2514 : i32
        %and3A_2516 = arith.andi %ne3A_2512, %ne3A_2515 : i1
        %sub3A_2517 = arith.constant 1 : i32
        %sub3A_2518 = arith.subi %div3A_2497, %sub3A_2517 : i32
        %select_n3A_2519 = arith.select %and3A_2516, %sub3A_2518, %div3A_2497 : i32
        %jit3A_2520 = arith.constant 2 : i32
        %eq3A_2521 = arith.constant 0 : i32
        %eq3A_2522 = arith.cmpi eq, %jit3A_2520, %eq3A_2521 : i32
        %jit3A_2523 = arith.constant 1 : i32
        %select_n3A_2524 = arith.select %eq3A_2522, %jit3A_2523, %jit3A_2520 : i32
        %rem3A_2525 = arith.remsi %sub3A_2495, %select_n3A_2524 : i32
        %ne3A_2526 = arith.constant 0 : i32
        %ne3A_2527 = arith.cmpi ne, %rem3A_2525, %ne3A_2526 : i32
        %lt3A_2528 = arith.constant 0 : i32
        %lt3A_2529 = arith.cmpi slt, %rem3A_2525, %lt3A_2528 : i32
        %lt3A_2530 = arith.constant 0 : i32
        %lt3A_2531 = arith.cmpi slt, %select_n3A_2524, %lt3A_2530 : i32
        %ne3A_2532 = arith.xori %lt3A_2529, %lt3A_2531 : i1
        %and3A_2533 = arith.andi %ne3A_2532, %ne3A_2527 : i1
        %add3A_2534 = arith.addi %rem3A_2525, %select_n3A_2524 : i32
        %select_n3A_2535 = arith.select %and3A_2533, %add3A_2534, %rem3A_2525 : i32
        %mul3A_2536 = arith.constant 64 : i32
        %mul3A_2537 = arith.muli %select_n3A_2535, %mul3A_2536 : i32
        %add3A_2538 = arith.addi %mul3A_2, %mul3A_2537 : i32
        %dma_wait3A_2539 = arith.constant 9 : i32
        %dma_wait3A_2540 = arith.constant 0 : i32
        %dma_wait3A_2541 = arith.constant 0 : i32
        %dma_wait3A_2542 = tpu.memref_slice %arg6[%dma_wait3A_2539, %dma_wait3A_2540, %dma_wait3A_2541] : memref<12x64x128xf32, #tpu.memory_space<vmem>> -> memref<1x64x128xf32, #tpu.memory_space<vmem>>
        %dma_wait3A_2543 = tpu.memref_squeeze %dma_wait3A_2542 : memref<1x64x128xf32, #tpu.memory_space<vmem>> -> memref<64x128xf32, #tpu.memory_space<vmem>>
        %dma_wait3A_2544 = arith.constant 0 : i32
        %dma_wait3A_2545 = tpu.memref_slice %arg4[%select_n3A_2519, %add3A_2538, %dma_wait3A_2544] : memref<50x4096x128xf32, #tpu.memory_space<hbm>> -> memref<1x64x128xf32, #tpu.memory_space<hbm>>
        %dma_wait3A_2546 = tpu.memref_squeeze %dma_wait3A_2545 : memref<1x64x128xf32, #tpu.memory_space<hbm>> -> memref<64x128xf32, #tpu.memory_space<hbm>>
        %dma_wait3A_2547 = arith.constant 0 : i32
        %dma_wait3A_2548 = tpu.memref_slice %arg4[%select_n3A_2519, %add3A_2538, %dma_wait3A_2547] : memref<50x4096x128xf32, #tpu.memory_space<hbm>> -> memref<1x64x128xf32, #tpu.memory_space<hbm>>
        %dma_wait3A_2549 = tpu.memref_squeeze %dma_wait3A_2548 : memref<1x64x128xf32, #tpu.memory_space<hbm>> -> memref<64x128xf32, #tpu.memory_space<hbm>>
        %dma_wait3A_2550 = arith.constant 0 : i32
        %dma_wait3A_2551 = arith.constant 0 : i32
        %dma_wait3A_2552 = tpu.memref_slice %arg6[%dma_wait3A_2539, %dma_wait3A_2550, %dma_wait3A_2551] : memref<12x64x128xf32, #tpu.memory_space<vmem>> -> memref<1x64x128xf32, #tpu.memory_space<vmem>>
        %dma_wait3A_2553 = tpu.memref_squeeze %dma_wait3A_2552 : memref<1x64x128xf32, #tpu.memory_space<vmem>> -> memref<64x128xf32, #tpu.memory_space<vmem>>
        tpu.wait_dma2 semaphore(%arg28 : memref<!tpu.dma_semaphore, #tpu.memory_space<semaphore_mem>>) src(%dma_wait3A_2553 : memref<64x128xf32, #tpu.memory_space<vmem>>) dst(%dma_wait3A_2549 : memref<64x128xf32, #tpu.memory_space<hbm>>)
      } else {
      }
      %jit3A_648 = arith.constant 2 : i32
      %div3A_649 = arith.divsi %add3A_642, %jit3A_648 : i32
      %sign3A_650 = arith.constant 0 : i32
      %sign3A_651 = arith.cmpi sgt, %add3A_642, %sign3A_650 : i32
      %sign3A_652 = arith.extui %sign3A_651 : i1 to i32
      %sign3A_653 = arith.constant 0 : i32
      %sign3A_654 = arith.cmpi slt, %add3A_642, %sign3A_653 : i32
      %sign3A_655 = arith.extui %sign3A_654 : i1 to i32
      %sign3A_656 = arith.subi %sign3A_652, %sign3A_655 : i32
      %sign3A_657 = arith.constant 0 : i32
      %sign3A_658 = arith.cmpi sgt, %jit3A_648, %sign3A_657 : i32
      %sign3A_659 = arith.extui %sign3A_658 : i1 to i32
      %sign3A_660 = arith.constant 0 : i32
      %sign3A_661 = arith.cmpi slt, %jit3A_648, %sign3A_660 : i32
      %sign3A_662 = arith.extui %sign3A_661 : i1 to i32
      %sign3A_663 = arith.subi %sign3A_659, %sign3A_662 : i32
      %ne3A_664 = arith.cmpi ne, %sign3A_656, %sign3A_663 : i32
      %rem3A_665 = arith.remsi %add3A_642, %jit3A_648 : i32
      %ne3A_666 = arith.constant 0 : i32
      %ne3A_667 = arith.cmpi ne, %rem3A_665, %ne3A_666 : i32
      %and3A_668 = arith.andi %ne3A_664, %ne3A_667 : i1
      %sub3A_669 = arith.constant 1 : i32
      %sub3A_670 = arith.subi %div3A_649, %sub3A_669 : i32
      %select_n3A_671 = arith.select %and3A_668, %sub3A_670, %div3A_649 : i32
      %jit3A_672 = arith.constant 2 : i32
      %eq3A_673 = arith.constant 0 : i32
      %eq3A_674 = arith.cmpi eq, %jit3A_672, %eq3A_673 : i32
      %jit3A_675 = arith.constant 1 : i32
      %select_n3A_676 = arith.select %eq3A_674, %jit3A_675, %jit3A_672 : i32
      %rem3A_677 = arith.remsi %add3A_642, %select_n3A_676 : i32
      %ne3A_678 = arith.constant 0 : i32
      %ne3A_679 = arith.cmpi ne, %rem3A_677, %ne3A_678 : i32
      %lt3A_680 = arith.constant 0 : i32
      %lt3A_681 = arith.cmpi slt, %rem3A_677, %lt3A_680 : i32
      %lt3A_682 = arith.constant 0 : i32
      %lt3A_683 = arith.cmpi slt, %select_n3A_676, %lt3A_682 : i32
      %ne3A_684 = arith.xori %lt3A_681, %lt3A_683 : i1
      %and3A_685 = arith.andi %ne3A_684, %ne3A_679 : i1
      %add3A_686 = arith.addi %rem3A_677, %select_n3A_676 : i32
      %select_n3A_687 = arith.select %and3A_685, %add3A_686, %rem3A_677 : i32
      %mul3A_688 = arith.constant 64 : i32
      %mul3A_689 = arith.muli %select_n3A_687, %mul3A_688 : i32
      %dma_start3A_690 = arith.constant 9 : i32
      %dma_start3A_691 = arith.constant 0 : i32
      %dma_start3A_692 = arith.constant 0 : i32
      %dma_start3A_693 = tpu.memref_slice %arg6[%dma_start3A_690, %dma_start3A_691, %dma_start3A_692] : memref<12x64x128xf32, #tpu.memory_space<vmem>> -> memref<1x64x128xf32, #tpu.memory_space<vmem>>
      %dma_start3A_694 = tpu.memref_squeeze %dma_start3A_693 : memref<1x64x128xf32, #tpu.memory_space<vmem>> -> memref<64x128xf32, #tpu.memory_space<vmem>>
      %dma_start3A_695 = tpu.memref_slice %arg5[%select_n3A_671, %mul3A_689] : memref<50x128xi32, #tpu.memory_space<vmem>> -> memref<1x64xi32, #tpu.memory_space<vmem>>
      %dma_start3A_696 = tpu.memref_squeeze %dma_start3A_695 : memref<1x64xi32, #tpu.memory_space<vmem>> -> memref<64xi32, #tpu.memory_space<vmem>>
      %dma_start3A_697 = arith.constant 0 : i32
      %dma_start3A_698 = arith.constant 0 : i32
      %dma_start3A_699 = tpu.memref_slice %arg3[%dma_start3A_697, %dma_start3A_698] : memref<100000x128xf32, #tpu.memory_space<hbm>> -> memref<100000x128xf32, #tpu.memory_space<hbm>>
      tpu.enqueue_indirect_dma source(%dma_start3A_699 : memref<100000x128xf32, #tpu.memory_space<hbm>>) target(%dma_start3A_694 : memref<64x128xf32, #tpu.memory_space<vmem>>) offsets(%dma_start3A_696 : memref<64xi32, #tpu.memory_space<vmem>>) semaphore(%arg16 : memref<!tpu.dma_semaphore, #tpu.memory_space<semaphore_mem>>)
      %mul3A_700 = arith.constant 12 : i32
      %mul3A_701 = arith.muli %scan3A_366, %mul3A_700 : i32
      %add3A_702 = arith.constant 2 : i32
      %add3A_703 = arith.addi %mul3A_701, %add3A_702 : i32
      %jit3A_704 = arith.constant 2 : i32
      %div3A_705 = arith.divsi %add3A_703, %jit3A_704 : i32
      %sign3A_706 = arith.constant 0 : i32
      %sign3A_707 = arith.cmpi sgt, %add3A_703, %sign3A_706 : i32
      %sign3A_708 = arith.extui %sign3A_707 : i1 to i32
      %sign3A_709 = arith.constant 0 : i32
      %sign3A_710 = arith.cmpi slt, %add3A_703, %sign3A_709 : i32
      %sign3A_711 = arith.extui %sign3A_710 : i1 to i32
      %sign3A_712 = arith.subi %sign3A_708, %sign3A_711 : i32
      %sign3A_713 = arith.constant 0 : i32
      %sign3A_714 = arith.cmpi sgt, %jit3A_704, %sign3A_713 : i32
      %sign3A_715 = arith.extui %sign3A_714 : i1 to i32
      %sign3A_716 = arith.constant 0 : i32
      %sign3A_717 = arith.cmpi slt, %jit3A_704, %sign3A_716 : i32
      %sign3A_718 = arith.extui %sign3A_717 : i1 to i32
      %sign3A_719 = arith.subi %sign3A_715, %sign3A_718 : i32
      %ne3A_720 = arith.cmpi ne, %sign3A_712, %sign3A_719 : i32
      %rem3A_721 = arith.remsi %add3A_703, %jit3A_704 : i32
      %ne3A_722 = arith.constant 0 : i32
      %ne3A_723 = arith.cmpi ne, %rem3A_721, %ne3A_722 : i32
      %and3A_724 = arith.andi %ne3A_720, %ne3A_723 : i1
      %sub3A_725 = arith.constant 1 : i32
      %sub3A_726 = arith.subi %div3A_705, %sub3A_725 : i32
      %select_n3A_727 = arith.select %and3A_724, %sub3A_726, %div3A_705 : i32
      %jit3A_728 = arith.constant 2 : i32
      %eq3A_729 = arith.constant 0 : i32
      %eq3A_730 = arith.cmpi eq, %jit3A_728, %eq3A_729 : i32
      %jit3A_731 = arith.constant 1 : i32
      %select_n3A_732 = arith.select %eq3A_730, %jit3A_731, %jit3A_728 : i32
      %rem3A_733 = arith.remsi %add3A_703, %select_n3A_732 : i32
      %ne3A_734 = arith.constant 0 : i32
      %ne3A_735 = arith.cmpi ne, %rem3A_733, %ne3A_734 : i32
      %lt3A_736 = arith.constant 0 : i32
      %lt3A_737 = arith.cmpi slt, %rem3A_733, %lt3A_736 : i32
      %lt3A_738 = arith.constant 0 : i32
      %lt3A_739 = arith.cmpi slt, %select_n3A_732, %lt3A_738 : i32
      %ne3A_740 = arith.xori %lt3A_737, %lt3A_739 : i1
      %and3A_741 = arith.andi %ne3A_740, %ne3A_735 : i1
      %add3A_742 = arith.addi %rem3A_733, %select_n3A_732 : i32
      %select_n3A_743 = arith.select %and3A_741, %add3A_742, %rem3A_733 : i32
      %mul3A_744 = arith.constant 64 : i32
      %mul3A_745 = arith.muli %select_n3A_743, %mul3A_744 : i32
      %dma_wait3A_746 = arith.constant 2 : i32
      %dma_wait3A_747 = arith.constant 0 : i32
      %dma_wait3A_748 = arith.constant 0 : i32
      %dma_wait3A_749 = tpu.memref_slice %arg6[%dma_wait3A_746, %dma_wait3A_747, %dma_wait3A_748] : memref<12x64x128xf32, #tpu.memory_space<vmem>> -> memref<1x64x128xf32, #tpu.memory_space<vmem>>
      %dma_wait3A_750 = tpu.memref_squeeze %dma_wait3A_749 : memref<1x64x128xf32, #tpu.memory_space<vmem>> -> memref<64x128xf32, #tpu.memory_space<vmem>>
      %dma_wait3A_751 = tpu.memref_slice %arg5[%select_n3A_727, %mul3A_745] : memref<50x128xi32, #tpu.memory_space<vmem>> -> memref<1x64xi32, #tpu.memory_space<vmem>>
      %dma_wait3A_752 = tpu.memref_squeeze %dma_wait3A_751 : memref<1x64xi32, #tpu.memory_space<vmem>> -> memref<64xi32, #tpu.memory_space<vmem>>
      %dma_wait3A_753 = arith.constant 0 : i32
      %dma_wait3A_754 = arith.constant 0 : i32
      %dma_wait3A_755 = tpu.memref_slice %arg3[%dma_wait3A_753, %dma_wait3A_754] : memref<100000x128xf32, #tpu.memory_space<hbm>> -> memref<100000x128xf32, #tpu.memory_space<hbm>>
      tpu.wait_indirect_dma semaphore(%arg9 : memref<!tpu.dma_semaphore, #tpu.memory_space<semaphore_mem>>) src(%dma_wait3A_755 : memref<100000x128xf32, #tpu.memory_space<hbm>>) dst(%dma_wait3A_750 : memref<64x128xf32, #tpu.memory_space<vmem>>)
      %jit3A_756 = arith.constant 2 : i32
      %div3A_757 = arith.divsi %add3A_703, %jit3A_756 : i32
      %sign3A_758 = arith.constant 0 : i32
      %sign3A_759 = arith.cmpi sgt, %add3A_703, %sign3A_758 : i32
      %sign3A_760 = arith.extui %sign3A_759 : i1 to i32
      %sign3A_761 = arith.constant 0 : i32
      %sign3A_762 = arith.cmpi slt, %add3A_703, %sign3A_761 : i32
      %sign3A_763 = arith.extui %sign3A_762 : i1 to i32
      %sign3A_764 = arith.subi %sign3A_760, %sign3A_763 : i32
      %sign3A_765 = arith.constant 0 : i32
      %sign3A_766 = arith.cmpi sgt, %jit3A_756, %sign3A_765 : i32
      %sign3A_767 = arith.extui %sign3A_766 : i1 to i32
      %sign3A_768 = arith.constant 0 : i32
      %sign3A_769 = arith.cmpi slt, %jit3A_756, %sign3A_768 : i32
      %sign3A_770 = arith.extui %sign3A_769 : i1 to i32
      %sign3A_771 = arith.subi %sign3A_767, %sign3A_770 : i32
      %ne3A_772 = arith.cmpi ne, %sign3A_764, %sign3A_771 : i32
      %rem3A_773 = arith.remsi %add3A_703, %jit3A_756 : i32
      %ne3A_774 = arith.constant 0 : i32
      %ne3A_775 = arith.cmpi ne, %rem3A_773, %ne3A_774 : i32
      %and3A_776 = arith.andi %ne3A_772, %ne3A_775 : i1
      %sub3A_777 = arith.constant 1 : i32
      %sub3A_778 = arith.subi %div3A_757, %sub3A_777 : i32
      %select_n3A_779 = arith.select %and3A_776, %sub3A_778, %div3A_757 : i32
      %jit3A_780 = arith.constant 2 : i32
      %eq3A_781 = arith.constant 0 : i32
      %eq3A_782 = arith.cmpi eq, %jit3A_780, %eq3A_781 : i32
      %jit3A_783 = arith.constant 1 : i32
      %select_n3A_784 = arith.select %eq3A_782, %jit3A_783, %jit3A_780 : i32
      %rem3A_785 = arith.remsi %add3A_703, %select_n3A_784 : i32
      %ne3A_786 = arith.constant 0 : i32
      %ne3A_787 = arith.cmpi ne, %rem3A_785, %ne3A_786 : i32
      %lt3A_788 = arith.constant 0 : i32
      %lt3A_789 = arith.cmpi slt, %rem3A_785, %lt3A_788 : i32
      %lt3A_790 = arith.constant 0 : i32
      %lt3A_791 = arith.cmpi slt, %select_n3A_784, %lt3A_790 : i32
      %ne3A_792 = arith.xori %lt3A_789, %lt3A_791 : i1
      %and3A_793 = arith.andi %ne3A_792, %ne3A_787 : i1
      %add3A_794 = arith.addi %rem3A_785, %select_n3A_784 : i32
      %select_n3A_795 = arith.select %and3A_793, %add3A_794, %rem3A_785 : i32
      %mul3A_796 = arith.constant 64 : i32
      %mul3A_797 = arith.muli %select_n3A_795, %mul3A_796 : i32
      %add3A_798 = arith.addi %mul3A_2, %mul3A_797 : i32
      %dma_start3A_799 = arith.constant 2 : i32
      %dma_start3A_800 = arith.constant 0 : i32
      %dma_start3A_801 = arith.constant 0 : i32
      %dma_start3A_802 = tpu.memref_slice %arg6[%dma_start3A_799, %dma_start3A_800, %dma_start3A_801] : memref<12x64x128xf32, #tpu.memory_space<vmem>> -> memref<1x64x128xf32, #tpu.memory_space<vmem>>
      %dma_start3A_803 = tpu.memref_squeeze %dma_start3A_802 : memref<1x64x128xf32, #tpu.memory_space<vmem>> -> memref<64x128xf32, #tpu.memory_space<vmem>>
      %dma_start3A_804 = arith.constant 0 : i32
      %dma_start3A_805 = tpu.memref_slice %arg4[%select_n3A_779, %add3A_798, %dma_start3A_804] : memref<50x4096x128xf32, #tpu.memory_space<hbm>> -> memref<1x64x128xf32, #tpu.memory_space<hbm>>
      %dma_start3A_806 = tpu.memref_squeeze %dma_start3A_805 : memref<1x64x128xf32, #tpu.memory_space<hbm>> -> memref<64x128xf32, #tpu.memory_space<hbm>>
      %dma_start3A_807 = arith.constant 0 : i32
      %dma_start3A_808 = tpu.memref_slice %arg4[%select_n3A_779, %add3A_798, %dma_start3A_807] : memref<50x4096x128xf32, #tpu.memory_space<hbm>> -> memref<1x64x128xf32, #tpu.memory_space<hbm>>
      %dma_start3A_809 = tpu.memref_squeeze %dma_start3A_808 : memref<1x64x128xf32, #tpu.memory_space<hbm>> -> memref<64x128xf32, #tpu.memory_space<hbm>>
      %dma_start3A_810 = arith.constant 0 : i32
      %dma_start3A_811 = arith.constant 0 : i32
      %dma_start3A_812 = tpu.memref_slice %arg6[%dma_start3A_799, %dma_start3A_810, %dma_start3A_811] : memref<12x64x128xf32, #tpu.memory_space<vmem>> -> memref<1x64x128xf32, #tpu.memory_space<vmem>>
      %dma_start3A_813 = tpu.memref_squeeze %dma_start3A_812 : memref<1x64x128xf32, #tpu.memory_space<vmem>> -> memref<64x128xf32, #tpu.memory_space<vmem>>
      tpu.enqueue_dma source(%dma_start3A_813 : memref<64x128xf32, #tpu.memory_space<vmem>>) target(%dma_start3A_809 : memref<64x128xf32, #tpu.memory_space<hbm>>) target_semaphore(%arg21 : memref<!tpu.dma_semaphore, #tpu.memory_space<semaphore_mem>>)
      %add3A_814 = arith.constant 8 : i32
      %add3A_815 = arith.addi %add3A_703, %add3A_814 : i32
      %gt3A_816 = arith.constant 0 : i32
      %gt3A_817 = arith.cmpi sgt, %scan3A_366, %gt3A_816 : i32
      %convert_element_type3A_818 = arith.extui %gt3A_817 : i1 to i32
      %cond3A_819 = arith.constant 0 : i32
      %cond3A_820 = arith.cmpi ne, %convert_element_type3A_818, %cond3A_819 : i32
      scf.if %cond3A_820 {
        %sub3A_2494 = arith.constant 12 : i32
        %sub3A_2495 = arith.subi %add3A_815, %sub3A_2494 : i32
        %jit3A_2496 = arith.constant 2 : i32
        %div3A_2497 = arith.divsi %sub3A_2495, %jit3A_2496 : i32
        %sign3A_2498 = arith.constant 0 : i32
        %sign3A_2499 = arith.cmpi sgt, %sub3A_2495, %sign3A_2498 : i32
        %sign3A_2500 = arith.extui %sign3A_2499 : i1 to i32
        %sign3A_2501 = arith.constant 0 : i32
        %sign3A_2502 = arith.cmpi slt, %sub3A_2495, %sign3A_2501 : i32
        %sign3A_2503 = arith.extui %sign3A_2502 : i1 to i32
        %sign3A_2504 = arith.subi %sign3A_2500, %sign3A_2503 : i32
        %sign3A_2505 = arith.constant 0 : i32
        %sign3A_2506 = arith.cmpi sgt, %jit3A_2496, %sign3A_2505 : i32
        %sign3A_2507 = arith.extui %sign3A_2506 : i1 to i32
        %sign3A_2508 = arith.constant 0 : i32
        %sign3A_2509 = arith.cmpi slt, %jit3A_2496, %sign3A_2508 : i32
        %sign3A_2510 = arith.extui %sign3A_2509 : i1 to i32
        %sign3A_2511 = arith.subi %sign3A_2507, %sign3A_2510 : i32
        %ne3A_2512 = arith.cmpi ne, %sign3A_2504, %sign3A_2511 : i32
        %rem3A_2513 = arith.remsi %sub3A_2495, %jit3A_2496 : i32
        %ne3A_2514 = arith.constant 0 : i32
        %ne3A_2515 = arith.cmpi ne, %rem3A_2513, %ne3A_2514 : i32
        %and3A_2516 = arith.andi %ne3A_2512, %ne3A_2515 : i1
        %sub3A_2517 = arith.constant 1 : i32
        %sub3A_2518 = arith.subi %div3A_2497, %sub3A_2517 : i32
        %select_n3A_2519 = arith.select %and3A_2516, %sub3A_2518, %div3A_2497 : i32
        %jit3A_2520 = arith.constant 2 : i32
        %eq3A_2521 = arith.constant 0 : i32
        %eq3A_2522 = arith.cmpi eq, %jit3A_2520, %eq3A_2521 : i32
        %jit3A_2523 = arith.constant 1 : i32
        %select_n3A_2524 = arith.select %eq3A_2522, %jit3A_2523, %jit3A_2520 : i32
        %rem3A_2525 = arith.remsi %sub3A_2495, %select_n3A_2524 : i32
        %ne3A_2526 = arith.constant 0 : i32
        %ne3A_2527 = arith.cmpi ne, %rem3A_2525, %ne3A_2526 : i32
        %lt3A_2528 = arith.constant 0 : i32
        %lt3A_2529 = arith.cmpi slt, %rem3A_2525, %lt3A_2528 : i32
        %lt3A_2530 = arith.constant 0 : i32
        %lt3A_2531 = arith.cmpi slt, %select_n3A_2524, %lt3A_2530 : i32
        %ne3A_2532 = arith.xori %lt3A_2529, %lt3A_2531 : i1
        %and3A_2533 = arith.andi %ne3A_2532, %ne3A_2527 : i1
        %add3A_2534 = arith.addi %rem3A_2525, %select_n3A_2524 : i32
        %select_n3A_2535 = arith.select %and3A_2533, %add3A_2534, %rem3A_2525 : i32
        %mul3A_2536 = arith.constant 64 : i32
        %mul3A_2537 = arith.muli %select_n3A_2535, %mul3A_2536 : i32
        %add3A_2538 = arith.addi %mul3A_2, %mul3A_2537 : i32
        %dma_wait3A_2539 = arith.constant 10 : i32
        %dma_wait3A_2540 = arith.constant 0 : i32
        %dma_wait3A_2541 = arith.constant 0 : i32
        %dma_wait3A_2542 = tpu.memref_slice %arg6[%dma_wait3A_2539, %dma_wait3A_2540, %dma_wait3A_2541] : memref<12x64x128xf32, #tpu.memory_space<vmem>> -> memref<1x64x128xf32, #tpu.memory_space<vmem>>
        %dma_wait3A_2543 = tpu.memref_squeeze %dma_wait3A_2542 : memref<1x64x128xf32, #tpu.memory_space<vmem>> -> memref<64x128xf32, #tpu.memory_space<vmem>>
        %dma_wait3A_2544 = arith.constant 0 : i32
        %dma_wait3A_2545 = tpu.memref_slice %arg4[%select_n3A_2519, %add3A_2538, %dma_wait3A_2544] : memref<50x4096x128xf32, #tpu.memory_space<hbm>> -> memref<1x64x128xf32, #tpu.memory_space<hbm>>
        %dma_wait3A_2546 = tpu.memref_squeeze %dma_wait3A_2545 : memref<1x64x128xf32, #tpu.memory_space<hbm>> -> memref<64x128xf32, #tpu.memory_space<hbm>>
        %dma_wait3A_2547 = arith.constant 0 : i32
        %dma_wait3A_2548 = tpu.memref_slice %arg4[%select_n3A_2519, %add3A_2538, %dma_wait3A_2547] : memref<50x4096x128xf32, #tpu.memory_space<hbm>> -> memref<1x64x128xf32, #tpu.memory_space<hbm>>
        %dma_wait3A_2549 = tpu.memref_squeeze %dma_wait3A_2548 : memref<1x64x128xf32, #tpu.memory_space<hbm>> -> memref<64x128xf32, #tpu.memory_space<hbm>>
        %dma_wait3A_2550 = arith.constant 0 : i32
        %dma_wait3A_2551 = arith.constant 0 : i32
        %dma_wait3A_2552 = tpu.memref_slice %arg6[%dma_wait3A_2539, %dma_wait3A_2550, %dma_wait3A_2551] : memref<12x64x128xf32, #tpu.memory_space<vmem>> -> memref<1x64x128xf32, #tpu.memory_space<vmem>>
        %dma_wait3A_2553 = tpu.memref_squeeze %dma_wait3A_2552 : memref<1x64x128xf32, #tpu.memory_space<vmem>> -> memref<64x128xf32, #tpu.memory_space<vmem>>
        tpu.wait_dma2 semaphore(%arg29 : memref<!tpu.dma_semaphore, #tpu.memory_space<semaphore_mem>>) src(%dma_wait3A_2553 : memref<64x128xf32, #tpu.memory_space<vmem>>) dst(%dma_wait3A_2549 : memref<64x128xf32, #tpu.memory_space<hbm>>)
      } else {
      }
      %jit3A_821 = arith.constant 2 : i32
      %div3A_822 = arith.divsi %add3A_815, %jit3A_821 : i32
      %sign3A_823 = arith.constant 0 : i32
      %sign3A_824 = arith.cmpi sgt, %add3A_815, %sign3A_823 : i32
      %sign3A_825 = arith.extui %sign3A_824 : i1 to i32
      %sign3A_826 = arith.constant 0 : i32
      %sign3A_827 = arith.cmpi slt, %add3A_815, %sign3A_826 : i32
      %sign3A_828 = arith.extui %sign3A_827 : i1 to i32
      %sign3A_829 = arith.subi %sign3A_825, %sign3A_828 : i32
      %sign3A_830 = arith.constant 0 : i32
      %sign3A_831 = arith.cmpi sgt, %jit3A_821, %sign3A_830 : i32
      %sign3A_832 = arith.extui %sign3A_831 : i1 to i32
      %sign3A_833 = arith.constant 0 : i32
      %sign3A_834 = arith.cmpi slt, %jit3A_821, %sign3A_833 : i32
      %sign3A_835 = arith.extui %sign3A_834 : i1 to i32
      %sign3A_836 = arith.subi %sign3A_832, %sign3A_835 : i32
      %ne3A_837 = arith.cmpi ne, %sign3A_829, %sign3A_836 : i32
      %rem3A_838 = arith.remsi %add3A_815, %jit3A_821 : i32
      %ne3A_839 = arith.constant 0 : i32
      %ne3A_840 = arith.cmpi ne, %rem3A_838, %ne3A_839 : i32
      %and3A_841 = arith.andi %ne3A_837, %ne3A_840 : i1
      %sub3A_842 = arith.constant 1 : i32
      %sub3A_843 = arith.subi %div3A_822, %sub3A_842 : i32
      %select_n3A_844 = arith.select %and3A_841, %sub3A_843, %div3A_822 : i32
      %jit3A_845 = arith.constant 2 : i32
      %eq3A_846 = arith.constant 0 : i32
      %eq3A_847 = arith.cmpi eq, %jit3A_845, %eq3A_846 : i32
      %jit3A_848 = arith.constant 1 : i32
      %select_n3A_849 = arith.select %eq3A_847, %jit3A_848, %jit3A_845 : i32
      %rem3A_850 = arith.remsi %add3A_815, %select_n3A_849 : i32
      %ne3A_851 = arith.constant 0 : i32
      %ne3A_852 = arith.cmpi ne, %rem3A_850, %ne3A_851 : i32
      %lt3A_853 = arith.constant 0 : i32
      %lt3A_854 = arith.cmpi slt, %rem3A_850, %lt3A_853 : i32
      %lt3A_855 = arith.constant 0 : i32
      %lt3A_856 = arith.cmpi slt, %select_n3A_849, %lt3A_855 : i32
      %ne3A_857 = arith.xori %lt3A_854, %lt3A_856 : i1
      %and3A_858 = arith.andi %ne3A_857, %ne3A_852 : i1
      %add3A_859 = arith.addi %rem3A_850, %select_n3A_849 : i32
      %select_n3A_860 = arith.select %and3A_858, %add3A_859, %rem3A_850 : i32
      %mul3A_861 = arith.constant 64 : i32
      %mul3A_862 = arith.muli %select_n3A_860, %mul3A_861 : i32
      %dma_start3A_863 = arith.constant 10 : i32
      %dma_start3A_864 = arith.constant 0 : i32
      %dma_start3A_865 = arith.constant 0 : i32
      %dma_start3A_866 = tpu.memref_slice %arg6[%dma_start3A_863, %dma_start3A_864, %dma_start3A_865] : memref<12x64x128xf32, #tpu.memory_space<vmem>> -> memref<1x64x128xf32, #tpu.memory_space<vmem>>
      %dma_start3A_867 = tpu.memref_squeeze %dma_start3A_866 : memref<1x64x128xf32, #tpu.memory_space<vmem>> -> memref<64x128xf32, #tpu.memory_space<vmem>>
      %dma_start3A_868 = tpu.memref_slice %arg5[%select_n3A_844, %mul3A_862] : memref<50x128xi32, #tpu.memory_space<vmem>> -> memref<1x64xi32, #tpu.memory_space<vmem>>
      %dma_start3A_869 = tpu.memref_squeeze %dma_start3A_868 : memref<1x64xi32, #tpu.memory_space<vmem>> -> memref<64xi32, #tpu.memory_space<vmem>>
      %dma_start3A_870 = arith.constant 0 : i32
      %dma_start3A_871 = arith.constant 0 : i32
      %dma_start3A_872 = tpu.memref_slice %arg3[%dma_start3A_870, %dma_start3A_871] : memref<100000x128xf32, #tpu.memory_space<hbm>> -> memref<100000x128xf32, #tpu.memory_space<hbm>>
      tpu.enqueue_indirect_dma source(%dma_start3A_872 : memref<100000x128xf32, #tpu.memory_space<hbm>>) target(%dma_start3A_867 : memref<64x128xf32, #tpu.memory_space<vmem>>) offsets(%dma_start3A_869 : memref<64xi32, #tpu.memory_space<vmem>>) semaphore(%arg17 : memref<!tpu.dma_semaphore, #tpu.memory_space<semaphore_mem>>)
      %mul3A_873 = arith.constant 12 : i32
      %mul3A_874 = arith.muli %scan3A_366, %mul3A_873 : i32
      %add3A_875 = arith.constant 3 : i32
      %add3A_876 = arith.addi %mul3A_874, %add3A_875 : i32
      %jit3A_877 = arith.constant 2 : i32
      %div3A_878 = arith.divsi %add3A_876, %jit3A_877 : i32
      %sign3A_879 = arith.constant 0 : i32
      %sign3A_880 = arith.cmpi sgt, %add3A_876, %sign3A_879 : i32
      %sign3A_881 = arith.extui %sign3A_880 : i1 to i32
      %sign3A_882 = arith.constant 0 : i32
      %sign3A_883 = arith.cmpi slt, %add3A_876, %sign3A_882 : i32
      %sign3A_884 = arith.extui %sign3A_883 : i1 to i32
      %sign3A_885 = arith.subi %sign3A_881, %sign3A_884 : i32
      %sign3A_886 = arith.constant 0 : i32
      %sign3A_887 = arith.cmpi sgt, %jit3A_877, %sign3A_886 : i32
      %sign3A_888 = arith.extui %sign3A_887 : i1 to i32
      %sign3A_889 = arith.constant 0 : i32
      %sign3A_890 = arith.cmpi slt, %jit3A_877, %sign3A_889 : i32
      %sign3A_891 = arith.extui %sign3A_890 : i1 to i32
      %sign3A_892 = arith.subi %sign3A_888, %sign3A_891 : i32
      %ne3A_893 = arith.cmpi ne, %sign3A_885, %sign3A_892 : i32
      %rem3A_894 = arith.remsi %add3A_876, %jit3A_877 : i32
      %ne3A_895 = arith.constant 0 : i32
      %ne3A_896 = arith.cmpi ne, %rem3A_894, %ne3A_895 : i32
      %and3A_897 = arith.andi %ne3A_893, %ne3A_896 : i1
      %sub3A_898 = arith.constant 1 : i32
      %sub3A_899 = arith.subi %div3A_878, %sub3A_898 : i32
      %select_n3A_900 = arith.select %and3A_897, %sub3A_899, %div3A_878 : i32
      %jit3A_901 = arith.constant 2 : i32
      %eq3A_902 = arith.constant 0 : i32
      %eq3A_903 = arith.cmpi eq, %jit3A_901, %eq3A_902 : i32
      %jit3A_904 = arith.constant 1 : i32
      %select_n3A_905 = arith.select %eq3A_903, %jit3A_904, %jit3A_901 : i32
      %rem3A_906 = arith.remsi %add3A_876, %select_n3A_905 : i32
      %ne3A_907 = arith.constant 0 : i32
      %ne3A_908 = arith.cmpi ne, %rem3A_906, %ne3A_907 : i32
      %lt3A_909 = arith.constant 0 : i32
      %lt3A_910 = arith.cmpi slt, %rem3A_906, %lt3A_909 : i32
      %lt3A_911 = arith.constant 0 : i32
      %lt3A_912 = arith.cmpi slt, %select_n3A_905, %lt3A_911 : i32
      %ne3A_913 = arith.xori %lt3A_910, %lt3A_912 : i1
      %and3A_914 = arith.andi %ne3A_913, %ne3A_908 : i1
      %add3A_915 = arith.addi %rem3A_906, %select_n3A_905 : i32
      %select_n3A_916 = arith.select %and3A_914, %add3A_915, %rem3A_906 : i32
      %mul3A_917 = arith.constant 64 : i32
      %mul3A_918 = arith.muli %select_n3A_916, %mul3A_917 : i32
      %dma_wait3A_919 = arith.constant 3 : i32
      %dma_wait3A_920 = arith.constant 0 : i32
      %dma_wait3A_921 = arith.constant 0 : i32
      %dma_wait3A_922 = tpu.memref_slice %arg6[%dma_wait3A_919, %dma_wait3A_920, %dma_wait3A_921] : memref<12x64x128xf32, #tpu.memory_space<vmem>> -> memref<1x64x128xf32, #tpu.memory_space<vmem>>
      %dma_wait3A_923 = tpu.memref_squeeze %dma_wait3A_922 : memref<1x64x128xf32, #tpu.memory_space<vmem>> -> memref<64x128xf32, #tpu.memory_space<vmem>>
      %dma_wait3A_924 = tpu.memref_slice %arg5[%select_n3A_900, %mul3A_918] : memref<50x128xi32, #tpu.memory_space<vmem>> -> memref<1x64xi32, #tpu.memory_space<vmem>>
      %dma_wait3A_925 = tpu.memref_squeeze %dma_wait3A_924 : memref<1x64xi32, #tpu.memory_space<vmem>> -> memref<64xi32, #tpu.memory_space<vmem>>
      %dma_wait3A_926 = arith.constant 0 : i32
      %dma_wait3A_927 = arith.constant 0 : i32
      %dma_wait3A_928 = tpu.memref_slice %arg3[%dma_wait3A_926, %dma_wait3A_927] : memref<100000x128xf32, #tpu.memory_space<hbm>> -> memref<100000x128xf32, #tpu.memory_space<hbm>>
      tpu.wait_indirect_dma semaphore(%arg10 : memref<!tpu.dma_semaphore, #tpu.memory_space<semaphore_mem>>) src(%dma_wait3A_928 : memref<100000x128xf32, #tpu.memory_space<hbm>>) dst(%dma_wait3A_923 : memref<64x128xf32, #tpu.memory_space<vmem>>)
      %jit3A_929 = arith.constant 2 : i32
      %div3A_930 = arith.divsi %add3A_876, %jit3A_929 : i32
      %sign3A_931 = arith.constant 0 : i32
      %sign3A_932 = arith.cmpi sgt, %add3A_876, %sign3A_931 : i32
      %sign3A_933 = arith.extui %sign3A_932 : i1 to i32
      %sign3A_934 = arith.constant 0 : i32
      %sign3A_935 = arith.cmpi slt, %add3A_876, %sign3A_934 : i32
      %sign3A_936 = arith.extui %sign3A_935 : i1 to i32
      %sign3A_937 = arith.subi %sign3A_933, %sign3A_936 : i32
      %sign3A_938 = arith.constant 0 : i32
      %sign3A_939 = arith.cmpi sgt, %jit3A_929, %sign3A_938 : i32
      %sign3A_940 = arith.extui %sign3A_939 : i1 to i32
      %sign3A_941 = arith.constant 0 : i32
      %sign3A_942 = arith.cmpi slt, %jit3A_929, %sign3A_941 : i32
      %sign3A_943 = arith.extui %sign3A_942 : i1 to i32
      %sign3A_944 = arith.subi %sign3A_940, %sign3A_943 : i32
      %ne3A_945 = arith.cmpi ne, %sign3A_937, %sign3A_944 : i32
      %rem3A_946 = arith.remsi %add3A_876, %jit3A_929 : i32
      %ne3A_947 = arith.constant 0 : i32
      %ne3A_948 = arith.cmpi ne, %rem3A_946, %ne3A_947 : i32
      %and3A_949 = arith.andi %ne3A_945, %ne3A_948 : i1
      %sub3A_950 = arith.constant 1 : i32
      %sub3A_951 = arith.subi %div3A_930, %sub3A_950 : i32
      %select_n3A_952 = arith.select %and3A_949, %sub3A_951, %div3A_930 : i32
      %jit3A_953 = arith.constant 2 : i32
      %eq3A_954 = arith.constant 0 : i32
      %eq3A_955 = arith.cmpi eq, %jit3A_953, %eq3A_954 : i32
      %jit3A_956 = arith.constant 1 : i32
      %select_n3A_957 = arith.select %eq3A_955, %jit3A_956, %jit3A_953 : i32
      %rem3A_958 = arith.remsi %add3A_876, %select_n3A_957 : i32
      %ne3A_959 = arith.constant 0 : i32
      %ne3A_960 = arith.cmpi ne, %rem3A_958, %ne3A_959 : i32
      %lt3A_961 = arith.constant 0 : i32
      %lt3A_962 = arith.cmpi slt, %rem3A_958, %lt3A_961 : i32
      %lt3A_963 = arith.constant 0 : i32
      %lt3A_964 = arith.cmpi slt, %select_n3A_957, %lt3A_963 : i32
      %ne3A_965 = arith.xori %lt3A_962, %lt3A_964 : i1
      %and3A_966 = arith.andi %ne3A_965, %ne3A_960 : i1
      %add3A_967 = arith.addi %rem3A_958, %select_n3A_957 : i32
      %select_n3A_968 = arith.select %and3A_966, %add3A_967, %rem3A_958 : i32
      %mul3A_969 = arith.constant 64 : i32
      %mul3A_970 = arith.muli %select_n3A_968, %mul3A_969 : i32
      %add3A_971 = arith.addi %mul3A_2, %mul3A_970 : i32
      %dma_start3A_972 = arith.constant 3 : i32
      %dma_start3A_973 = arith.constant 0 : i32
      %dma_start3A_974 = arith.constant 0 : i32
      %dma_start3A_975 = tpu.memref_slice %arg6[%dma_start3A_972, %dma_start3A_973, %dma_start3A_974] : memref<12x64x128xf32, #tpu.memory_space<vmem>> -> memref<1x64x128xf32, #tpu.memory_space<vmem>>
      %dma_start3A_976 = tpu.memref_squeeze %dma_start3A_975 : memref<1x64x128xf32, #tpu.memory_space<vmem>> -> memref<64x128xf32, #tpu.memory_space<vmem>>
      %dma_start3A_977 = arith.constant 0 : i32
      %dma_start3A_978 = tpu.memref_slice %arg4[%select_n3A_952, %add3A_971, %dma_start3A_977] : memref<50x4096x128xf32, #tpu.memory_space<hbm>> -> memref<1x64x128xf32, #tpu.memory_space<hbm>>
      %dma_start3A_979 = tpu.memref_squeeze %dma_start3A_978 : memref<1x64x128xf32, #tpu.memory_space<hbm>> -> memref<64x128xf32, #tpu.memory_space<hbm>>
      %dma_start3A_980 = arith.constant 0 : i32
      %dma_start3A_981 = tpu.memref_slice %arg4[%select_n3A_952, %add3A_971, %dma_start3A_980] : memref<50x4096x128xf32, #tpu.memory_space<hbm>> -> memref<1x64x128xf32, #tpu.memory_space<hbm>>
      %dma_start3A_982 = tpu.memref_squeeze %dma_start3A_981 : memref<1x64x128xf32, #tpu.memory_space<hbm>> -> memref<64x128xf32, #tpu.memory_space<hbm>>
      %dma_start3A_983 = arith.constant 0 : i32
      %dma_start3A_984 = arith.constant 0 : i32
      %dma_start3A_985 = tpu.memref_slice %arg6[%dma_start3A_972, %dma_start3A_983, %dma_start3A_984] : memref<12x64x128xf32, #tpu.memory_space<vmem>> -> memref<1x64x128xf32, #tpu.memory_space<vmem>>
      %dma_start3A_986 = tpu.memref_squeeze %dma_start3A_985 : memref<1x64x128xf32, #tpu.memory_space<vmem>> -> memref<64x128xf32, #tpu.memory_space<vmem>>
      tpu.enqueue_dma source(%dma_start3A_986 : memref<64x128xf32, #tpu.memory_space<vmem>>) target(%dma_start3A_982 : memref<64x128xf32, #tpu.memory_space<hbm>>) target_semaphore(%arg22 : memref<!tpu.dma_semaphore, #tpu.memory_space<semaphore_mem>>)
      %add3A_987 = arith.constant 8 : i32
      %add3A_988 = arith.addi %add3A_876, %add3A_987 : i32
      %gt3A_989 = arith.constant 0 : i32
      %gt3A_990 = arith.cmpi sgt, %scan3A_366, %gt3A_989 : i32
      %convert_element_type3A_991 = arith.extui %gt3A_990 : i1 to i32
      %cond3A_992 = arith.constant 0 : i32
      %cond3A_993 = arith.cmpi ne, %convert_element_type3A_991, %cond3A_992 : i32
      scf.if %cond3A_993 {
        %sub3A_2494 = arith.constant 12 : i32
        %sub3A_2495 = arith.subi %add3A_988, %sub3A_2494 : i32
        %jit3A_2496 = arith.constant 2 : i32
        %div3A_2497 = arith.divsi %sub3A_2495, %jit3A_2496 : i32
        %sign3A_2498 = arith.constant 0 : i32
        %sign3A_2499 = arith.cmpi sgt, %sub3A_2495, %sign3A_2498 : i32
        %sign3A_2500 = arith.extui %sign3A_2499 : i1 to i32
        %sign3A_2501 = arith.constant 0 : i32
        %sign3A_2502 = arith.cmpi slt, %sub3A_2495, %sign3A_2501 : i32
        %sign3A_2503 = arith.extui %sign3A_2502 : i1 to i32
        %sign3A_2504 = arith.subi %sign3A_2500, %sign3A_2503 : i32
        %sign3A_2505 = arith.constant 0 : i32
        %sign3A_2506 = arith.cmpi sgt, %jit3A_2496, %sign3A_2505 : i32
        %sign3A_2507 = arith.extui %sign3A_2506 : i1 to i32
        %sign3A_2508 = arith.constant 0 : i32
        %sign3A_2509 = arith.cmpi slt, %jit3A_2496, %sign3A_2508 : i32
        %sign3A_2510 = arith.extui %sign3A_2509 : i1 to i32
        %sign3A_2511 = arith.subi %sign3A_2507, %sign3A_2510 : i32
        %ne3A_2512 = arith.cmpi ne, %sign3A_2504, %sign3A_2511 : i32
        %rem3A_2513 = arith.remsi %sub3A_2495, %jit3A_2496 : i32
        %ne3A_2514 = arith.constant 0 : i32
        %ne3A_2515 = arith.cmpi ne, %rem3A_2513, %ne3A_2514 : i32
        %and3A_2516 = arith.andi %ne3A_2512, %ne3A_2515 : i1
        %sub3A_2517 = arith.constant 1 : i32
        %sub3A_2518 = arith.subi %div3A_2497, %sub3A_2517 : i32
        %select_n3A_2519 = arith.select %and3A_2516, %sub3A_2518, %div3A_2497 : i32
        %jit3A_2520 = arith.constant 2 : i32
        %eq3A_2521 = arith.constant 0 : i32
        %eq3A_2522 = arith.cmpi eq, %jit3A_2520, %eq3A_2521 : i32
        %jit3A_2523 = arith.constant 1 : i32
        %select_n3A_2524 = arith.select %eq3A_2522, %jit3A_2523, %jit3A_2520 : i32
        %rem3A_2525 = arith.remsi %sub3A_2495, %select_n3A_2524 : i32
        %ne3A_2526 = arith.constant 0 : i32
        %ne3A_2527 = arith.cmpi ne, %rem3A_2525, %ne3A_2526 : i32
        %lt3A_2528 = arith.constant 0 : i32
        %lt3A_2529 = arith.cmpi slt, %rem3A_2525, %lt3A_2528 : i32
        %lt3A_2530 = arith.constant 0 : i32
        %lt3A_2531 = arith.cmpi slt, %select_n3A_2524, %lt3A_2530 : i32
        %ne3A_2532 = arith.xori %lt3A_2529, %lt3A_2531 : i1
        %and3A_2533 = arith.andi %ne3A_2532, %ne3A_2527 : i1
        %add3A_2534 = arith.addi %rem3A_2525, %select_n3A_2524 : i32
        %select_n3A_2535 = arith.select %and3A_2533, %add3A_2534, %rem3A_2525 : i32
        %mul3A_2536 = arith.constant 64 : i32
        %mul3A_2537 = arith.muli %select_n3A_2535, %mul3A_2536 : i32
        %add3A_2538 = arith.addi %mul3A_2, %mul3A_2537 : i32
        %dma_wait3A_2539 = arith.constant 11 : i32
        %dma_wait3A_2540 = arith.constant 0 : i32
        %dma_wait3A_2541 = arith.constant 0 : i32
        %dma_wait3A_2542 = tpu.memref_slice %arg6[%dma_wait3A_2539, %dma_wait3A_2540, %dma_wait3A_2541] : memref<12x64x128xf32, #tpu.memory_space<vmem>> -> memref<1x64x128xf32, #tpu.memory_space<vmem>>
        %dma_wait3A_2543 = tpu.memref_squeeze %dma_wait3A_2542 : memref<1x64x128xf32, #tpu.memory_space<vmem>> -> memref<64x128xf32, #tpu.memory_space<vmem>>
        %dma_wait3A_2544 = arith.constant 0 : i32
        %dma_wait3A_2545 = tpu.memref_slice %arg4[%select_n3A_2519, %add3A_2538, %dma_wait3A_2544] : memref<50x4096x128xf32, #tpu.memory_space<hbm>> -> memref<1x64x128xf32, #tpu.memory_space<hbm>>
        %dma_wait3A_2546 = tpu.memref_squeeze %dma_wait3A_2545 : memref<1x64x128xf32, #tpu.memory_space<hbm>> -> memref<64x128xf32, #tpu.memory_space<hbm>>
        %dma_wait3A_2547 = arith.constant 0 : i32
        %dma_wait3A_2548 = tpu.memref_slice %arg4[%select_n3A_2519, %add3A_2538, %dma_wait3A_2547] : memref<50x4096x128xf32, #tpu.memory_space<hbm>> -> memref<1x64x128xf32, #tpu.memory_space<hbm>>
        %dma_wait3A_2549 = tpu.memref_squeeze %dma_wait3A_2548 : memref<1x64x128xf32, #tpu.memory_space<hbm>> -> memref<64x128xf32, #tpu.memory_space<hbm>>
        %dma_wait3A_2550 = arith.constant 0 : i32
        %dma_wait3A_2551 = arith.constant 0 : i32
        %dma_wait3A_2552 = tpu.memref_slice %arg6[%dma_wait3A_2539, %dma_wait3A_2550, %dma_wait3A_2551] : memref<12x64x128xf32, #tpu.memory_space<vmem>> -> memref<1x64x128xf32, #tpu.memory_space<vmem>>
        %dma_wait3A_2553 = tpu.memref_squeeze %dma_wait3A_2552 : memref<1x64x128xf32, #tpu.memory_space<vmem>> -> memref<64x128xf32, #tpu.memory_space<vmem>>
        tpu.wait_dma2 semaphore(%arg30 : memref<!tpu.dma_semaphore, #tpu.memory_space<semaphore_mem>>) src(%dma_wait3A_2553 : memref<64x128xf32, #tpu.memory_space<vmem>>) dst(%dma_wait3A_2549 : memref<64x128xf32, #tpu.memory_space<hbm>>)
      } else {
      }
      %jit3A_994 = arith.constant 2 : i32
      %div3A_995 = arith.divsi %add3A_988, %jit3A_994 : i32
      %sign3A_996 = arith.constant 0 : i32
      %sign3A_997 = arith.cmpi sgt, %add3A_988, %sign3A_996 : i32
      %sign3A_998 = arith.extui %sign3A_997 : i1 to i32
      %sign3A_999 = arith.constant 0 : i32
      %sign3A_1000 = arith.cmpi slt, %add3A_988, %sign3A_999 : i32
      %sign3A_1001 = arith.extui %sign3A_1000 : i1 to i32
      %sign3A_1002 = arith.subi %sign3A_998, %sign3A_1001 : i32
      %sign3A_1003 = arith.constant 0 : i32
      %sign3A_1004 = arith.cmpi sgt, %jit3A_994, %sign3A_1003 : i32
      %sign3A_1005 = arith.extui %sign3A_1004 : i1 to i32
      %sign3A_1006 = arith.constant 0 : i32
      %sign3A_1007 = arith.cmpi slt, %jit3A_994, %sign3A_1006 : i32
      %sign3A_1008 = arith.extui %sign3A_1007 : i1 to i32
      %sign3A_1009 = arith.subi %sign3A_1005, %sign3A_1008 : i32
      %ne3A_1010 = arith.cmpi ne, %sign3A_1002, %sign3A_1009 : i32
      %rem3A_1011 = arith.remsi %add3A_988, %jit3A_994 : i32
      %ne3A_1012 = arith.constant 0 : i32
      %ne3A_1013 = arith.cmpi ne, %rem3A_1011, %ne3A_1012 : i32
      %and3A_1014 = arith.andi %ne3A_1010, %ne3A_1013 : i1
      %sub3A_1015 = arith.constant 1 : i32
      %sub3A_1016 = arith.subi %div3A_995, %sub3A_1015 : i32
      %select_n3A_1017 = arith.select %and3A_1014, %sub3A_1016, %div3A_995 : i32
      %jit3A_1018 = arith.constant 2 : i32
      %eq3A_1019 = arith.constant 0 : i32
      %eq3A_1020 = arith.cmpi eq, %jit3A_1018, %eq3A_1019 : i32
      %jit3A_1021 = arith.constant 1 : i32
      %select_n3A_1022 = arith.select %eq3A_1020, %jit3A_1021, %jit3A_1018 : i32
      %rem3A_1023 = arith.remsi %add3A_988, %select_n3A_1022 : i32
      %ne3A_1024 = arith.constant 0 : i32
      %ne3A_1025 = arith.cmpi ne, %rem3A_1023, %ne3A_1024 : i32
      %lt3A_1026 = arith.constant 0 : i32
      %lt3A_1027 = arith.cmpi slt, %rem3A_1023, %lt3A_1026 : i32
      %lt3A_1028 = arith.constant 0 : i32
      %lt3A_1029 = arith.cmpi slt, %select_n3A_1022, %lt3A_1028 : i32
      %ne3A_1030 = arith.xori %lt3A_1027, %lt3A_1029 : i1
      %and3A_1031 = arith.andi %ne3A_1030, %ne3A_1025 : i1
      %add3A_1032 = arith.addi %rem3A_1023, %select_n3A_1022 : i32
      %select_n3A_1033 = arith.select %and3A_1031, %add3A_1032, %rem3A_1023 : i32
      %mul3A_1034 = arith.constant 64 : i32
      %mul3A_1035 = arith.muli %select_n3A_1033, %mul3A_1034 : i32
      %dma_start3A_1036 = arith.constant 11 : i32
      %dma_start3A_1037 = arith.constant 0 : i32
      %dma_start3A_1038 = arith.constant 0 : i32
      %dma_start3A_1039 = tpu.memref_slice %arg6[%dma_start3A_1036, %dma_start3A_1037, %dma_start3A_1038] : memref<12x64x128xf32, #tpu.memory_space<vmem>> -> memref<1x64x128xf32, #tpu.memory_space<vmem>>
      %dma_start3A_1040 = tpu.memref_squeeze %dma_start3A_1039 : memref<1x64x128xf32, #tpu.memory_space<vmem>> -> memref<64x128xf32, #tpu.memory_space<vmem>>
      %dma_start3A_1041 = tpu.memref_slice %arg5[%select_n3A_1017, %mul3A_1035] : memref<50x128xi32, #tpu.memory_space<vmem>> -> memref<1x64xi32, #tpu.memory_space<vmem>>
      %dma_start3A_1042 = tpu.memref_squeeze %dma_start3A_1041 : memref<1x64xi32, #tpu.memory_space<vmem>> -> memref<64xi32, #tpu.memory_space<vmem>>
      %dma_start3A_1043 = arith.constant 0 : i32
      %dma_start3A_1044 = arith.constant 0 : i32
      %dma_start3A_1045 = tpu.memref_slice %arg3[%dma_start3A_1043, %dma_start3A_1044] : memref<100000x128xf32, #tpu.memory_space<hbm>> -> memref<100000x128xf32, #tpu.memory_space<hbm>>
      tpu.enqueue_indirect_dma source(%dma_start3A_1045 : memref<100000x128xf32, #tpu.memory_space<hbm>>) target(%dma_start3A_1040 : memref<64x128xf32, #tpu.memory_space<vmem>>) offsets(%dma_start3A_1042 : memref<64xi32, #tpu.memory_space<vmem>>) semaphore(%arg18 : memref<!tpu.dma_semaphore, #tpu.memory_space<semaphore_mem>>)
      %mul3A_1046 = arith.constant 12 : i32
      %mul3A_1047 = arith.muli %scan3A_366, %mul3A_1046 : i32
      %add3A_1048 = arith.constant 4 : i32
      %add3A_1049 = arith.addi %mul3A_1047, %add3A_1048 : i32
      %jit3A_1050 = arith.constant 2 : i32
      %div3A_1051 = arith.divsi %add3A_1049, %jit3A_1050 : i32
      %sign3A_1052 = arith.constant 0 : i32
      %sign3A_1053 = arith.cmpi sgt, %add3A_1049, %sign3A_1052 : i32
      %sign3A_1054 = arith.extui %sign3A_1053 : i1 to i32
      %sign3A_1055 = arith.constant 0 : i32
      %sign3A_1056 = arith.cmpi slt, %add3A_1049, %sign3A_1055 : i32
      %sign3A_1057 = arith.extui %sign3A_1056 : i1 to i32
      %sign3A_1058 = arith.subi %sign3A_1054, %sign3A_1057 : i32
      %sign3A_1059 = arith.constant 0 : i32
      %sign3A_1060 = arith.cmpi sgt, %jit3A_1050, %sign3A_1059 : i32
      %sign3A_1061 = arith.extui %sign3A_1060 : i1 to i32
      %sign3A_1062 = arith.constant 0 : i32
      %sign3A_1063 = arith.cmpi slt, %jit3A_1050, %sign3A_1062 : i32
      %sign3A_1064 = arith.extui %sign3A_1063 : i1 to i32
      %sign3A_1065 = arith.subi %sign3A_1061, %sign3A_1064 : i32
      %ne3A_1066 = arith.cmpi ne, %sign3A_1058, %sign3A_1065 : i32
      %rem3A_1067 = arith.remsi %add3A_1049, %jit3A_1050 : i32
      %ne3A_1068 = arith.constant 0 : i32
      %ne3A_1069 = arith.cmpi ne, %rem3A_1067, %ne3A_1068 : i32
      %and3A_1070 = arith.andi %ne3A_1066, %ne3A_1069 : i1
      %sub3A_1071 = arith.constant 1 : i32
      %sub3A_1072 = arith.subi %div3A_1051, %sub3A_1071 : i32
      %select_n3A_1073 = arith.select %and3A_1070, %sub3A_1072, %div3A_1051 : i32
      %jit3A_1074 = arith.constant 2 : i32
      %eq3A_1075 = arith.constant 0 : i32
      %eq3A_1076 = arith.cmpi eq, %jit3A_1074, %eq3A_1075 : i32
      %jit3A_1077 = arith.constant 1 : i32
      %select_n3A_1078 = arith.select %eq3A_1076, %jit3A_1077, %jit3A_1074 : i32
      %rem3A_1079 = arith.remsi %add3A_1049, %select_n3A_1078 : i32
      %ne3A_1080 = arith.constant 0 : i32
      %ne3A_1081 = arith.cmpi ne, %rem3A_1079, %ne3A_1080 : i32
      %lt3A_1082 = arith.constant 0 : i32
      %lt3A_1083 = arith.cmpi slt, %rem3A_1079, %lt3A_1082 : i32
      %lt3A_1084 = arith.constant 0 : i32
      %lt3A_1085 = arith.cmpi slt, %select_n3A_1078, %lt3A_1084 : i32
      %ne3A_1086 = arith.xori %lt3A_1083, %lt3A_1085 : i1
      %and3A_1087 = arith.andi %ne3A_1086, %ne3A_1081 : i1
      %add3A_1088 = arith.addi %rem3A_1079, %select_n3A_1078 : i32
      %select_n3A_1089 = arith.select %and3A_1087, %add3A_1088, %rem3A_1079 : i32
      %mul3A_1090 = arith.constant 64 : i32
      %mul3A_1091 = arith.muli %select_n3A_1089, %mul3A_1090 : i32
      %dma_wait3A_1092 = arith.constant 4 : i32
      %dma_wait3A_1093 = arith.constant 0 : i32
      %dma_wait3A_1094 = arith.constant 0 : i32
      %dma_wait3A_1095 = tpu.memref_slice %arg6[%dma_wait3A_1092, %dma_wait3A_1093, %dma_wait3A_1094] : memref<12x64x128xf32, #tpu.memory_space<vmem>> -> memref<1x64x128xf32, #tpu.memory_space<vmem>>
      %dma_wait3A_1096 = tpu.memref_squeeze %dma_wait3A_1095 : memref<1x64x128xf32, #tpu.memory_space<vmem>> -> memref<64x128xf32, #tpu.memory_space<vmem>>
      %dma_wait3A_1097 = tpu.memref_slice %arg5[%select_n3A_1073, %mul3A_1091] : memref<50x128xi32, #tpu.memory_space<vmem>> -> memref<1x64xi32, #tpu.memory_space<vmem>>
      %dma_wait3A_1098 = tpu.memref_squeeze %dma_wait3A_1097 : memref<1x64xi32, #tpu.memory_space<vmem>> -> memref<64xi32, #tpu.memory_space<vmem>>
      %dma_wait3A_1099 = arith.constant 0 : i32
      %dma_wait3A_1100 = arith.constant 0 : i32
      %dma_wait3A_1101 = tpu.memref_slice %arg3[%dma_wait3A_1099, %dma_wait3A_1100] : memref<100000x128xf32, #tpu.memory_space<hbm>> -> memref<100000x128xf32, #tpu.memory_space<hbm>>
      tpu.wait_indirect_dma semaphore(%arg11 : memref<!tpu.dma_semaphore, #tpu.memory_space<semaphore_mem>>) src(%dma_wait3A_1101 : memref<100000x128xf32, #tpu.memory_space<hbm>>) dst(%dma_wait3A_1096 : memref<64x128xf32, #tpu.memory_space<vmem>>)
      %jit3A_1102 = arith.constant 2 : i32
      %div3A_1103 = arith.divsi %add3A_1049, %jit3A_1102 : i32
      %sign3A_1104 = arith.constant 0 : i32
      %sign3A_1105 = arith.cmpi sgt, %add3A_1049, %sign3A_1104 : i32
      %sign3A_1106 = arith.extui %sign3A_1105 : i1 to i32
      %sign3A_1107 = arith.constant 0 : i32
      %sign3A_1108 = arith.cmpi slt, %add3A_1049, %sign3A_1107 : i32
      %sign3A_1109 = arith.extui %sign3A_1108 : i1 to i32
      %sign3A_1110 = arith.subi %sign3A_1106, %sign3A_1109 : i32
      %sign3A_1111 = arith.constant 0 : i32
      %sign3A_1112 = arith.cmpi sgt, %jit3A_1102, %sign3A_1111 : i32
      %sign3A_1113 = arith.extui %sign3A_1112 : i1 to i32
      %sign3A_1114 = arith.constant 0 : i32
      %sign3A_1115 = arith.cmpi slt, %jit3A_1102, %sign3A_1114 : i32
      %sign3A_1116 = arith.extui %sign3A_1115 : i1 to i32
      %sign3A_1117 = arith.subi %sign3A_1113, %sign3A_1116 : i32
      %ne3A_1118 = arith.cmpi ne, %sign3A_1110, %sign3A_1117 : i32
      %rem3A_1119 = arith.remsi %add3A_1049, %jit3A_1102 : i32
      %ne3A_1120 = arith.constant 0 : i32
      %ne3A_1121 = arith.cmpi ne, %rem3A_1119, %ne3A_1120 : i32
      %and3A_1122 = arith.andi %ne3A_1118, %ne3A_1121 : i1
      %sub3A_1123 = arith.constant 1 : i32
      %sub3A_1124 = arith.subi %div3A_1103, %sub3A_1123 : i32
      %select_n3A_1125 = arith.select %and3A_1122, %sub3A_1124, %div3A_1103 : i32
      %jit3A_1126 = arith.constant 2 : i32
      %eq3A_1127 = arith.constant 0 : i32
      %eq3A_1128 = arith.cmpi eq, %jit3A_1126, %eq3A_1127 : i32
      %jit3A_1129 = arith.constant 1 : i32
      %select_n3A_1130 = arith.select %eq3A_1128, %jit3A_1129, %jit3A_1126 : i32
      %rem3A_1131 = arith.remsi %add3A_1049, %select_n3A_1130 : i32
      %ne3A_1132 = arith.constant 0 : i32
      %ne3A_1133 = arith.cmpi ne, %rem3A_1131, %ne3A_1132 : i32
      %lt3A_1134 = arith.constant 0 : i32
      %lt3A_1135 = arith.cmpi slt, %rem3A_1131, %lt3A_1134 : i32
      %lt3A_1136 = arith.constant 0 : i32
      %lt3A_1137 = arith.cmpi slt, %select_n3A_1130, %lt3A_1136 : i32
      %ne3A_1138 = arith.xori %lt3A_1135, %lt3A_1137 : i1
      %and3A_1139 = arith.andi %ne3A_1138, %ne3A_1133 : i1
      %add3A_1140 = arith.addi %rem3A_1131, %select_n3A_1130 : i32
      %select_n3A_1141 = arith.select %and3A_1139, %add3A_1140, %rem3A_1131 : i32
      %mul3A_1142 = arith.constant 64 : i32
      %mul3A_1143 = arith.muli %select_n3A_1141, %mul3A_1142 : i32
      %add3A_1144 = arith.addi %mul3A_2, %mul3A_1143 : i32
      %dma_start3A_1145 = arith.constant 4 : i32
      %dma_start3A_1146 = arith.constant 0 : i32
      %dma_start3A_1147 = arith.constant 0 : i32
      %dma_start3A_1148 = tpu.memref_slice %arg6[%dma_start3A_1145, %dma_start3A_1146, %dma_start3A_1147] : memref<12x64x128xf32, #tpu.memory_space<vmem>> -> memref<1x64x128xf32, #tpu.memory_space<vmem>>
      %dma_start3A_1149 = tpu.memref_squeeze %dma_start3A_1148 : memref<1x64x128xf32, #tpu.memory_space<vmem>> -> memref<64x128xf32, #tpu.memory_space<vmem>>
      %dma_start3A_1150 = arith.constant 0 : i32
      %dma_start3A_1151 = tpu.memref_slice %arg4[%select_n3A_1125, %add3A_1144, %dma_start3A_1150] : memref<50x4096x128xf32, #tpu.memory_space<hbm>> -> memref<1x64x128xf32, #tpu.memory_space<hbm>>
      %dma_start3A_1152 = tpu.memref_squeeze %dma_start3A_1151 : memref<1x64x128xf32, #tpu.memory_space<hbm>> -> memref<64x128xf32, #tpu.memory_space<hbm>>
      %dma_start3A_1153 = arith.constant 0 : i32
      %dma_start3A_1154 = tpu.memref_slice %arg4[%select_n3A_1125, %add3A_1144, %dma_start3A_1153] : memref<50x4096x128xf32, #tpu.memory_space<hbm>> -> memref<1x64x128xf32, #tpu.memory_space<hbm>>
      %dma_start3A_1155 = tpu.memref_squeeze %dma_start3A_1154 : memref<1x64x128xf32, #tpu.memory_space<hbm>> -> memref<64x128xf32, #tpu.memory_space<hbm>>
      %dma_start3A_1156 = arith.constant 0 : i32
      %dma_start3A_1157 = arith.constant 0 : i32
      %dma_start3A_1158 = tpu.memref_slice %arg6[%dma_start3A_1145, %dma_start3A_1156, %dma_start3A_1157] : memref<12x64x128xf32, #tpu.memory_space<vmem>> -> memref<1x64x128xf32, #tpu.memory_space<vmem>>
      %dma_start3A_1159 = tpu.memref_squeeze %dma_start3A_1158 : memref<1x64x128xf32, #tpu.memory_space<vmem>> -> memref<64x128xf32, #tpu.memory_space<vmem>>
      tpu.enqueue_dma source(%dma_start3A_1159 : memref<64x128xf32, #tpu.memory_space<vmem>>) target(%dma_start3A_1155 : memref<64x128xf32, #tpu.memory_space<hbm>>) target_semaphore(%arg23 : memref<!tpu.dma_semaphore, #tpu.memory_space<semaphore_mem>>)
      %add3A_1160 = arith.constant 8 : i32
      %add3A_1161 = arith.addi %add3A_1049, %add3A_1160 : i32
      %sub3A_1162 = arith.constant 12 : i32
      %sub3A_1163 = arith.subi %add3A_1161, %sub3A_1162 : i32
      %jit3A_1164 = arith.constant 2 : i32
      %div3A_1165 = arith.divsi %sub3A_1163, %jit3A_1164 : i32
      %sign3A_1166 = arith.constant 0 : i32
      %sign3A_1167 = arith.cmpi sgt, %sub3A_1163, %sign3A_1166 : i32
      %sign3A_1168 = arith.extui %sign3A_1167 : i1 to i32
      %sign3A_1169 = arith.constant 0 : i32
      %sign3A_1170 = arith.cmpi slt, %sub3A_1163, %sign3A_1169 : i32
      %sign3A_1171 = arith.extui %sign3A_1170 : i1 to i32
      %sign3A_1172 = arith.subi %sign3A_1168, %sign3A_1171 : i32
      %sign3A_1173 = arith.constant 0 : i32
      %sign3A_1174 = arith.cmpi sgt, %jit3A_1164, %sign3A_1173 : i32
      %sign3A_1175 = arith.extui %sign3A_1174 : i1 to i32
      %sign3A_1176 = arith.constant 0 : i32
      %sign3A_1177 = arith.cmpi slt, %jit3A_1164, %sign3A_1176 : i32
      %sign3A_1178 = arith.extui %sign3A_1177 : i1 to i32
      %sign3A_1179 = arith.subi %sign3A_1175, %sign3A_1178 : i32
      %ne3A_1180 = arith.cmpi ne, %sign3A_1172, %sign3A_1179 : i32
      %rem3A_1181 = arith.remsi %sub3A_1163, %jit3A_1164 : i32
      %ne3A_1182 = arith.constant 0 : i32
      %ne3A_1183 = arith.cmpi ne, %rem3A_1181, %ne3A_1182 : i32
      %and3A_1184 = arith.andi %ne3A_1180, %ne3A_1183 : i1
      %sub3A_1185 = arith.constant 1 : i32
      %sub3A_1186 = arith.subi %div3A_1165, %sub3A_1185 : i32
      %select_n3A_1187 = arith.select %and3A_1184, %sub3A_1186, %div3A_1165 : i32
      %jit3A_1188 = arith.constant 2 : i32
      %eq3A_1189 = arith.constant 0 : i32
      %eq3A_1190 = arith.cmpi eq, %jit3A_1188, %eq3A_1189 : i32
      %jit3A_1191 = arith.constant 1 : i32
      %select_n3A_1192 = arith.select %eq3A_1190, %jit3A_1191, %jit3A_1188 : i32
      %rem3A_1193 = arith.remsi %sub3A_1163, %select_n3A_1192 : i32
      %ne3A_1194 = arith.constant 0 : i32
      %ne3A_1195 = arith.cmpi ne, %rem3A_1193, %ne3A_1194 : i32
      %lt3A_1196 = arith.constant 0 : i32
      %lt3A_1197 = arith.cmpi slt, %rem3A_1193, %lt3A_1196 : i32
      %lt3A_1198 = arith.constant 0 : i32
      %lt3A_1199 = arith.cmpi slt, %select_n3A_1192, %lt3A_1198 : i32
      %ne3A_1200 = arith.xori %lt3A_1197, %lt3A_1199 : i1
      %and3A_1201 = arith.andi %ne3A_1200, %ne3A_1195 : i1
      %add3A_1202 = arith.addi %rem3A_1193, %select_n3A_1192 : i32
      %select_n3A_1203 = arith.select %and3A_1201, %add3A_1202, %rem3A_1193 : i32
      %mul3A_1204 = arith.constant 64 : i32
      %mul3A_1205 = arith.muli %select_n3A_1203, %mul3A_1204 : i32
      %add3A_1206 = arith.addi %mul3A_2, %mul3A_1205 : i32
      %dma_wait3A_1207 = arith.constant 0 : i32
      %dma_wait3A_1208 = arith.constant 0 : i32
      %dma_wait3A_1209 = arith.constant 0 : i32
      %dma_wait3A_1210 = tpu.memref_slice %arg6[%dma_wait3A_1207, %dma_wait3A_1208, %dma_wait3A_1209] : memref<12x64x128xf32, #tpu.memory_space<vmem>> -> memref<1x64x128xf32, #tpu.memory_space<vmem>>
      %dma_wait3A_1211 = tpu.memref_squeeze %dma_wait3A_1210 : memref<1x64x128xf32, #tpu.memory_space<vmem>> -> memref<64x128xf32, #tpu.memory_space<vmem>>
      %dma_wait3A_1212 = arith.constant 0 : i32
      %dma_wait3A_1213 = tpu.memref_slice %arg4[%select_n3A_1187, %add3A_1206, %dma_wait3A_1212] : memref<50x4096x128xf32, #tpu.memory_space<hbm>> -> memref<1x64x128xf32, #tpu.memory_space<hbm>>
      %dma_wait3A_1214 = tpu.memref_squeeze %dma_wait3A_1213 : memref<1x64x128xf32, #tpu.memory_space<hbm>> -> memref<64x128xf32, #tpu.memory_space<hbm>>
      %dma_wait3A_1215 = arith.constant 0 : i32
      %dma_wait3A_1216 = tpu.memref_slice %arg4[%select_n3A_1187, %add3A_1206, %dma_wait3A_1215] : memref<50x4096x128xf32, #tpu.memory_space<hbm>> -> memref<1x64x128xf32, #tpu.memory_space<hbm>>
      %dma_wait3A_1217 = tpu.memref_squeeze %dma_wait3A_1216 : memref<1x64x128xf32, #tpu.memory_space<hbm>> -> memref<64x128xf32, #tpu.memory_space<hbm>>
      %dma_wait3A_1218 = arith.constant 0 : i32
      %dma_wait3A_1219 = arith.constant 0 : i32
      %dma_wait3A_1220 = tpu.memref_slice %arg6[%dma_wait3A_1207, %dma_wait3A_1218, %dma_wait3A_1219] : memref<12x64x128xf32, #tpu.memory_space<vmem>> -> memref<1x64x128xf32, #tpu.memory_space<vmem>>
      %dma_wait3A_1221 = tpu.memref_squeeze %dma_wait3A_1220 : memref<1x64x128xf32, #tpu.memory_space<vmem>> -> memref<64x128xf32, #tpu.memory_space<vmem>>
      tpu.wait_dma2 semaphore(%arg19 : memref<!tpu.dma_semaphore, #tpu.memory_space<semaphore_mem>>) src(%dma_wait3A_1221 : memref<64x128xf32, #tpu.memory_space<vmem>>) dst(%dma_wait3A_1217 : memref<64x128xf32, #tpu.memory_space<hbm>>)
      %lt3A_1222 = arith.constant 100 : i32
      %lt3A_1223 = arith.cmpi slt, %add3A_1161, %lt3A_1222 : i32
      %convert_element_type3A_1224 = arith.extui %lt3A_1223 : i1 to i32
      %cond3A_1225 = arith.constant 0 : i32
      %cond3A_1226 = arith.cmpi ne, %convert_element_type3A_1224, %cond3A_1225 : i32
      scf.if %cond3A_1226 {
        %jit3A_2494 = arith.constant 2 : i32
        %div3A_2495 = arith.divsi %add3A_1161, %jit3A_2494 : i32
        %sign3A_2496 = arith.constant 0 : i32
        %sign3A_2497 = arith.cmpi sgt, %add3A_1161, %sign3A_2496 : i32
        %sign3A_2498 = arith.extui %sign3A_2497 : i1 to i32
        %sign3A_2499 = arith.constant 0 : i32
        %sign3A_2500 = arith.cmpi slt, %add3A_1161, %sign3A_2499 : i32
        %sign3A_2501 = arith.extui %sign3A_2500 : i1 to i32
        %sign3A_2502 = arith.subi %sign3A_2498, %sign3A_2501 : i32
        %sign3A_2503 = arith.constant 0 : i32
        %sign3A_2504 = arith.cmpi sgt, %jit3A_2494, %sign3A_2503 : i32
        %sign3A_2505 = arith.extui %sign3A_2504 : i1 to i32
        %sign3A_2506 = arith.constant 0 : i32
        %sign3A_2507 = arith.cmpi slt, %jit3A_2494, %sign3A_2506 : i32
        %sign3A_2508 = arith.extui %sign3A_2507 : i1 to i32
        %sign3A_2509 = arith.subi %sign3A_2505, %sign3A_2508 : i32
        %ne3A_2510 = arith.cmpi ne, %sign3A_2502, %sign3A_2509 : i32
        %rem3A_2511 = arith.remsi %add3A_1161, %jit3A_2494 : i32
        %ne3A_2512 = arith.constant 0 : i32
        %ne3A_2513 = arith.cmpi ne, %rem3A_2511, %ne3A_2512 : i32
        %and3A_2514 = arith.andi %ne3A_2510, %ne3A_2513 : i1
        %sub3A_2515 = arith.constant 1 : i32
        %sub3A_2516 = arith.subi %div3A_2495, %sub3A_2515 : i32
        %select_n3A_2517 = arith.select %and3A_2514, %sub3A_2516, %div3A_2495 : i32
        %jit3A_2518 = arith.constant 2 : i32
        %eq3A_2519 = arith.constant 0 : i32
        %eq3A_2520 = arith.cmpi eq, %jit3A_2518, %eq3A_2519 : i32
        %jit3A_2521 = arith.constant 1 : i32
        %select_n3A_2522 = arith.select %eq3A_2520, %jit3A_2521, %jit3A_2518 : i32
        %rem3A_2523 = arith.remsi %add3A_1161, %select_n3A_2522 : i32
        %ne3A_2524 = arith.constant 0 : i32
        %ne3A_2525 = arith.cmpi ne, %rem3A_2523, %ne3A_2524 : i32
        %lt3A_2526 = arith.constant 0 : i32
        %lt3A_2527 = arith.cmpi slt, %rem3A_2523, %lt3A_2526 : i32
        %lt3A_2528 = arith.constant 0 : i32
        %lt3A_2529 = arith.cmpi slt, %select_n3A_2522, %lt3A_2528 : i32
        %ne3A_2530 = arith.xori %lt3A_2527, %lt3A_2529 : i1
        %and3A_2531 = arith.andi %ne3A_2530, %ne3A_2525 : i1
        %add3A_2532 = arith.addi %rem3A_2523, %select_n3A_2522 : i32
        %select_n3A_2533 = arith.select %and3A_2531, %add3A_2532, %rem3A_2523 : i32
        %mul3A_2534 = arith.constant 64 : i32
        %mul3A_2535 = arith.muli %select_n3A_2533, %mul3A_2534 : i32
        %dma_start3A_2536 = arith.constant 0 : i32
        %dma_start3A_2537 = arith.constant 0 : i32
        %dma_start3A_2538 = arith.constant 0 : i32
        %dma_start3A_2539 = tpu.memref_slice %arg6[%dma_start3A_2536, %dma_start3A_2537, %dma_start3A_2538] : memref<12x64x128xf32, #tpu.memory_space<vmem>> -> memref<1x64x128xf32, #tpu.memory_space<vmem>>
        %dma_start3A_2540 = tpu.memref_squeeze %dma_start3A_2539 : memref<1x64x128xf32, #tpu.memory_space<vmem>> -> memref<64x128xf32, #tpu.memory_space<vmem>>
        %dma_start3A_2541 = tpu.memref_slice %arg5[%select_n3A_2517, %mul3A_2535] : memref<50x128xi32, #tpu.memory_space<vmem>> -> memref<1x64xi32, #tpu.memory_space<vmem>>
        %dma_start3A_2542 = tpu.memref_squeeze %dma_start3A_2541 : memref<1x64xi32, #tpu.memory_space<vmem>> -> memref<64xi32, #tpu.memory_space<vmem>>
        %dma_start3A_2543 = arith.constant 0 : i32
        %dma_start3A_2544 = arith.constant 0 : i32
        %dma_start3A_2545 = tpu.memref_slice %arg3[%dma_start3A_2543, %dma_start3A_2544] : memref<100000x128xf32, #tpu.memory_space<hbm>> -> memref<100000x128xf32, #tpu.memory_space<hbm>>
        tpu.enqueue_indirect_dma source(%dma_start3A_2545 : memref<100000x128xf32, #tpu.memory_space<hbm>>) target(%dma_start3A_2540 : memref<64x128xf32, #tpu.memory_space<vmem>>) offsets(%dma_start3A_2542 : memref<64xi32, #tpu.memory_space<vmem>>) semaphore(%arg7 : memref<!tpu.dma_semaphore, #tpu.memory_space<semaphore_mem>>)
      } else {
      }
      %mul3A_1227 = arith.constant 12 : i32
      %mul3A_1228 = arith.muli %scan3A_366, %mul3A_1227 : i32
      %add3A_1229 = arith.constant 5 : i32
      %add3A_1230 = arith.addi %mul3A_1228, %add3A_1229 : i32
      %jit3A_1231 = arith.constant 2 : i32
      %div3A_1232 = arith.divsi %add3A_1230, %jit3A_1231 : i32
      %sign3A_1233 = arith.constant 0 : i32
      %sign3A_1234 = arith.cmpi sgt, %add3A_1230, %sign3A_1233 : i32
      %sign3A_1235 = arith.extui %sign3A_1234 : i1 to i32
      %sign3A_1236 = arith.constant 0 : i32
      %sign3A_1237 = arith.cmpi slt, %add3A_1230, %sign3A_1236 : i32
      %sign3A_1238 = arith.extui %sign3A_1237 : i1 to i32
      %sign3A_1239 = arith.subi %sign3A_1235, %sign3A_1238 : i32
      %sign3A_1240 = arith.constant 0 : i32
      %sign3A_1241 = arith.cmpi sgt, %jit3A_1231, %sign3A_1240 : i32
      %sign3A_1242 = arith.extui %sign3A_1241 : i1 to i32
      %sign3A_1243 = arith.constant 0 : i32
      %sign3A_1244 = arith.cmpi slt, %jit3A_1231, %sign3A_1243 : i32
      %sign3A_1245 = arith.extui %sign3A_1244 : i1 to i32
      %sign3A_1246 = arith.subi %sign3A_1242, %sign3A_1245 : i32
      %ne3A_1247 = arith.cmpi ne, %sign3A_1239, %sign3A_1246 : i32
      %rem3A_1248 = arith.remsi %add3A_1230, %jit3A_1231 : i32
      %ne3A_1249 = arith.constant 0 : i32
      %ne3A_1250 = arith.cmpi ne, %rem3A_1248, %ne3A_1249 : i32
      %and3A_1251 = arith.andi %ne3A_1247, %ne3A_1250 : i1
      %sub3A_1252 = arith.constant 1 : i32
      %sub3A_1253 = arith.subi %div3A_1232, %sub3A_1252 : i32
      %select_n3A_1254 = arith.select %and3A_1251, %sub3A_1253, %div3A_1232 : i32
      %jit3A_1255 = arith.constant 2 : i32
      %eq3A_1256 = arith.constant 0 : i32
      %eq3A_1257 = arith.cmpi eq, %jit3A_1255, %eq3A_1256 : i32
      %jit3A_1258 = arith.constant 1 : i32
      %select_n3A_1259 = arith.select %eq3A_1257, %jit3A_1258, %jit3A_1255 : i32
      %rem3A_1260 = arith.remsi %add3A_1230, %select_n3A_1259 : i32
      %ne3A_1261 = arith.constant 0 : i32
      %ne3A_1262 = arith.cmpi ne, %rem3A_1260, %ne3A_1261 : i32
      %lt3A_1263 = arith.constant 0 : i32
      %lt3A_1264 = arith.cmpi slt, %rem3A_1260, %lt3A_1263 : i32
      %lt3A_1265 = arith.constant 0 : i32
      %lt3A_1266 = arith.cmpi slt, %select_n3A_1259, %lt3A_1265 : i32
      %ne3A_1267 = arith.xori %lt3A_1264, %lt3A_1266 : i1
      %and3A_1268 = arith.andi %ne3A_1267, %ne3A_1262 : i1
      %add3A_1269 = arith.addi %rem3A_1260, %select_n3A_1259 : i32
      %select_n3A_1270 = arith.select %and3A_1268, %add3A_1269, %rem3A_1260 : i32
      %mul3A_1271 = arith.constant 64 : i32
      %mul3A_1272 = arith.muli %select_n3A_1270, %mul3A_1271 : i32
      %dma_wait3A_1273 = arith.constant 5 : i32
      %dma_wait3A_1274 = arith.constant 0 : i32
      %dma_wait3A_1275 = arith.constant 0 : i32
      %dma_wait3A_1276 = tpu.memref_slice %arg6[%dma_wait3A_1273, %dma_wait3A_1274, %dma_wait3A_1275] : memref<12x64x128xf32, #tpu.memory_space<vmem>> -> memref<1x64x128xf32, #tpu.memory_space<vmem>>
      %dma_wait3A_1277 = tpu.memref_squeeze %dma_wait3A_1276 : memref<1x64x128xf32, #tpu.memory_space<vmem>> -> memref<64x128xf32, #tpu.memory_space<vmem>>
      %dma_wait3A_1278 = tpu.memref_slice %arg5[%select_n3A_1254, %mul3A_1272] : memref<50x128xi32, #tpu.memory_space<vmem>> -> memref<1x64xi32, #tpu.memory_space<vmem>>
      %dma_wait3A_1279 = tpu.memref_squeeze %dma_wait3A_1278 : memref<1x64xi32, #tpu.memory_space<vmem>> -> memref<64xi32, #tpu.memory_space<vmem>>
      %dma_wait3A_1280 = arith.constant 0 : i32
      %dma_wait3A_1281 = arith.constant 0 : i32
      %dma_wait3A_1282 = tpu.memref_slice %arg3[%dma_wait3A_1280, %dma_wait3A_1281] : memref<100000x128xf32, #tpu.memory_space<hbm>> -> memref<100000x128xf32, #tpu.memory_space<hbm>>
      tpu.wait_indirect_dma semaphore(%arg12 : memref<!tpu.dma_semaphore, #tpu.memory_space<semaphore_mem>>) src(%dma_wait3A_1282 : memref<100000x128xf32, #tpu.memory_space<hbm>>) dst(%dma_wait3A_1277 : memref<64x128xf32, #tpu.memory_space<vmem>>)
      %jit3A_1283 = arith.constant 2 : i32
      %div3A_1284 = arith.divsi %add3A_1230, %jit3A_1283 : i32
      %sign3A_1285 = arith.constant 0 : i32
      %sign3A_1286 = arith.cmpi sgt, %add3A_1230, %sign3A_1285 : i32
      %sign3A_1287 = arith.extui %sign3A_1286 : i1 to i32
      %sign3A_1288 = arith.constant 0 : i32
      %sign3A_1289 = arith.cmpi slt, %add3A_1230, %sign3A_1288 : i32
      %sign3A_1290 = arith.extui %sign3A_1289 : i1 to i32
      %sign3A_1291 = arith.subi %sign3A_1287, %sign3A_1290 : i32
      %sign3A_1292 = arith.constant 0 : i32
      %sign3A_1293 = arith.cmpi sgt, %jit3A_1283, %sign3A_1292 : i32
      %sign3A_1294 = arith.extui %sign3A_1293 : i1 to i32
      %sign3A_1295 = arith.constant 0 : i32
      %sign3A_1296 = arith.cmpi slt, %jit3A_1283, %sign3A_1295 : i32
      %sign3A_1297 = arith.extui %sign3A_1296 : i1 to i32
      %sign3A_1298 = arith.subi %sign3A_1294, %sign3A_1297 : i32
      %ne3A_1299 = arith.cmpi ne, %sign3A_1291, %sign3A_1298 : i32
      %rem3A_1300 = arith.remsi %add3A_1230, %jit3A_1283 : i32
      %ne3A_1301 = arith.constant 0 : i32
      %ne3A_1302 = arith.cmpi ne, %rem3A_1300, %ne3A_1301 : i32
      %and3A_1303 = arith.andi %ne3A_1299, %ne3A_1302 : i1
      %sub3A_1304 = arith.constant 1 : i32
      %sub3A_1305 = arith.subi %div3A_1284, %sub3A_1304 : i32
      %select_n3A_1306 = arith.select %and3A_1303, %sub3A_1305, %div3A_1284 : i32
      %jit3A_1307 = arith.constant 2 : i32
      %eq3A_1308 = arith.constant 0 : i32
      %eq3A_1309 = arith.cmpi eq, %jit3A_1307, %eq3A_1308 : i32
      %jit3A_1310 = arith.constant 1 : i32
      %select_n3A_1311 = arith.select %eq3A_1309, %jit3A_1310, %jit3A_1307 : i32
      %rem3A_1312 = arith.remsi %add3A_1230, %select_n3A_1311 : i32
      %ne3A_1313 = arith.constant 0 : i32
      %ne3A_1314 = arith.cmpi ne, %rem3A_1312, %ne3A_1313 : i32
      %lt3A_1315 = arith.constant 0 : i32
      %lt3A_1316 = arith.cmpi slt, %rem3A_1312, %lt3A_1315 : i32
      %lt3A_1317 = arith.constant 0 : i32
      %lt3A_1318 = arith.cmpi slt, %select_n3A_1311, %lt3A_1317 : i32
      %ne3A_1319 = arith.xori %lt3A_1316, %lt3A_1318 : i1
      %and3A_1320 = arith.andi %ne3A_1319, %ne3A_1314 : i1
      %add3A_1321 = arith.addi %rem3A_1312, %select_n3A_1311 : i32
      %select_n3A_1322 = arith.select %and3A_1320, %add3A_1321, %rem3A_1312 : i32
      %mul3A_1323 = arith.constant 64 : i32
      %mul3A_1324 = arith.muli %select_n3A_1322, %mul3A_1323 : i32
      %add3A_1325 = arith.addi %mul3A_2, %mul3A_1324 : i32
      %dma_start3A_1326 = arith.constant 5 : i32
      %dma_start3A_1327 = arith.constant 0 : i32
      %dma_start3A_1328 = arith.constant 0 : i32
      %dma_start3A_1329 = tpu.memref_slice %arg6[%dma_start3A_1326, %dma_start3A_1327, %dma_start3A_1328] : memref<12x64x128xf32, #tpu.memory_space<vmem>> -> memref<1x64x128xf32, #tpu.memory_space<vmem>>
      %dma_start3A_1330 = tpu.memref_squeeze %dma_start3A_1329 : memref<1x64x128xf32, #tpu.memory_space<vmem>> -> memref<64x128xf32, #tpu.memory_space<vmem>>
      %dma_start3A_1331 = arith.constant 0 : i32
      %dma_start3A_1332 = tpu.memref_slice %arg4[%select_n3A_1306, %add3A_1325, %dma_start3A_1331] : memref<50x4096x128xf32, #tpu.memory_space<hbm>> -> memref<1x64x128xf32, #tpu.memory_space<hbm>>
      %dma_start3A_1333 = tpu.memref_squeeze %dma_start3A_1332 : memref<1x64x128xf32, #tpu.memory_space<hbm>> -> memref<64x128xf32, #tpu.memory_space<hbm>>
      %dma_start3A_1334 = arith.constant 0 : i32
      %dma_start3A_1335 = tpu.memref_slice %arg4[%select_n3A_1306, %add3A_1325, %dma_start3A_1334] : memref<50x4096x128xf32, #tpu.memory_space<hbm>> -> memref<1x64x128xf32, #tpu.memory_space<hbm>>
      %dma_start3A_1336 = tpu.memref_squeeze %dma_start3A_1335 : memref<1x64x128xf32, #tpu.memory_space<hbm>> -> memref<64x128xf32, #tpu.memory_space<hbm>>
      %dma_start3A_1337 = arith.constant 0 : i32
      %dma_start3A_1338 = arith.constant 0 : i32
      %dma_start3A_1339 = tpu.memref_slice %arg6[%dma_start3A_1326, %dma_start3A_1337, %dma_start3A_1338] : memref<12x64x128xf32, #tpu.memory_space<vmem>> -> memref<1x64x128xf32, #tpu.memory_space<vmem>>
      %dma_start3A_1340 = tpu.memref_squeeze %dma_start3A_1339 : memref<1x64x128xf32, #tpu.memory_space<vmem>> -> memref<64x128xf32, #tpu.memory_space<vmem>>
      tpu.enqueue_dma source(%dma_start3A_1340 : memref<64x128xf32, #tpu.memory_space<vmem>>) target(%dma_start3A_1336 : memref<64x128xf32, #tpu.memory_space<hbm>>) target_semaphore(%arg24 : memref<!tpu.dma_semaphore, #tpu.memory_space<semaphore_mem>>)
      %add3A_1341 = arith.constant 8 : i32
      %add3A_1342 = arith.addi %add3A_1230, %add3A_1341 : i32
      %sub3A_1343 = arith.constant 12 : i32
      %sub3A_1344 = arith.subi %add3A_1342, %sub3A_1343 : i32
      %jit3A_1345 = arith.constant 2 : i32
      %div3A_1346 = arith.divsi %sub3A_1344, %jit3A_1345 : i32
      %sign3A_1347 = arith.constant 0 : i32
      %sign3A_1348 = arith.cmpi sgt, %sub3A_1344, %sign3A_1347 : i32
      %sign3A_1349 = arith.extui %sign3A_1348 : i1 to i32
      %sign3A_1350 = arith.constant 0 : i32
      %sign3A_1351 = arith.cmpi slt, %sub3A_1344, %sign3A_1350 : i32
      %sign3A_1352 = arith.extui %sign3A_1351 : i1 to i32
      %sign3A_1353 = arith.subi %sign3A_1349, %sign3A_1352 : i32
      %sign3A_1354 = arith.constant 0 : i32
      %sign3A_1355 = arith.cmpi sgt, %jit3A_1345, %sign3A_1354 : i32
      %sign3A_1356 = arith.extui %sign3A_1355 : i1 to i32
      %sign3A_1357 = arith.constant 0 : i32
      %sign3A_1358 = arith.cmpi slt, %jit3A_1345, %sign3A_1357 : i32
      %sign3A_1359 = arith.extui %sign3A_1358 : i1 to i32
      %sign3A_1360 = arith.subi %sign3A_1356, %sign3A_1359 : i32
      %ne3A_1361 = arith.cmpi ne, %sign3A_1353, %sign3A_1360 : i32
      %rem3A_1362 = arith.remsi %sub3A_1344, %jit3A_1345 : i32
      %ne3A_1363 = arith.constant 0 : i32
      %ne3A_1364 = arith.cmpi ne, %rem3A_1362, %ne3A_1363 : i32
      %and3A_1365 = arith.andi %ne3A_1361, %ne3A_1364 : i1
      %sub3A_1366 = arith.constant 1 : i32
      %sub3A_1367 = arith.subi %div3A_1346, %sub3A_1366 : i32
      %select_n3A_1368 = arith.select %and3A_1365, %sub3A_1367, %div3A_1346 : i32
      %jit3A_1369 = arith.constant 2 : i32
      %eq3A_1370 = arith.constant 0 : i32
      %eq3A_1371 = arith.cmpi eq, %jit3A_1369, %eq3A_1370 : i32
      %jit3A_1372 = arith.constant 1 : i32
      %select_n3A_1373 = arith.select %eq3A_1371, %jit3A_1372, %jit3A_1369 : i32
      %rem3A_1374 = arith.remsi %sub3A_1344, %select_n3A_1373 : i32
      %ne3A_1375 = arith.constant 0 : i32
      %ne3A_1376 = arith.cmpi ne, %rem3A_1374, %ne3A_1375 : i32
      %lt3A_1377 = arith.constant 0 : i32
      %lt3A_1378 = arith.cmpi slt, %rem3A_1374, %lt3A_1377 : i32
      %lt3A_1379 = arith.constant 0 : i32
      %lt3A_1380 = arith.cmpi slt, %select_n3A_1373, %lt3A_1379 : i32
      %ne3A_1381 = arith.xori %lt3A_1378, %lt3A_1380 : i1
      %and3A_1382 = arith.andi %ne3A_1381, %ne3A_1376 : i1
      %add3A_1383 = arith.addi %rem3A_1374, %select_n3A_1373 : i32
      %select_n3A_1384 = arith.select %and3A_1382, %add3A_1383, %rem3A_1374 : i32
      %mul3A_1385 = arith.constant 64 : i32
      %mul3A_1386 = arith.muli %select_n3A_1384, %mul3A_1385 : i32
      %add3A_1387 = arith.addi %mul3A_2, %mul3A_1386 : i32
      %dma_wait3A_1388 = arith.constant 1 : i32
      %dma_wait3A_1389 = arith.constant 0 : i32
      %dma_wait3A_1390 = arith.constant 0 : i32
      %dma_wait3A_1391 = tpu.memref_slice %arg6[%dma_wait3A_1388, %dma_wait3A_1389, %dma_wait3A_1390] : memref<12x64x128xf32, #tpu.memory_space<vmem>> -> memref<1x64x128xf32, #tpu.memory_space<vmem>>
      %dma_wait3A_1392 = tpu.memref_squeeze %dma_wait3A_1391 : memref<1x64x128xf32, #tpu.memory_space<vmem>> -> memref<64x128xf32, #tpu.memory_space<vmem>>
      %dma_wait3A_1393 = arith.constant 0 : i32
      %dma_wait3A_1394 = tpu.memref_slice %arg4[%select_n3A_1368, %add3A_1387, %dma_wait3A_1393] : memref<50x4096x128xf32, #tpu.memory_space<hbm>> -> memref<1x64x128xf32, #tpu.memory_space<hbm>>
      %dma_wait3A_1395 = tpu.memref_squeeze %dma_wait3A_1394 : memref<1x64x128xf32, #tpu.memory_space<hbm>> -> memref<64x128xf32, #tpu.memory_space<hbm>>
      %dma_wait3A_1396 = arith.constant 0 : i32
      %dma_wait3A_1397 = tpu.memref_slice %arg4[%select_n3A_1368, %add3A_1387, %dma_wait3A_1396] : memref<50x4096x128xf32, #tpu.memory_space<hbm>> -> memref<1x64x128xf32, #tpu.memory_space<hbm>>
      %dma_wait3A_1398 = tpu.memref_squeeze %dma_wait3A_1397 : memref<1x64x128xf32, #tpu.memory_space<hbm>> -> memref<64x128xf32, #tpu.memory_space<hbm>>
      %dma_wait3A_1399 = arith.constant 0 : i32
      %dma_wait3A_1400 = arith.constant 0 : i32
      %dma_wait3A_1401 = tpu.memref_slice %arg6[%dma_wait3A_1388, %dma_wait3A_1399, %dma_wait3A_1400] : memref<12x64x128xf32, #tpu.memory_space<vmem>> -> memref<1x64x128xf32, #tpu.memory_space<vmem>>
      %dma_wait3A_1402 = tpu.memref_squeeze %dma_wait3A_1401 : memref<1x64x128xf32, #tpu.memory_space<vmem>> -> memref<64x128xf32, #tpu.memory_space<vmem>>
      tpu.wait_dma2 semaphore(%arg20 : memref<!tpu.dma_semaphore, #tpu.memory_space<semaphore_mem>>) src(%dma_wait3A_1402 : memref<64x128xf32, #tpu.memory_space<vmem>>) dst(%dma_wait3A_1398 : memref<64x128xf32, #tpu.memory_space<hbm>>)
      %lt3A_1403 = arith.constant 100 : i32
      %lt3A_1404 = arith.cmpi slt, %add3A_1342, %lt3A_1403 : i32
      %convert_element_type3A_1405 = arith.extui %lt3A_1404 : i1 to i32
      %cond3A_1406 = arith.constant 0 : i32
      %cond3A_1407 = arith.cmpi ne, %convert_element_type3A_1405, %cond3A_1406 : i32
      scf.if %cond3A_1407 {
        %jit3A_2494 = arith.constant 2 : i32
        %div3A_2495 = arith.divsi %add3A_1342, %jit3A_2494 : i32
        %sign3A_2496 = arith.constant 0 : i32
        %sign3A_2497 = arith.cmpi sgt, %add3A_1342, %sign3A_2496 : i32
        %sign3A_2498 = arith.extui %sign3A_2497 : i1 to i32
        %sign3A_2499 = arith.constant 0 : i32
        %sign3A_2500 = arith.cmpi slt, %add3A_1342, %sign3A_2499 : i32
        %sign3A_2501 = arith.extui %sign3A_2500 : i1 to i32
        %sign3A_2502 = arith.subi %sign3A_2498, %sign3A_2501 : i32
        %sign3A_2503 = arith.constant 0 : i32
        %sign3A_2504 = arith.cmpi sgt, %jit3A_2494, %sign3A_2503 : i32
        %sign3A_2505 = arith.extui %sign3A_2504 : i1 to i32
        %sign3A_2506 = arith.constant 0 : i32
        %sign3A_2507 = arith.cmpi slt, %jit3A_2494, %sign3A_2506 : i32
        %sign3A_2508 = arith.extui %sign3A_2507 : i1 to i32
        %sign3A_2509 = arith.subi %sign3A_2505, %sign3A_2508 : i32
        %ne3A_2510 = arith.cmpi ne, %sign3A_2502, %sign3A_2509 : i32
        %rem3A_2511 = arith.remsi %add3A_1342, %jit3A_2494 : i32
        %ne3A_2512 = arith.constant 0 : i32
        %ne3A_2513 = arith.cmpi ne, %rem3A_2511, %ne3A_2512 : i32
        %and3A_2514 = arith.andi %ne3A_2510, %ne3A_2513 : i1
        %sub3A_2515 = arith.constant 1 : i32
        %sub3A_2516 = arith.subi %div3A_2495, %sub3A_2515 : i32
        %select_n3A_2517 = arith.select %and3A_2514, %sub3A_2516, %div3A_2495 : i32
        %jit3A_2518 = arith.constant 2 : i32
        %eq3A_2519 = arith.constant 0 : i32
        %eq3A_2520 = arith.cmpi eq, %jit3A_2518, %eq3A_2519 : i32
        %jit3A_2521 = arith.constant 1 : i32
        %select_n3A_2522 = arith.select %eq3A_2520, %jit3A_2521, %jit3A_2518 : i32
        %rem3A_2523 = arith.remsi %add3A_1342, %select_n3A_2522 : i32
        %ne3A_2524 = arith.constant 0 : i32
        %ne3A_2525 = arith.cmpi ne, %rem3A_2523, %ne3A_2524 : i32
        %lt3A_2526 = arith.constant 0 : i32
        %lt3A_2527 = arith.cmpi slt, %rem3A_2523, %lt3A_2526 : i32
        %lt3A_2528 = arith.constant 0 : i32
        %lt3A_2529 = arith.cmpi slt, %select_n3A_2522, %lt3A_2528 : i32
        %ne3A_2530 = arith.xori %lt3A_2527, %lt3A_2529 : i1
        %and3A_2531 = arith.andi %ne3A_2530, %ne3A_2525 : i1
        %add3A_2532 = arith.addi %rem3A_2523, %select_n3A_2522 : i32
        %select_n3A_2533 = arith.select %and3A_2531, %add3A_2532, %rem3A_2523 : i32
        %mul3A_2534 = arith.constant 64 : i32
        %mul3A_2535 = arith.muli %select_n3A_2533, %mul3A_2534 : i32
        %dma_start3A_2536 = arith.constant 1 : i32
        %dma_start3A_2537 = arith.constant 0 : i32
        %dma_start3A_2538 = arith.constant 0 : i32
        %dma_start3A_2539 = tpu.memref_slice %arg6[%dma_start3A_2536, %dma_start3A_2537, %dma_start3A_2538] : memref<12x64x128xf32, #tpu.memory_space<vmem>> -> memref<1x64x128xf32, #tpu.memory_space<vmem>>
        %dma_start3A_2540 = tpu.memref_squeeze %dma_start3A_2539 : memref<1x64x128xf32, #tpu.memory_space<vmem>> -> memref<64x128xf32, #tpu.memory_space<vmem>>
        %dma_start3A_2541 = tpu.memref_slice %arg5[%select_n3A_2517, %mul3A_2535] : memref<50x128xi32, #tpu.memory_space<vmem>> -> memref<1x64xi32, #tpu.memory_space<vmem>>
        %dma_start3A_2542 = tpu.memref_squeeze %dma_start3A_2541 : memref<1x64xi32, #tpu.memory_space<vmem>> -> memref<64xi32, #tpu.memory_space<vmem>>
        %dma_start3A_2543 = arith.constant 0 : i32
        %dma_start3A_2544 = arith.constant 0 : i32
        %dma_start3A_2545 = tpu.memref_slice %arg3[%dma_start3A_2543, %dma_start3A_2544] : memref<100000x128xf32, #tpu.memory_space<hbm>> -> memref<100000x128xf32, #tpu.memory_space<hbm>>
        tpu.enqueue_indirect_dma source(%dma_start3A_2545 : memref<100000x128xf32, #tpu.memory_space<hbm>>) target(%dma_start3A_2540 : memref<64x128xf32, #tpu.memory_space<vmem>>) offsets(%dma_start3A_2542 : memref<64xi32, #tpu.memory_space<vmem>>) semaphore(%arg8 : memref<!tpu.dma_semaphore, #tpu.memory_space<semaphore_mem>>)
      } else {
      }
      %mul3A_1408 = arith.constant 12 : i32
      %mul3A_1409 = arith.muli %scan3A_366, %mul3A_1408 : i32
      %add3A_1410 = arith.constant 6 : i32
      %add3A_1411 = arith.addi %mul3A_1409, %add3A_1410 : i32
      %jit3A_1412 = arith.constant 2 : i32
      %div3A_1413 = arith.divsi %add3A_1411, %jit3A_1412 : i32
      %sign3A_1414 = arith.constant 0 : i32
      %sign3A_1415 = arith.cmpi sgt, %add3A_1411, %sign3A_1414 : i32
      %sign3A_1416 = arith.extui %sign3A_1415 : i1 to i32
      %sign3A_1417 = arith.constant 0 : i32
      %sign3A_1418 = arith.cmpi slt, %add3A_1411, %sign3A_1417 : i32
      %sign3A_1419 = arith.extui %sign3A_1418 : i1 to i32
      %sign3A_1420 = arith.subi %sign3A_1416, %sign3A_1419 : i32
      %sign3A_1421 = arith.constant 0 : i32
      %sign3A_1422 = arith.cmpi sgt, %jit3A_1412, %sign3A_1421 : i32
      %sign3A_1423 = arith.extui %sign3A_1422 : i1 to i32
      %sign3A_1424 = arith.constant 0 : i32
      %sign3A_1425 = arith.cmpi slt, %jit3A_1412, %sign3A_1424 : i32
      %sign3A_1426 = arith.extui %sign3A_1425 : i1 to i32
      %sign3A_1427 = arith.subi %sign3A_1423, %sign3A_1426 : i32
      %ne3A_1428 = arith.cmpi ne, %sign3A_1420, %sign3A_1427 : i32
      %rem3A_1429 = arith.remsi %add3A_1411, %jit3A_1412 : i32
      %ne3A_1430 = arith.constant 0 : i32
      %ne3A_1431 = arith.cmpi ne, %rem3A_1429, %ne3A_1430 : i32
      %and3A_1432 = arith.andi %ne3A_1428, %ne3A_1431 : i1
      %sub3A_1433 = arith.constant 1 : i32
      %sub3A_1434 = arith.subi %div3A_1413, %sub3A_1433 : i32
      %select_n3A_1435 = arith.select %and3A_1432, %sub3A_1434, %div3A_1413 : i32
      %jit3A_1436 = arith.constant 2 : i32
      %eq3A_1437 = arith.constant 0 : i32
      %eq3A_1438 = arith.cmpi eq, %jit3A_1436, %eq3A_1437 : i32
      %jit3A_1439 = arith.constant 1 : i32
      %select_n3A_1440 = arith.select %eq3A_1438, %jit3A_1439, %jit3A_1436 : i32
      %rem3A_1441 = arith.remsi %add3A_1411, %select_n3A_1440 : i32
      %ne3A_1442 = arith.constant 0 : i32
      %ne3A_1443 = arith.cmpi ne, %rem3A_1441, %ne3A_1442 : i32
      %lt3A_1444 = arith.constant 0 : i32
      %lt3A_1445 = arith.cmpi slt, %rem3A_1441, %lt3A_1444 : i32
      %lt3A_1446 = arith.constant 0 : i32
      %lt3A_1447 = arith.cmpi slt, %select_n3A_1440, %lt3A_1446 : i32
      %ne3A_1448 = arith.xori %lt3A_1445, %lt3A_1447 : i1
      %and3A_1449 = arith.andi %ne3A_1448, %ne3A_1443 : i1
      %add3A_1450 = arith.addi %rem3A_1441, %select_n3A_1440 : i32
      %select_n3A_1451 = arith.select %and3A_1449, %add3A_1450, %rem3A_1441 : i32
      %mul3A_1452 = arith.constant 64 : i32
      %mul3A_1453 = arith.muli %select_n3A_1451, %mul3A_1452 : i32
      %dma_wait3A_1454 = arith.constant 6 : i32
      %dma_wait3A_1455 = arith.constant 0 : i32
      %dma_wait3A_1456 = arith.constant 0 : i32
      %dma_wait3A_1457 = tpu.memref_slice %arg6[%dma_wait3A_1454, %dma_wait3A_1455, %dma_wait3A_1456] : memref<12x64x128xf32, #tpu.memory_space<vmem>> -> memref<1x64x128xf32, #tpu.memory_space<vmem>>
      %dma_wait3A_1458 = tpu.memref_squeeze %dma_wait3A_1457 : memref<1x64x128xf32, #tpu.memory_space<vmem>> -> memref<64x128xf32, #tpu.memory_space<vmem>>
      %dma_wait3A_1459 = tpu.memref_slice %arg5[%select_n3A_1435, %mul3A_1453] : memref<50x128xi32, #tpu.memory_space<vmem>> -> memref<1x64xi32, #tpu.memory_space<vmem>>
      %dma_wait3A_1460 = tpu.memref_squeeze %dma_wait3A_1459 : memref<1x64xi32, #tpu.memory_space<vmem>> -> memref<64xi32, #tpu.memory_space<vmem>>
      %dma_wait3A_1461 = arith.constant 0 : i32
      %dma_wait3A_1462 = arith.constant 0 : i32
      %dma_wait3A_1463 = tpu.memref_slice %arg3[%dma_wait3A_1461, %dma_wait3A_1462] : memref<100000x128xf32, #tpu.memory_space<hbm>> -> memref<100000x128xf32, #tpu.memory_space<hbm>>
      tpu.wait_indirect_dma semaphore(%arg13 : memref<!tpu.dma_semaphore, #tpu.memory_space<semaphore_mem>>) src(%dma_wait3A_1463 : memref<100000x128xf32, #tpu.memory_space<hbm>>) dst(%dma_wait3A_1458 : memref<64x128xf32, #tpu.memory_space<vmem>>)
      %jit3A_1464 = arith.constant 2 : i32
      %div3A_1465 = arith.divsi %add3A_1411, %jit3A_1464 : i32
      %sign3A_1466 = arith.constant 0 : i32
      %sign3A_1467 = arith.cmpi sgt, %add3A_1411, %sign3A_1466 : i32
      %sign3A_1468 = arith.extui %sign3A_1467 : i1 to i32
      %sign3A_1469 = arith.constant 0 : i32
      %sign3A_1470 = arith.cmpi slt, %add3A_1411, %sign3A_1469 : i32
      %sign3A_1471 = arith.extui %sign3A_1470 : i1 to i32
      %sign3A_1472 = arith.subi %sign3A_1468, %sign3A_1471 : i32
      %sign3A_1473 = arith.constant 0 : i32
      %sign3A_1474 = arith.cmpi sgt, %jit3A_1464, %sign3A_1473 : i32
      %sign3A_1475 = arith.extui %sign3A_1474 : i1 to i32
      %sign3A_1476 = arith.constant 0 : i32
      %sign3A_1477 = arith.cmpi slt, %jit3A_1464, %sign3A_1476 : i32
      %sign3A_1478 = arith.extui %sign3A_1477 : i1 to i32
      %sign3A_1479 = arith.subi %sign3A_1475, %sign3A_1478 : i32
      %ne3A_1480 = arith.cmpi ne, %sign3A_1472, %sign3A_1479 : i32
      %rem3A_1481 = arith.remsi %add3A_1411, %jit3A_1464 : i32
      %ne3A_1482 = arith.constant 0 : i32
      %ne3A_1483 = arith.cmpi ne, %rem3A_1481, %ne3A_1482 : i32
      %and3A_1484 = arith.andi %ne3A_1480, %ne3A_1483 : i1
      %sub3A_1485 = arith.constant 1 : i32
      %sub3A_1486 = arith.subi %div3A_1465, %sub3A_1485 : i32
      %select_n3A_1487 = arith.select %and3A_1484, %sub3A_1486, %div3A_1465 : i32
      %jit3A_1488 = arith.constant 2 : i32
      %eq3A_1489 = arith.constant 0 : i32
      %eq3A_1490 = arith.cmpi eq, %jit3A_1488, %eq3A_1489 : i32
      %jit3A_1491 = arith.constant 1 : i32
      %select_n3A_1492 = arith.select %eq3A_1490, %jit3A_1491, %jit3A_1488 : i32
      %rem3A_1493 = arith.remsi %add3A_1411, %select_n3A_1492 : i32
      %ne3A_1494 = arith.constant 0 : i32
      %ne3A_1495 = arith.cmpi ne, %rem3A_1493, %ne3A_1494 : i32
      %lt3A_1496 = arith.constant 0 : i32
      %lt3A_1497 = arith.cmpi slt, %rem3A_1493, %lt3A_1496 : i32
      %lt3A_1498 = arith.constant 0 : i32
      %lt3A_1499 = arith.cmpi slt, %select_n3A_1492, %lt3A_1498 : i32
      %ne3A_1500 = arith.xori %lt3A_1497, %lt3A_1499 : i1
      %and3A_1501 = arith.andi %ne3A_1500, %ne3A_1495 : i1
      %add3A_1502 = arith.addi %rem3A_1493, %select_n3A_1492 : i32
      %select_n3A_1503 = arith.select %and3A_1501, %add3A_1502, %rem3A_1493 : i32
      %mul3A_1504 = arith.constant 64 : i32
      %mul3A_1505 = arith.muli %select_n3A_1503, %mul3A_1504 : i32
      %add3A_1506 = arith.addi %mul3A_2, %mul3A_1505 : i32
      %dma_start3A_1507 = arith.constant 6 : i32
      %dma_start3A_1508 = arith.constant 0 : i32
      %dma_start3A_1509 = arith.constant 0 : i32
      %dma_start3A_1510 = tpu.memref_slice %arg6[%dma_start3A_1507, %dma_start3A_1508, %dma_start3A_1509] : memref<12x64x128xf32, #tpu.memory_space<vmem>> -> memref<1x64x128xf32, #tpu.memory_space<vmem>>
      %dma_start3A_1511 = tpu.memref_squeeze %dma_start3A_1510 : memref<1x64x128xf32, #tpu.memory_space<vmem>> -> memref<64x128xf32, #tpu.memory_space<vmem>>
      %dma_start3A_1512 = arith.constant 0 : i32
      %dma_start3A_1513 = tpu.memref_slice %arg4[%select_n3A_1487, %add3A_1506, %dma_start3A_1512] : memref<50x4096x128xf32, #tpu.memory_space<hbm>> -> memref<1x64x128xf32, #tpu.memory_space<hbm>>
      %dma_start3A_1514 = tpu.memref_squeeze %dma_start3A_1513 : memref<1x64x128xf32, #tpu.memory_space<hbm>> -> memref<64x128xf32, #tpu.memory_space<hbm>>
      %dma_start3A_1515 = arith.constant 0 : i32
      %dma_start3A_1516 = tpu.memref_slice %arg4[%select_n3A_1487, %add3A_1506, %dma_start3A_1515] : memref<50x4096x128xf32, #tpu.memory_space<hbm>> -> memref<1x64x128xf32, #tpu.memory_space<hbm>>
      %dma_start3A_1517 = tpu.memref_squeeze %dma_start3A_1516 : memref<1x64x128xf32, #tpu.memory_space<hbm>> -> memref<64x128xf32, #tpu.memory_space<hbm>>
      %dma_start3A_1518 = arith.constant 0 : i32
      %dma_start3A_1519 = arith.constant 0 : i32
      %dma_start3A_1520 = tpu.memref_slice %arg6[%dma_start3A_1507, %dma_start3A_1518, %dma_start3A_1519] : memref<12x64x128xf32, #tpu.memory_space<vmem>> -> memref<1x64x128xf32, #tpu.memory_space<vmem>>
      %dma_start3A_1521 = tpu.memref_squeeze %dma_start3A_1520 : memref<1x64x128xf32, #tpu.memory_space<vmem>> -> memref<64x128xf32, #tpu.memory_space<vmem>>
      tpu.enqueue_dma source(%dma_start3A_1521 : memref<64x128xf32, #tpu.memory_space<vmem>>) target(%dma_start3A_1517 : memref<64x128xf32, #tpu.memory_space<hbm>>) target_semaphore(%arg25 : memref<!tpu.dma_semaphore, #tpu.memory_space<semaphore_mem>>)
      %add3A_1522 = arith.constant 8 : i32
      %add3A_1523 = arith.addi %add3A_1411, %add3A_1522 : i32
      %sub3A_1524 = arith.constant 12 : i32
      %sub3A_1525 = arith.subi %add3A_1523, %sub3A_1524 : i32
      %jit3A_1526 = arith.constant 2 : i32
      %div3A_1527 = arith.divsi %sub3A_1525, %jit3A_1526 : i32
      %sign3A_1528 = arith.constant 0 : i32
      %sign3A_1529 = arith.cmpi sgt, %sub3A_1525, %sign3A_1528 : i32
      %sign3A_1530 = arith.extui %sign3A_1529 : i1 to i32
      %sign3A_1531 = arith.constant 0 : i32
      %sign3A_1532 = arith.cmpi slt, %sub3A_1525, %sign3A_1531 : i32
      %sign3A_1533 = arith.extui %sign3A_1532 : i1 to i32
      %sign3A_1534 = arith.subi %sign3A_1530, %sign3A_1533 : i32
      %sign3A_1535 = arith.constant 0 : i32
      %sign3A_1536 = arith.cmpi sgt, %jit3A_1526, %sign3A_1535 : i32
      %sign3A_1537 = arith.extui %sign3A_1536 : i1 to i32
      %sign3A_1538 = arith.constant 0 : i32
      %sign3A_1539 = arith.cmpi slt, %jit3A_1526, %sign3A_1538 : i32
      %sign3A_1540 = arith.extui %sign3A_1539 : i1 to i32
      %sign3A_1541 = arith.subi %sign3A_1537, %sign3A_1540 : i32
      %ne3A_1542 = arith.cmpi ne, %sign3A_1534, %sign3A_1541 : i32
      %rem3A_1543 = arith.remsi %sub3A_1525, %jit3A_1526 : i32
      %ne3A_1544 = arith.constant 0 : i32
      %ne3A_1545 = arith.cmpi ne, %rem3A_1543, %ne3A_1544 : i32
      %and3A_1546 = arith.andi %ne3A_1542, %ne3A_1545 : i1
      %sub3A_1547 = arith.constant 1 : i32
      %sub3A_1548 = arith.subi %div3A_1527, %sub3A_1547 : i32
      %select_n3A_1549 = arith.select %and3A_1546, %sub3A_1548, %div3A_1527 : i32
      %jit3A_1550 = arith.constant 2 : i32
      %eq3A_1551 = arith.constant 0 : i32
      %eq3A_1552 = arith.cmpi eq, %jit3A_1550, %eq3A_1551 : i32
      %jit3A_1553 = arith.constant 1 : i32
      %select_n3A_1554 = arith.select %eq3A_1552, %jit3A_1553, %jit3A_1550 : i32
      %rem3A_1555 = arith.remsi %sub3A_1525, %select_n3A_1554 : i32
      %ne3A_1556 = arith.constant 0 : i32
      %ne3A_1557 = arith.cmpi ne, %rem3A_1555, %ne3A_1556 : i32
      %lt3A_1558 = arith.constant 0 : i32
      %lt3A_1559 = arith.cmpi slt, %rem3A_1555, %lt3A_1558 : i32
      %lt3A_1560 = arith.constant 0 : i32
      %lt3A_1561 = arith.cmpi slt, %select_n3A_1554, %lt3A_1560 : i32
      %ne3A_1562 = arith.xori %lt3A_1559, %lt3A_1561 : i1
      %and3A_1563 = arith.andi %ne3A_1562, %ne3A_1557 : i1
      %add3A_1564 = arith.addi %rem3A_1555, %select_n3A_1554 : i32
      %select_n3A_1565 = arith.select %and3A_1563, %add3A_1564, %rem3A_1555 : i32
      %mul3A_1566 = arith.constant 64 : i32
      %mul3A_1567 = arith.muli %select_n3A_1565, %mul3A_1566 : i32
      %add3A_1568 = arith.addi %mul3A_2, %mul3A_1567 : i32
      %dma_wait3A_1569 = arith.constant 2 : i32
      %dma_wait3A_1570 = arith.constant 0 : i32
      %dma_wait3A_1571 = arith.constant 0 : i32
      %dma_wait3A_1572 = tpu.memref_slice %arg6[%dma_wait3A_1569, %dma_wait3A_1570, %dma_wait3A_1571] : memref<12x64x128xf32, #tpu.memory_space<vmem>> -> memref<1x64x128xf32, #tpu.memory_space<vmem>>
      %dma_wait3A_1573 = tpu.memref_squeeze %dma_wait3A_1572 : memref<1x64x128xf32, #tpu.memory_space<vmem>> -> memref<64x128xf32, #tpu.memory_space<vmem>>
      %dma_wait3A_1574 = arith.constant 0 : i32
      %dma_wait3A_1575 = tpu.memref_slice %arg4[%select_n3A_1549, %add3A_1568, %dma_wait3A_1574] : memref<50x4096x128xf32, #tpu.memory_space<hbm>> -> memref<1x64x128xf32, #tpu.memory_space<hbm>>
      %dma_wait3A_1576 = tpu.memref_squeeze %dma_wait3A_1575 : memref<1x64x128xf32, #tpu.memory_space<hbm>> -> memref<64x128xf32, #tpu.memory_space<hbm>>
      %dma_wait3A_1577 = arith.constant 0 : i32
      %dma_wait3A_1578 = tpu.memref_slice %arg4[%select_n3A_1549, %add3A_1568, %dma_wait3A_1577] : memref<50x4096x128xf32, #tpu.memory_space<hbm>> -> memref<1x64x128xf32, #tpu.memory_space<hbm>>
      %dma_wait3A_1579 = tpu.memref_squeeze %dma_wait3A_1578 : memref<1x64x128xf32, #tpu.memory_space<hbm>> -> memref<64x128xf32, #tpu.memory_space<hbm>>
      %dma_wait3A_1580 = arith.constant 0 : i32
      %dma_wait3A_1581 = arith.constant 0 : i32
      %dma_wait3A_1582 = tpu.memref_slice %arg6[%dma_wait3A_1569, %dma_wait3A_1580, %dma_wait3A_1581] : memref<12x64x128xf32, #tpu.memory_space<vmem>> -> memref<1x64x128xf32, #tpu.memory_space<vmem>>
      %dma_wait3A_1583 = tpu.memref_squeeze %dma_wait3A_1582 : memref<1x64x128xf32, #tpu.memory_space<vmem>> -> memref<64x128xf32, #tpu.memory_space<vmem>>
      tpu.wait_dma2 semaphore(%arg21 : memref<!tpu.dma_semaphore, #tpu.memory_space<semaphore_mem>>) src(%dma_wait3A_1583 : memref<64x128xf32, #tpu.memory_space<vmem>>) dst(%dma_wait3A_1579 : memref<64x128xf32, #tpu.memory_space<hbm>>)
      %lt3A_1584 = arith.constant 100 : i32
      %lt3A_1585 = arith.cmpi slt, %add3A_1523, %lt3A_1584 : i32
      %convert_element_type3A_1586 = arith.extui %lt3A_1585 : i1 to i32
      %cond3A_1587 = arith.constant 0 : i32
      %cond3A_1588 = arith.cmpi ne, %convert_element_type3A_1586, %cond3A_1587 : i32
      scf.if %cond3A_1588 {
        %jit3A_2494 = arith.constant 2 : i32
        %div3A_2495 = arith.divsi %add3A_1523, %jit3A_2494 : i32
        %sign3A_2496 = arith.constant 0 : i32
        %sign3A_2497 = arith.cmpi sgt, %add3A_1523, %sign3A_2496 : i32
        %sign3A_2498 = arith.extui %sign3A_2497 : i1 to i32
        %sign3A_2499 = arith.constant 0 : i32
        %sign3A_2500 = arith.cmpi slt, %add3A_1523, %sign3A_2499 : i32
        %sign3A_2501 = arith.extui %sign3A_2500 : i1 to i32
        %sign3A_2502 = arith.subi %sign3A_2498, %sign3A_2501 : i32
        %sign3A_2503 = arith.constant 0 : i32
        %sign3A_2504 = arith.cmpi sgt, %jit3A_2494, %sign3A_2503 : i32
        %sign3A_2505 = arith.extui %sign3A_2504 : i1 to i32
        %sign3A_2506 = arith.constant 0 : i32
        %sign3A_2507 = arith.cmpi slt, %jit3A_2494, %sign3A_2506 : i32
        %sign3A_2508 = arith.extui %sign3A_2507 : i1 to i32
        %sign3A_2509 = arith.subi %sign3A_2505, %sign3A_2508 : i32
        %ne3A_2510 = arith.cmpi ne, %sign3A_2502, %sign3A_2509 : i32
        %rem3A_2511 = arith.remsi %add3A_1523, %jit3A_2494 : i32
        %ne3A_2512 = arith.constant 0 : i32
        %ne3A_2513 = arith.cmpi ne, %rem3A_2511, %ne3A_2512 : i32
        %and3A_2514 = arith.andi %ne3A_2510, %ne3A_2513 : i1
        %sub3A_2515 = arith.constant 1 : i32
        %sub3A_2516 = arith.subi %div3A_2495, %sub3A_2515 : i32
        %select_n3A_2517 = arith.select %and3A_2514, %sub3A_2516, %div3A_2495 : i32
        %jit3A_2518 = arith.constant 2 : i32
        %eq3A_2519 = arith.constant 0 : i32
        %eq3A_2520 = arith.cmpi eq, %jit3A_2518, %eq3A_2519 : i32
        %jit3A_2521 = arith.constant 1 : i32
        %select_n3A_2522 = arith.select %eq3A_2520, %jit3A_2521, %jit3A_2518 : i32
        %rem3A_2523 = arith.remsi %add3A_1523, %select_n3A_2522 : i32
        %ne3A_2524 = arith.constant 0 : i32
        %ne3A_2525 = arith.cmpi ne, %rem3A_2523, %ne3A_2524 : i32
        %lt3A_2526 = arith.constant 0 : i32
        %lt3A_2527 = arith.cmpi slt, %rem3A_2523, %lt3A_2526 : i32
        %lt3A_2528 = arith.constant 0 : i32
        %lt3A_2529 = arith.cmpi slt, %select_n3A_2522, %lt3A_2528 : i32
        %ne3A_2530 = arith.xori %lt3A_2527, %lt3A_2529 : i1
        %and3A_2531 = arith.andi %ne3A_2530, %ne3A_2525 : i1
        %add3A_2532 = arith.addi %rem3A_2523, %select_n3A_2522 : i32
        %select_n3A_2533 = arith.select %and3A_2531, %add3A_2532, %rem3A_2523 : i32
        %mul3A_2534 = arith.constant 64 : i32
        %mul3A_2535 = arith.muli %select_n3A_2533, %mul3A_2534 : i32
        %dma_start3A_2536 = arith.constant 2 : i32
        %dma_start3A_2537 = arith.constant 0 : i32
        %dma_start3A_2538 = arith.constant 0 : i32
        %dma_start3A_2539 = tpu.memref_slice %arg6[%dma_start3A_2536, %dma_start3A_2537, %dma_start3A_2538] : memref<12x64x128xf32, #tpu.memory_space<vmem>> -> memref<1x64x128xf32, #tpu.memory_space<vmem>>
        %dma_start3A_2540 = tpu.memref_squeeze %dma_start3A_2539 : memref<1x64x128xf32, #tpu.memory_space<vmem>> -> memref<64x128xf32, #tpu.memory_space<vmem>>
        %dma_start3A_2541 = tpu.memref_slice %arg5[%select_n3A_2517, %mul3A_2535] : memref<50x128xi32, #tpu.memory_space<vmem>> -> memref<1x64xi32, #tpu.memory_space<vmem>>
        %dma_start3A_2542 = tpu.memref_squeeze %dma_start3A_2541 : memref<1x64xi32, #tpu.memory_space<vmem>> -> memref<64xi32, #tpu.memory_space<vmem>>
        %dma_start3A_2543 = arith.constant 0 : i32
        %dma_start3A_2544 = arith.constant 0 : i32
        %dma_start3A_2545 = tpu.memref_slice %arg3[%dma_start3A_2543, %dma_start3A_2544] : memref<100000x128xf32, #tpu.memory_space<hbm>> -> memref<100000x128xf32, #tpu.memory_space<hbm>>
        tpu.enqueue_indirect_dma source(%dma_start3A_2545 : memref<100000x128xf32, #tpu.memory_space<hbm>>) target(%dma_start3A_2540 : memref<64x128xf32, #tpu.memory_space<vmem>>) offsets(%dma_start3A_2542 : memref<64xi32, #tpu.memory_space<vmem>>) semaphore(%arg9 : memref<!tpu.dma_semaphore, #tpu.memory_space<semaphore_mem>>)
      } else {
      }
      %mul3A_1589 = arith.constant 12 : i32
      %mul3A_1590 = arith.muli %scan3A_366, %mul3A_1589 : i32
      %add3A_1591 = arith.constant 7 : i32
      %add3A_1592 = arith.addi %mul3A_1590, %add3A_1591 : i32
      %jit3A_1593 = arith.constant 2 : i32
      %div3A_1594 = arith.divsi %add3A_1592, %jit3A_1593 : i32
      %sign3A_1595 = arith.constant 0 : i32
      %sign3A_1596 = arith.cmpi sgt, %add3A_1592, %sign3A_1595 : i32
      %sign3A_1597 = arith.extui %sign3A_1596 : i1 to i32
      %sign3A_1598 = arith.constant 0 : i32
      %sign3A_1599 = arith.cmpi slt, %add3A_1592, %sign3A_1598 : i32
      %sign3A_1600 = arith.extui %sign3A_1599 : i1 to i32
      %sign3A_1601 = arith.subi %sign3A_1597, %sign3A_1600 : i32
      %sign3A_1602 = arith.constant 0 : i32
      %sign3A_1603 = arith.cmpi sgt, %jit3A_1593, %sign3A_1602 : i32
      %sign3A_1604 = arith.extui %sign3A_1603 : i1 to i32
      %sign3A_1605 = arith.constant 0 : i32
      %sign3A_1606 = arith.cmpi slt, %jit3A_1593, %sign3A_1605 : i32
      %sign3A_1607 = arith.extui %sign3A_1606 : i1 to i32
      %sign3A_1608 = arith.subi %sign3A_1604, %sign3A_1607 : i32
      %ne3A_1609 = arith.cmpi ne, %sign3A_1601, %sign3A_1608 : i32
      %rem3A_1610 = arith.remsi %add3A_1592, %jit3A_1593 : i32
      %ne3A_1611 = arith.constant 0 : i32
      %ne3A_1612 = arith.cmpi ne, %rem3A_1610, %ne3A_1611 : i32
      %and3A_1613 = arith.andi %ne3A_1609, %ne3A_1612 : i1
      %sub3A_1614 = arith.constant 1 : i32
      %sub3A_1615 = arith.subi %div3A_1594, %sub3A_1614 : i32
      %select_n3A_1616 = arith.select %and3A_1613, %sub3A_1615, %div3A_1594 : i32
      %jit3A_1617 = arith.constant 2 : i32
      %eq3A_1618 = arith.constant 0 : i32
      %eq3A_1619 = arith.cmpi eq, %jit3A_1617, %eq3A_1618 : i32
      %jit3A_1620 = arith.constant 1 : i32
      %select_n3A_1621 = arith.select %eq3A_1619, %jit3A_1620, %jit3A_1617 : i32
      %rem3A_1622 = arith.remsi %add3A_1592, %select_n3A_1621 : i32
      %ne3A_1623 = arith.constant 0 : i32
      %ne3A_1624 = arith.cmpi ne, %rem3A_1622, %ne3A_1623 : i32
      %lt3A_1625 = arith.constant 0 : i32
      %lt3A_1626 = arith.cmpi slt, %rem3A_1622, %lt3A_1625 : i32
      %lt3A_1627 = arith.constant 0 : i32
      %lt3A_1628 = arith.cmpi slt, %select_n3A_1621, %lt3A_1627 : i32
      %ne3A_1629 = arith.xori %lt3A_1626, %lt3A_1628 : i1
      %and3A_1630 = arith.andi %ne3A_1629, %ne3A_1624 : i1
      %add3A_1631 = arith.addi %rem3A_1622, %select_n3A_1621 : i32
      %select_n3A_1632 = arith.select %and3A_1630, %add3A_1631, %rem3A_1622 : i32
      %mul3A_1633 = arith.constant 64 : i32
      %mul3A_1634 = arith.muli %select_n3A_1632, %mul3A_1633 : i32
      %dma_wait3A_1635 = arith.constant 7 : i32
      %dma_wait3A_1636 = arith.constant 0 : i32
      %dma_wait3A_1637 = arith.constant 0 : i32
      %dma_wait3A_1638 = tpu.memref_slice %arg6[%dma_wait3A_1635, %dma_wait3A_1636, %dma_wait3A_1637] : memref<12x64x128xf32, #tpu.memory_space<vmem>> -> memref<1x64x128xf32, #tpu.memory_space<vmem>>
      %dma_wait3A_1639 = tpu.memref_squeeze %dma_wait3A_1638 : memref<1x64x128xf32, #tpu.memory_space<vmem>> -> memref<64x128xf32, #tpu.memory_space<vmem>>
      %dma_wait3A_1640 = tpu.memref_slice %arg5[%select_n3A_1616, %mul3A_1634] : memref<50x128xi32, #tpu.memory_space<vmem>> -> memref<1x64xi32, #tpu.memory_space<vmem>>
      %dma_wait3A_1641 = tpu.memref_squeeze %dma_wait3A_1640 : memref<1x64xi32, #tpu.memory_space<vmem>> -> memref<64xi32, #tpu.memory_space<vmem>>
      %dma_wait3A_1642 = arith.constant 0 : i32
      %dma_wait3A_1643 = arith.constant 0 : i32
      %dma_wait3A_1644 = tpu.memref_slice %arg3[%dma_wait3A_1642, %dma_wait3A_1643] : memref<100000x128xf32, #tpu.memory_space<hbm>> -> memref<100000x128xf32, #tpu.memory_space<hbm>>
      tpu.wait_indirect_dma semaphore(%arg14 : memref<!tpu.dma_semaphore, #tpu.memory_space<semaphore_mem>>) src(%dma_wait3A_1644 : memref<100000x128xf32, #tpu.memory_space<hbm>>) dst(%dma_wait3A_1639 : memref<64x128xf32, #tpu.memory_space<vmem>>)
      %jit3A_1645 = arith.constant 2 : i32
      %div3A_1646 = arith.divsi %add3A_1592, %jit3A_1645 : i32
      %sign3A_1647 = arith.constant 0 : i32
      %sign3A_1648 = arith.cmpi sgt, %add3A_1592, %sign3A_1647 : i32
      %sign3A_1649 = arith.extui %sign3A_1648 : i1 to i32
      %sign3A_1650 = arith.constant 0 : i32
      %sign3A_1651 = arith.cmpi slt, %add3A_1592, %sign3A_1650 : i32
      %sign3A_1652 = arith.extui %sign3A_1651 : i1 to i32
      %sign3A_1653 = arith.subi %sign3A_1649, %sign3A_1652 : i32
      %sign3A_1654 = arith.constant 0 : i32
      %sign3A_1655 = arith.cmpi sgt, %jit3A_1645, %sign3A_1654 : i32
      %sign3A_1656 = arith.extui %sign3A_1655 : i1 to i32
      %sign3A_1657 = arith.constant 0 : i32
      %sign3A_1658 = arith.cmpi slt, %jit3A_1645, %sign3A_1657 : i32
      %sign3A_1659 = arith.extui %sign3A_1658 : i1 to i32
      %sign3A_1660 = arith.subi %sign3A_1656, %sign3A_1659 : i32
      %ne3A_1661 = arith.cmpi ne, %sign3A_1653, %sign3A_1660 : i32
      %rem3A_1662 = arith.remsi %add3A_1592, %jit3A_1645 : i32
      %ne3A_1663 = arith.constant 0 : i32
      %ne3A_1664 = arith.cmpi ne, %rem3A_1662, %ne3A_1663 : i32
      %and3A_1665 = arith.andi %ne3A_1661, %ne3A_1664 : i1
      %sub3A_1666 = arith.constant 1 : i32
      %sub3A_1667 = arith.subi %div3A_1646, %sub3A_1666 : i32
      %select_n3A_1668 = arith.select %and3A_1665, %sub3A_1667, %div3A_1646 : i32
      %jit3A_1669 = arith.constant 2 : i32
      %eq3A_1670 = arith.constant 0 : i32
      %eq3A_1671 = arith.cmpi eq, %jit3A_1669, %eq3A_1670 : i32
      %jit3A_1672 = arith.constant 1 : i32
      %select_n3A_1673 = arith.select %eq3A_1671, %jit3A_1672, %jit3A_1669 : i32
      %rem3A_1674 = arith.remsi %add3A_1592, %select_n3A_1673 : i32
      %ne3A_1675 = arith.constant 0 : i32
      %ne3A_1676 = arith.cmpi ne, %rem3A_1674, %ne3A_1675 : i32
      %lt3A_1677 = arith.constant 0 : i32
      %lt3A_1678 = arith.cmpi slt, %rem3A_1674, %lt3A_1677 : i32
      %lt3A_1679 = arith.constant 0 : i32
      %lt3A_1680 = arith.cmpi slt, %select_n3A_1673, %lt3A_1679 : i32
      %ne3A_1681 = arith.xori %lt3A_1678, %lt3A_1680 : i1
      %and3A_1682 = arith.andi %ne3A_1681, %ne3A_1676 : i1
      %add3A_1683 = arith.addi %rem3A_1674, %select_n3A_1673 : i32
      %select_n3A_1684 = arith.select %and3A_1682, %add3A_1683, %rem3A_1674 : i32
      %mul3A_1685 = arith.constant 64 : i32
      %mul3A_1686 = arith.muli %select_n3A_1684, %mul3A_1685 : i32
      %add3A_1687 = arith.addi %mul3A_2, %mul3A_1686 : i32
      %dma_start3A_1688 = arith.constant 7 : i32
      %dma_start3A_1689 = arith.constant 0 : i32
      %dma_start3A_1690 = arith.constant 0 : i32
      %dma_start3A_1691 = tpu.memref_slice %arg6[%dma_start3A_1688, %dma_start3A_1689, %dma_start3A_1690] : memref<12x64x128xf32, #tpu.memory_space<vmem>> -> memref<1x64x128xf32, #tpu.memory_space<vmem>>
      %dma_start3A_1692 = tpu.memref_squeeze %dma_start3A_1691 : memref<1x64x128xf32, #tpu.memory_space<vmem>> -> memref<64x128xf32, #tpu.memory_space<vmem>>
      %dma_start3A_1693 = arith.constant 0 : i32
      %dma_start3A_1694 = tpu.memref_slice %arg4[%select_n3A_1668, %add3A_1687, %dma_start3A_1693] : memref<50x4096x128xf32, #tpu.memory_space<hbm>> -> memref<1x64x128xf32, #tpu.memory_space<hbm>>
      %dma_start3A_1695 = tpu.memref_squeeze %dma_start3A_1694 : memref<1x64x128xf32, #tpu.memory_space<hbm>> -> memref<64x128xf32, #tpu.memory_space<hbm>>
      %dma_start3A_1696 = arith.constant 0 : i32
      %dma_start3A_1697 = tpu.memref_slice %arg4[%select_n3A_1668, %add3A_1687, %dma_start3A_1696] : memref<50x4096x128xf32, #tpu.memory_space<hbm>> -> memref<1x64x128xf32, #tpu.memory_space<hbm>>
      %dma_start3A_1698 = tpu.memref_squeeze %dma_start3A_1697 : memref<1x64x128xf32, #tpu.memory_space<hbm>> -> memref<64x128xf32, #tpu.memory_space<hbm>>
      %dma_start3A_1699 = arith.constant 0 : i32
      %dma_start3A_1700 = arith.constant 0 : i32
      %dma_start3A_1701 = tpu.memref_slice %arg6[%dma_start3A_1688, %dma_start3A_1699, %dma_start3A_1700] : memref<12x64x128xf32, #tpu.memory_space<vmem>> -> memref<1x64x128xf32, #tpu.memory_space<vmem>>
      %dma_start3A_1702 = tpu.memref_squeeze %dma_start3A_1701 : memref<1x64x128xf32, #tpu.memory_space<vmem>> -> memref<64x128xf32, #tpu.memory_space<vmem>>
      tpu.enqueue_dma source(%dma_start3A_1702 : memref<64x128xf32, #tpu.memory_space<vmem>>) target(%dma_start3A_1698 : memref<64x128xf32, #tpu.memory_space<hbm>>) target_semaphore(%arg26 : memref<!tpu.dma_semaphore, #tpu.memory_space<semaphore_mem>>)
      %add3A_1703 = arith.constant 8 : i32
      %add3A_1704 = arith.addi %add3A_1592, %add3A_1703 : i32
      %sub3A_1705 = arith.constant 12 : i32
      %sub3A_1706 = arith.subi %add3A_1704, %sub3A_1705 : i32
      %jit3A_1707 = arith.constant 2 : i32
      %div3A_1708 = arith.divsi %sub3A_1706, %jit3A_1707 : i32
      %sign3A_1709 = arith.constant 0 : i32
      %sign3A_1710 = arith.cmpi sgt, %sub3A_1706, %sign3A_1709 : i32
      %sign3A_1711 = arith.extui %sign3A_1710 : i1 to i32
      %sign3A_1712 = arith.constant 0 : i32
      %sign3A_1713 = arith.cmpi slt, %sub3A_1706, %sign3A_1712 : i32
      %sign3A_1714 = arith.extui %sign3A_1713 : i1 to i32
      %sign3A_1715 = arith.subi %sign3A_1711, %sign3A_1714 : i32
      %sign3A_1716 = arith.constant 0 : i32
      %sign3A_1717 = arith.cmpi sgt, %jit3A_1707, %sign3A_1716 : i32
      %sign3A_1718 = arith.extui %sign3A_1717 : i1 to i32
      %sign3A_1719 = arith.constant 0 : i32
      %sign3A_1720 = arith.cmpi slt, %jit3A_1707, %sign3A_1719 : i32
      %sign3A_1721 = arith.extui %sign3A_1720 : i1 to i32
      %sign3A_1722 = arith.subi %sign3A_1718, %sign3A_1721 : i32
      %ne3A_1723 = arith.cmpi ne, %sign3A_1715, %sign3A_1722 : i32
      %rem3A_1724 = arith.remsi %sub3A_1706, %jit3A_1707 : i32
      %ne3A_1725 = arith.constant 0 : i32
      %ne3A_1726 = arith.cmpi ne, %rem3A_1724, %ne3A_1725 : i32
      %and3A_1727 = arith.andi %ne3A_1723, %ne3A_1726 : i1
      %sub3A_1728 = arith.constant 1 : i32
      %sub3A_1729 = arith.subi %div3A_1708, %sub3A_1728 : i32
      %select_n3A_1730 = arith.select %and3A_1727, %sub3A_1729, %div3A_1708 : i32
      %jit3A_1731 = arith.constant 2 : i32
      %eq3A_1732 = arith.constant 0 : i32
      %eq3A_1733 = arith.cmpi eq, %jit3A_1731, %eq3A_1732 : i32
      %jit3A_1734 = arith.constant 1 : i32
      %select_n3A_1735 = arith.select %eq3A_1733, %jit3A_1734, %jit3A_1731 : i32
      %rem3A_1736 = arith.remsi %sub3A_1706, %select_n3A_1735 : i32
      %ne3A_1737 = arith.constant 0 : i32
      %ne3A_1738 = arith.cmpi ne, %rem3A_1736, %ne3A_1737 : i32
      %lt3A_1739 = arith.constant 0 : i32
      %lt3A_1740 = arith.cmpi slt, %rem3A_1736, %lt3A_1739 : i32
      %lt3A_1741 = arith.constant 0 : i32
      %lt3A_1742 = arith.cmpi slt, %select_n3A_1735, %lt3A_1741 : i32
      %ne3A_1743 = arith.xori %lt3A_1740, %lt3A_1742 : i1
      %and3A_1744 = arith.andi %ne3A_1743, %ne3A_1738 : i1
      %add3A_1745 = arith.addi %rem3A_1736, %select_n3A_1735 : i32
      %select_n3A_1746 = arith.select %and3A_1744, %add3A_1745, %rem3A_1736 : i32
      %mul3A_1747 = arith.constant 64 : i32
      %mul3A_1748 = arith.muli %select_n3A_1746, %mul3A_1747 : i32
      %add3A_1749 = arith.addi %mul3A_2, %mul3A_1748 : i32
      %dma_wait3A_1750 = arith.constant 3 : i32
      %dma_wait3A_1751 = arith.constant 0 : i32
      %dma_wait3A_1752 = arith.constant 0 : i32
      %dma_wait3A_1753 = tpu.memref_slice %arg6[%dma_wait3A_1750, %dma_wait3A_1751, %dma_wait3A_1752] : memref<12x64x128xf32, #tpu.memory_space<vmem>> -> memref<1x64x128xf32, #tpu.memory_space<vmem>>
      %dma_wait3A_1754 = tpu.memref_squeeze %dma_wait3A_1753 : memref<1x64x128xf32, #tpu.memory_space<vmem>> -> memref<64x128xf32, #tpu.memory_space<vmem>>
      %dma_wait3A_1755 = arith.constant 0 : i32
      %dma_wait3A_1756 = tpu.memref_slice %arg4[%select_n3A_1730, %add3A_1749, %dma_wait3A_1755] : memref<50x4096x128xf32, #tpu.memory_space<hbm>> -> memref<1x64x128xf32, #tpu.memory_space<hbm>>
      %dma_wait3A_1757 = tpu.memref_squeeze %dma_wait3A_1756 : memref<1x64x128xf32, #tpu.memory_space<hbm>> -> memref<64x128xf32, #tpu.memory_space<hbm>>
      %dma_wait3A_1758 = arith.constant 0 : i32
      %dma_wait3A_1759 = tpu.memref_slice %arg4[%select_n3A_1730, %add3A_1749, %dma_wait3A_1758] : memref<50x4096x128xf32, #tpu.memory_space<hbm>> -> memref<1x64x128xf32, #tpu.memory_space<hbm>>
      %dma_wait3A_1760 = tpu.memref_squeeze %dma_wait3A_1759 : memref<1x64x128xf32, #tpu.memory_space<hbm>> -> memref<64x128xf32, #tpu.memory_space<hbm>>
      %dma_wait3A_1761 = arith.constant 0 : i32
      %dma_wait3A_1762 = arith.constant 0 : i32
      %dma_wait3A_1763 = tpu.memref_slice %arg6[%dma_wait3A_1750, %dma_wait3A_1761, %dma_wait3A_1762] : memref<12x64x128xf32, #tpu.memory_space<vmem>> -> memref<1x64x128xf32, #tpu.memory_space<vmem>>
      %dma_wait3A_1764 = tpu.memref_squeeze %dma_wait3A_1763 : memref<1x64x128xf32, #tpu.memory_space<vmem>> -> memref<64x128xf32, #tpu.memory_space<vmem>>
      tpu.wait_dma2 semaphore(%arg22 : memref<!tpu.dma_semaphore, #tpu.memory_space<semaphore_mem>>) src(%dma_wait3A_1764 : memref<64x128xf32, #tpu.memory_space<vmem>>) dst(%dma_wait3A_1760 : memref<64x128xf32, #tpu.memory_space<hbm>>)
      %lt3A_1765 = arith.constant 100 : i32
      %lt3A_1766 = arith.cmpi slt, %add3A_1704, %lt3A_1765 : i32
      %convert_element_type3A_1767 = arith.extui %lt3A_1766 : i1 to i32
      %cond3A_1768 = arith.constant 0 : i32
      %cond3A_1769 = arith.cmpi ne, %convert_element_type3A_1767, %cond3A_1768 : i32
      scf.if %cond3A_1769 {
        %jit3A_2494 = arith.constant 2 : i32
        %div3A_2495 = arith.divsi %add3A_1704, %jit3A_2494 : i32
        %sign3A_2496 = arith.constant 0 : i32
        %sign3A_2497 = arith.cmpi sgt, %add3A_1704, %sign3A_2496 : i32
        %sign3A_2498 = arith.extui %sign3A_2497 : i1 to i32
        %sign3A_2499 = arith.constant 0 : i32
        %sign3A_2500 = arith.cmpi slt, %add3A_1704, %sign3A_2499 : i32
        %sign3A_2501 = arith.extui %sign3A_2500 : i1 to i32
        %sign3A_2502 = arith.subi %sign3A_2498, %sign3A_2501 : i32
        %sign3A_2503 = arith.constant 0 : i32
        %sign3A_2504 = arith.cmpi sgt, %jit3A_2494, %sign3A_2503 : i32
        %sign3A_2505 = arith.extui %sign3A_2504 : i1 to i32
        %sign3A_2506 = arith.constant 0 : i32
        %sign3A_2507 = arith.cmpi slt, %jit3A_2494, %sign3A_2506 : i32
        %sign3A_2508 = arith.extui %sign3A_2507 : i1 to i32
        %sign3A_2509 = arith.subi %sign3A_2505, %sign3A_2508 : i32
        %ne3A_2510 = arith.cmpi ne, %sign3A_2502, %sign3A_2509 : i32
        %rem3A_2511 = arith.remsi %add3A_1704, %jit3A_2494 : i32
        %ne3A_2512 = arith.constant 0 : i32
        %ne3A_2513 = arith.cmpi ne, %rem3A_2511, %ne3A_2512 : i32
        %and3A_2514 = arith.andi %ne3A_2510, %ne3A_2513 : i1
        %sub3A_2515 = arith.constant 1 : i32
        %sub3A_2516 = arith.subi %div3A_2495, %sub3A_2515 : i32
        %select_n3A_2517 = arith.select %and3A_2514, %sub3A_2516, %div3A_2495 : i32
        %jit3A_2518 = arith.constant 2 : i32
        %eq3A_2519 = arith.constant 0 : i32
        %eq3A_2520 = arith.cmpi eq, %jit3A_2518, %eq3A_2519 : i32
        %jit3A_2521 = arith.constant 1 : i32
        %select_n3A_2522 = arith.select %eq3A_2520, %jit3A_2521, %jit3A_2518 : i32
        %rem3A_2523 = arith.remsi %add3A_1704, %select_n3A_2522 : i32
        %ne3A_2524 = arith.constant 0 : i32
        %ne3A_2525 = arith.cmpi ne, %rem3A_2523, %ne3A_2524 : i32
        %lt3A_2526 = arith.constant 0 : i32
        %lt3A_2527 = arith.cmpi slt, %rem3A_2523, %lt3A_2526 : i32
        %lt3A_2528 = arith.constant 0 : i32
        %lt3A_2529 = arith.cmpi slt, %select_n3A_2522, %lt3A_2528 : i32
        %ne3A_2530 = arith.xori %lt3A_2527, %lt3A_2529 : i1
        %and3A_2531 = arith.andi %ne3A_2530, %ne3A_2525 : i1
        %add3A_2532 = arith.addi %rem3A_2523, %select_n3A_2522 : i32
        %select_n3A_2533 = arith.select %and3A_2531, %add3A_2532, %rem3A_2523 : i32
        %mul3A_2534 = arith.constant 64 : i32
        %mul3A_2535 = arith.muli %select_n3A_2533, %mul3A_2534 : i32
        %dma_start3A_2536 = arith.constant 3 : i32
        %dma_start3A_2537 = arith.constant 0 : i32
        %dma_start3A_2538 = arith.constant 0 : i32
        %dma_start3A_2539 = tpu.memref_slice %arg6[%dma_start3A_2536, %dma_start3A_2537, %dma_start3A_2538] : memref<12x64x128xf32, #tpu.memory_space<vmem>> -> memref<1x64x128xf32, #tpu.memory_space<vmem>>
        %dma_start3A_2540 = tpu.memref_squeeze %dma_start3A_2539 : memref<1x64x128xf32, #tpu.memory_space<vmem>> -> memref<64x128xf32, #tpu.memory_space<vmem>>
        %dma_start3A_2541 = tpu.memref_slice %arg5[%select_n3A_2517, %mul3A_2535] : memref<50x128xi32, #tpu.memory_space<vmem>> -> memref<1x64xi32, #tpu.memory_space<vmem>>
        %dma_start3A_2542 = tpu.memref_squeeze %dma_start3A_2541 : memref<1x64xi32, #tpu.memory_space<vmem>> -> memref<64xi32, #tpu.memory_space<vmem>>
        %dma_start3A_2543 = arith.constant 0 : i32
        %dma_start3A_2544 = arith.constant 0 : i32
        %dma_start3A_2545 = tpu.memref_slice %arg3[%dma_start3A_2543, %dma_start3A_2544] : memref<100000x128xf32, #tpu.memory_space<hbm>> -> memref<100000x128xf32, #tpu.memory_space<hbm>>
        tpu.enqueue_indirect_dma source(%dma_start3A_2545 : memref<100000x128xf32, #tpu.memory_space<hbm>>) target(%dma_start3A_2540 : memref<64x128xf32, #tpu.memory_space<vmem>>) offsets(%dma_start3A_2542 : memref<64xi32, #tpu.memory_space<vmem>>) semaphore(%arg10 : memref<!tpu.dma_semaphore, #tpu.memory_space<semaphore_mem>>)
      } else {
      }
      %mul3A_1770 = arith.constant 12 : i32
      %mul3A_1771 = arith.muli %scan3A_366, %mul3A_1770 : i32
      %add3A_1772 = arith.constant 8 : i32
      %add3A_1773 = arith.addi %mul3A_1771, %add3A_1772 : i32
      %jit3A_1774 = arith.constant 2 : i32
      %div3A_1775 = arith.divsi %add3A_1773, %jit3A_1774 : i32
      %sign3A_1776 = arith.constant 0 : i32
      %sign3A_1777 = arith.cmpi sgt, %add3A_1773, %sign3A_1776 : i32
      %sign3A_1778 = arith.extui %sign3A_1777 : i1 to i32
      %sign3A_1779 = arith.constant 0 : i32
      %sign3A_1780 = arith.cmpi slt, %add3A_1773, %sign3A_1779 : i32
      %sign3A_1781 = arith.extui %sign3A_1780 : i1 to i32
      %sign3A_1782 = arith.subi %sign3A_1778, %sign3A_1781 : i32
      %sign3A_1783 = arith.constant 0 : i32
      %sign3A_1784 = arith.cmpi sgt, %jit3A_1774, %sign3A_1783 : i32
      %sign3A_1785 = arith.extui %sign3A_1784 : i1 to i32
      %sign3A_1786 = arith.constant 0 : i32
      %sign3A_1787 = arith.cmpi slt, %jit3A_1774, %sign3A_1786 : i32
      %sign3A_1788 = arith.extui %sign3A_1787 : i1 to i32
      %sign3A_1789 = arith.subi %sign3A_1785, %sign3A_1788 : i32
      %ne3A_1790 = arith.cmpi ne, %sign3A_1782, %sign3A_1789 : i32
      %rem3A_1791 = arith.remsi %add3A_1773, %jit3A_1774 : i32
      %ne3A_1792 = arith.constant 0 : i32
      %ne3A_1793 = arith.cmpi ne, %rem3A_1791, %ne3A_1792 : i32
      %and3A_1794 = arith.andi %ne3A_1790, %ne3A_1793 : i1
      %sub3A_1795 = arith.constant 1 : i32
      %sub3A_1796 = arith.subi %div3A_1775, %sub3A_1795 : i32
      %select_n3A_1797 = arith.select %and3A_1794, %sub3A_1796, %div3A_1775 : i32
      %jit3A_1798 = arith.constant 2 : i32
      %eq3A_1799 = arith.constant 0 : i32
      %eq3A_1800 = arith.cmpi eq, %jit3A_1798, %eq3A_1799 : i32
      %jit3A_1801 = arith.constant 1 : i32
      %select_n3A_1802 = arith.select %eq3A_1800, %jit3A_1801, %jit3A_1798 : i32
      %rem3A_1803 = arith.remsi %add3A_1773, %select_n3A_1802 : i32
      %ne3A_1804 = arith.constant 0 : i32
      %ne3A_1805 = arith.cmpi ne, %rem3A_1803, %ne3A_1804 : i32
      %lt3A_1806 = arith.constant 0 : i32
      %lt3A_1807 = arith.cmpi slt, %rem3A_1803, %lt3A_1806 : i32
      %lt3A_1808 = arith.constant 0 : i32
      %lt3A_1809 = arith.cmpi slt, %select_n3A_1802, %lt3A_1808 : i32
      %ne3A_1810 = arith.xori %lt3A_1807, %lt3A_1809 : i1
      %and3A_1811 = arith.andi %ne3A_1810, %ne3A_1805 : i1
      %add3A_1812 = arith.addi %rem3A_1803, %select_n3A_1802 : i32
      %select_n3A_1813 = arith.select %and3A_1811, %add3A_1812, %rem3A_1803 : i32
      %mul3A_1814 = arith.constant 64 : i32
      %mul3A_1815 = arith.muli %select_n3A_1813, %mul3A_1814 : i32
      %dma_wait3A_1816 = arith.constant 8 : i32
      %dma_wait3A_1817 = arith.constant 0 : i32
      %dma_wait3A_1818 = arith.constant 0 : i32
      %dma_wait3A_1819 = tpu.memref_slice %arg6[%dma_wait3A_1816, %dma_wait3A_1817, %dma_wait3A_1818] : memref<12x64x128xf32, #tpu.memory_space<vmem>> -> memref<1x64x128xf32, #tpu.memory_space<vmem>>
      %dma_wait3A_1820 = tpu.memref_squeeze %dma_wait3A_1819 : memref<1x64x128xf32, #tpu.memory_space<vmem>> -> memref<64x128xf32, #tpu.memory_space<vmem>>
      %dma_wait3A_1821 = tpu.memref_slice %arg5[%select_n3A_1797, %mul3A_1815] : memref<50x128xi32, #tpu.memory_space<vmem>> -> memref<1x64xi32, #tpu.memory_space<vmem>>
      %dma_wait3A_1822 = tpu.memref_squeeze %dma_wait3A_1821 : memref<1x64xi32, #tpu.memory_space<vmem>> -> memref<64xi32, #tpu.memory_space<vmem>>
      %dma_wait3A_1823 = arith.constant 0 : i32
      %dma_wait3A_1824 = arith.constant 0 : i32
      %dma_wait3A_1825 = tpu.memref_slice %arg3[%dma_wait3A_1823, %dma_wait3A_1824] : memref<100000x128xf32, #tpu.memory_space<hbm>> -> memref<100000x128xf32, #tpu.memory_space<hbm>>
      tpu.wait_indirect_dma semaphore(%arg15 : memref<!tpu.dma_semaphore, #tpu.memory_space<semaphore_mem>>) src(%dma_wait3A_1825 : memref<100000x128xf32, #tpu.memory_space<hbm>>) dst(%dma_wait3A_1820 : memref<64x128xf32, #tpu.memory_space<vmem>>)
      %jit3A_1826 = arith.constant 2 : i32
      %div3A_1827 = arith.divsi %add3A_1773, %jit3A_1826 : i32
      %sign3A_1828 = arith.constant 0 : i32
      %sign3A_1829 = arith.cmpi sgt, %add3A_1773, %sign3A_1828 : i32
      %sign3A_1830 = arith.extui %sign3A_1829 : i1 to i32
      %sign3A_1831 = arith.constant 0 : i32
      %sign3A_1832 = arith.cmpi slt, %add3A_1773, %sign3A_1831 : i32
      %sign3A_1833 = arith.extui %sign3A_1832 : i1 to i32
      %sign3A_1834 = arith.subi %sign3A_1830, %sign3A_1833 : i32
      %sign3A_1835 = arith.constant 0 : i32
      %sign3A_1836 = arith.cmpi sgt, %jit3A_1826, %sign3A_1835 : i32
      %sign3A_1837 = arith.extui %sign3A_1836 : i1 to i32
      %sign3A_1838 = arith.constant 0 : i32
      %sign3A_1839 = arith.cmpi slt, %jit3A_1826, %sign3A_1838 : i32
      %sign3A_1840 = arith.extui %sign3A_1839 : i1 to i32
      %sign3A_1841 = arith.subi %sign3A_1837, %sign3A_1840 : i32
      %ne3A_1842 = arith.cmpi ne, %sign3A_1834, %sign3A_1841 : i32
      %rem3A_1843 = arith.remsi %add3A_1773, %jit3A_1826 : i32
      %ne3A_1844 = arith.constant 0 : i32
      %ne3A_1845 = arith.cmpi ne, %rem3A_1843, %ne3A_1844 : i32
      %and3A_1846 = arith.andi %ne3A_1842, %ne3A_1845 : i1
      %sub3A_1847 = arith.constant 1 : i32
      %sub3A_1848 = arith.subi %div3A_1827, %sub3A_1847 : i32
      %select_n3A_1849 = arith.select %and3A_1846, %sub3A_1848, %div3A_1827 : i32
      %jit3A_1850 = arith.constant 2 : i32
      %eq3A_1851 = arith.constant 0 : i32
      %eq3A_1852 = arith.cmpi eq, %jit3A_1850, %eq3A_1851 : i32
      %jit3A_1853 = arith.constant 1 : i32
      %select_n3A_1854 = arith.select %eq3A_1852, %jit3A_1853, %jit3A_1850 : i32
      %rem3A_1855 = arith.remsi %add3A_1773, %select_n3A_1854 : i32
      %ne3A_1856 = arith.constant 0 : i32
      %ne3A_1857 = arith.cmpi ne, %rem3A_1855, %ne3A_1856 : i32
      %lt3A_1858 = arith.constant 0 : i32
      %lt3A_1859 = arith.cmpi slt, %rem3A_1855, %lt3A_1858 : i32
      %lt3A_1860 = arith.constant 0 : i32
      %lt3A_1861 = arith.cmpi slt, %select_n3A_1854, %lt3A_1860 : i32
      %ne3A_1862 = arith.xori %lt3A_1859, %lt3A_1861 : i1
      %and3A_1863 = arith.andi %ne3A_1862, %ne3A_1857 : i1
      %add3A_1864 = arith.addi %rem3A_1855, %select_n3A_1854 : i32
      %select_n3A_1865 = arith.select %and3A_1863, %add3A_1864, %rem3A_1855 : i32
      %mul3A_1866 = arith.constant 64 : i32
      %mul3A_1867 = arith.muli %select_n3A_1865, %mul3A_1866 : i32
      %add3A_1868 = arith.addi %mul3A_2, %mul3A_1867 : i32
      %dma_start3A_1869 = arith.constant 8 : i32
      %dma_start3A_1870 = arith.constant 0 : i32
      %dma_start3A_1871 = arith.constant 0 : i32
      %dma_start3A_1872 = tpu.memref_slice %arg6[%dma_start3A_1869, %dma_start3A_1870, %dma_start3A_1871] : memref<12x64x128xf32, #tpu.memory_space<vmem>> -> memref<1x64x128xf32, #tpu.memory_space<vmem>>
      %dma_start3A_1873 = tpu.memref_squeeze %dma_start3A_1872 : memref<1x64x128xf32, #tpu.memory_space<vmem>> -> memref<64x128xf32, #tpu.memory_space<vmem>>
      %dma_start3A_1874 = arith.constant 0 : i32
      %dma_start3A_1875 = tpu.memref_slice %arg4[%select_n3A_1849, %add3A_1868, %dma_start3A_1874] : memref<50x4096x128xf32, #tpu.memory_space<hbm>> -> memref<1x64x128xf32, #tpu.memory_space<hbm>>
      %dma_start3A_1876 = tpu.memref_squeeze %dma_start3A_1875 : memref<1x64x128xf32, #tpu.memory_space<hbm>> -> memref<64x128xf32, #tpu.memory_space<hbm>>
      %dma_start3A_1877 = arith.constant 0 : i32
      %dma_start3A_1878 = tpu.memref_slice %arg4[%select_n3A_1849, %add3A_1868, %dma_start3A_1877] : memref<50x4096x128xf32, #tpu.memory_space<hbm>> -> memref<1x64x128xf32, #tpu.memory_space<hbm>>
      %dma_start3A_1879 = tpu.memref_squeeze %dma_start3A_1878 : memref<1x64x128xf32, #tpu.memory_space<hbm>> -> memref<64x128xf32, #tpu.memory_space<hbm>>
      %dma_start3A_1880 = arith.constant 0 : i32
      %dma_start3A_1881 = arith.constant 0 : i32
      %dma_start3A_1882 = tpu.memref_slice %arg6[%dma_start3A_1869, %dma_start3A_1880, %dma_start3A_1881] : memref<12x64x128xf32, #tpu.memory_space<vmem>> -> memref<1x64x128xf32, #tpu.memory_space<vmem>>
      %dma_start3A_1883 = tpu.memref_squeeze %dma_start3A_1882 : memref<1x64x128xf32, #tpu.memory_space<vmem>> -> memref<64x128xf32, #tpu.memory_space<vmem>>
      tpu.enqueue_dma source(%dma_start3A_1883 : memref<64x128xf32, #tpu.memory_space<vmem>>) target(%dma_start3A_1879 : memref<64x128xf32, #tpu.memory_space<hbm>>) target_semaphore(%arg27 : memref<!tpu.dma_semaphore, #tpu.memory_space<semaphore_mem>>)
      %add3A_1884 = arith.constant 8 : i32
      %add3A_1885 = arith.addi %add3A_1773, %add3A_1884 : i32
      %sub3A_1886 = arith.constant 12 : i32
      %sub3A_1887 = arith.subi %add3A_1885, %sub3A_1886 : i32
      %jit3A_1888 = arith.constant 2 : i32
      %div3A_1889 = arith.divsi %sub3A_1887, %jit3A_1888 : i32
      %sign3A_1890 = arith.constant 0 : i32
      %sign3A_1891 = arith.cmpi sgt, %sub3A_1887, %sign3A_1890 : i32
      %sign3A_1892 = arith.extui %sign3A_1891 : i1 to i32
      %sign3A_1893 = arith.constant 0 : i32
      %sign3A_1894 = arith.cmpi slt, %sub3A_1887, %sign3A_1893 : i32
      %sign3A_1895 = arith.extui %sign3A_1894 : i1 to i32
      %sign3A_1896 = arith.subi %sign3A_1892, %sign3A_1895 : i32
      %sign3A_1897 = arith.constant 0 : i32
      %sign3A_1898 = arith.cmpi sgt, %jit3A_1888, %sign3A_1897 : i32
      %sign3A_1899 = arith.extui %sign3A_1898 : i1 to i32
      %sign3A_1900 = arith.constant 0 : i32
      %sign3A_1901 = arith.cmpi slt, %jit3A_1888, %sign3A_1900 : i32
      %sign3A_1902 = arith.extui %sign3A_1901 : i1 to i32
      %sign3A_1903 = arith.subi %sign3A_1899, %sign3A_1902 : i32
      %ne3A_1904 = arith.cmpi ne, %sign3A_1896, %sign3A_1903 : i32
      %rem3A_1905 = arith.remsi %sub3A_1887, %jit3A_1888 : i32
      %ne3A_1906 = arith.constant 0 : i32
      %ne3A_1907 = arith.cmpi ne, %rem3A_1905, %ne3A_1906 : i32
      %and3A_1908 = arith.andi %ne3A_1904, %ne3A_1907 : i1
      %sub3A_1909 = arith.constant 1 : i32
      %sub3A_1910 = arith.subi %div3A_1889, %sub3A_1909 : i32
      %select_n3A_1911 = arith.select %and3A_1908, %sub3A_1910, %div3A_1889 : i32
      %jit3A_1912 = arith.constant 2 : i32
      %eq3A_1913 = arith.constant 0 : i32
      %eq3A_1914 = arith.cmpi eq, %jit3A_1912, %eq3A_1913 : i32
      %jit3A_1915 = arith.constant 1 : i32
      %select_n3A_1916 = arith.select %eq3A_1914, %jit3A_1915, %jit3A_1912 : i32
      %rem3A_1917 = arith.remsi %sub3A_1887, %select_n3A_1916 : i32
      %ne3A_1918 = arith.constant 0 : i32
      %ne3A_1919 = arith.cmpi ne, %rem3A_1917, %ne3A_1918 : i32
      %lt3A_1920 = arith.constant 0 : i32
      %lt3A_1921 = arith.cmpi slt, %rem3A_1917, %lt3A_1920 : i32
      %lt3A_1922 = arith.constant 0 : i32
      %lt3A_1923 = arith.cmpi slt, %select_n3A_1916, %lt3A_1922 : i32
      %ne3A_1924 = arith.xori %lt3A_1921, %lt3A_1923 : i1
      %and3A_1925 = arith.andi %ne3A_1924, %ne3A_1919 : i1
      %add3A_1926 = arith.addi %rem3A_1917, %select_n3A_1916 : i32
      %select_n3A_1927 = arith.select %and3A_1925, %add3A_1926, %rem3A_1917 : i32
      %mul3A_1928 = arith.constant 64 : i32
      %mul3A_1929 = arith.muli %select_n3A_1927, %mul3A_1928 : i32
      %add3A_1930 = arith.addi %mul3A_2, %mul3A_1929 : i32
      %dma_wait3A_1931 = arith.constant 4 : i32
      %dma_wait3A_1932 = arith.constant 0 : i32
      %dma_wait3A_1933 = arith.constant 0 : i32
      %dma_wait3A_1934 = tpu.memref_slice %arg6[%dma_wait3A_1931, %dma_wait3A_1932, %dma_wait3A_1933] : memref<12x64x128xf32, #tpu.memory_space<vmem>> -> memref<1x64x128xf32, #tpu.memory_space<vmem>>
      %dma_wait3A_1935 = tpu.memref_squeeze %dma_wait3A_1934 : memref<1x64x128xf32, #tpu.memory_space<vmem>> -> memref<64x128xf32, #tpu.memory_space<vmem>>
      %dma_wait3A_1936 = arith.constant 0 : i32
      %dma_wait3A_1937 = tpu.memref_slice %arg4[%select_n3A_1911, %add3A_1930, %dma_wait3A_1936] : memref<50x4096x128xf32, #tpu.memory_space<hbm>> -> memref<1x64x128xf32, #tpu.memory_space<hbm>>
      %dma_wait3A_1938 = tpu.memref_squeeze %dma_wait3A_1937 : memref<1x64x128xf32, #tpu.memory_space<hbm>> -> memref<64x128xf32, #tpu.memory_space<hbm>>
      %dma_wait3A_1939 = arith.constant 0 : i32
      %dma_wait3A_1940 = tpu.memref_slice %arg4[%select_n3A_1911, %add3A_1930, %dma_wait3A_1939] : memref<50x4096x128xf32, #tpu.memory_space<hbm>> -> memref<1x64x128xf32, #tpu.memory_space<hbm>>
      %dma_wait3A_1941 = tpu.memref_squeeze %dma_wait3A_1940 : memref<1x64x128xf32, #tpu.memory_space<hbm>> -> memref<64x128xf32, #tpu.memory_space<hbm>>
      %dma_wait3A_1942 = arith.constant 0 : i32
      %dma_wait3A_1943 = arith.constant 0 : i32
      %dma_wait3A_1944 = tpu.memref_slice %arg6[%dma_wait3A_1931, %dma_wait3A_1942, %dma_wait3A_1943] : memref<12x64x128xf32, #tpu.memory_space<vmem>> -> memref<1x64x128xf32, #tpu.memory_space<vmem>>
      %dma_wait3A_1945 = tpu.memref_squeeze %dma_wait3A_1944 : memref<1x64x128xf32, #tpu.memory_space<vmem>> -> memref<64x128xf32, #tpu.memory_space<vmem>>
      tpu.wait_dma2 semaphore(%arg23 : memref<!tpu.dma_semaphore, #tpu.memory_space<semaphore_mem>>) src(%dma_wait3A_1945 : memref<64x128xf32, #tpu.memory_space<vmem>>) dst(%dma_wait3A_1941 : memref<64x128xf32, #tpu.memory_space<hbm>>)
      %lt3A_1946 = arith.constant 100 : i32
      %lt3A_1947 = arith.cmpi slt, %add3A_1885, %lt3A_1946 : i32
      %convert_element_type3A_1948 = arith.extui %lt3A_1947 : i1 to i32
      %cond3A_1949 = arith.constant 0 : i32
      %cond3A_1950 = arith.cmpi ne, %convert_element_type3A_1948, %cond3A_1949 : i32
      scf.if %cond3A_1950 {
        %jit3A_2494 = arith.constant 2 : i32
        %div3A_2495 = arith.divsi %add3A_1885, %jit3A_2494 : i32
        %sign3A_2496 = arith.constant 0 : i32
        %sign3A_2497 = arith.cmpi sgt, %add3A_1885, %sign3A_2496 : i32
        %sign3A_2498 = arith.extui %sign3A_2497 : i1 to i32
        %sign3A_2499 = arith.constant 0 : i32
        %sign3A_2500 = arith.cmpi slt, %add3A_1885, %sign3A_2499 : i32
        %sign3A_2501 = arith.extui %sign3A_2500 : i1 to i32
        %sign3A_2502 = arith.subi %sign3A_2498, %sign3A_2501 : i32
        %sign3A_2503 = arith.constant 0 : i32
        %sign3A_2504 = arith.cmpi sgt, %jit3A_2494, %sign3A_2503 : i32
        %sign3A_2505 = arith.extui %sign3A_2504 : i1 to i32
        %sign3A_2506 = arith.constant 0 : i32
        %sign3A_2507 = arith.cmpi slt, %jit3A_2494, %sign3A_2506 : i32
        %sign3A_2508 = arith.extui %sign3A_2507 : i1 to i32
        %sign3A_2509 = arith.subi %sign3A_2505, %sign3A_2508 : i32
        %ne3A_2510 = arith.cmpi ne, %sign3A_2502, %sign3A_2509 : i32
        %rem3A_2511 = arith.remsi %add3A_1885, %jit3A_2494 : i32
        %ne3A_2512 = arith.constant 0 : i32
        %ne3A_2513 = arith.cmpi ne, %rem3A_2511, %ne3A_2512 : i32
        %and3A_2514 = arith.andi %ne3A_2510, %ne3A_2513 : i1
        %sub3A_2515 = arith.constant 1 : i32
        %sub3A_2516 = arith.subi %div3A_2495, %sub3A_2515 : i32
        %select_n3A_2517 = arith.select %and3A_2514, %sub3A_2516, %div3A_2495 : i32
        %jit3A_2518 = arith.constant 2 : i32
        %eq3A_2519 = arith.constant 0 : i32
        %eq3A_2520 = arith.cmpi eq, %jit3A_2518, %eq3A_2519 : i32
        %jit3A_2521 = arith.constant 1 : i32
        %select_n3A_2522 = arith.select %eq3A_2520, %jit3A_2521, %jit3A_2518 : i32
        %rem3A_2523 = arith.remsi %add3A_1885, %select_n3A_2522 : i32
        %ne3A_2524 = arith.constant 0 : i32
        %ne3A_2525 = arith.cmpi ne, %rem3A_2523, %ne3A_2524 : i32
        %lt3A_2526 = arith.constant 0 : i32
        %lt3A_2527 = arith.cmpi slt, %rem3A_2523, %lt3A_2526 : i32
        %lt3A_2528 = arith.constant 0 : i32
        %lt3A_2529 = arith.cmpi slt, %select_n3A_2522, %lt3A_2528 : i32
        %ne3A_2530 = arith.xori %lt3A_2527, %lt3A_2529 : i1
        %and3A_2531 = arith.andi %ne3A_2530, %ne3A_2525 : i1
        %add3A_2532 = arith.addi %rem3A_2523, %select_n3A_2522 : i32
        %select_n3A_2533 = arith.select %and3A_2531, %add3A_2532, %rem3A_2523 : i32
        %mul3A_2534 = arith.constant 64 : i32
        %mul3A_2535 = arith.muli %select_n3A_2533, %mul3A_2534 : i32
        %dma_start3A_2536 = arith.constant 4 : i32
        %dma_start3A_2537 = arith.constant 0 : i32
        %dma_start3A_2538 = arith.constant 0 : i32
        %dma_start3A_2539 = tpu.memref_slice %arg6[%dma_start3A_2536, %dma_start3A_2537, %dma_start3A_2538] : memref<12x64x128xf32, #tpu.memory_space<vmem>> -> memref<1x64x128xf32, #tpu.memory_space<vmem>>
        %dma_start3A_2540 = tpu.memref_squeeze %dma_start3A_2539 : memref<1x64x128xf32, #tpu.memory_space<vmem>> -> memref<64x128xf32, #tpu.memory_space<vmem>>
        %dma_start3A_2541 = tpu.memref_slice %arg5[%select_n3A_2517, %mul3A_2535] : memref<50x128xi32, #tpu.memory_space<vmem>> -> memref<1x64xi32, #tpu.memory_space<vmem>>
        %dma_start3A_2542 = tpu.memref_squeeze %dma_start3A_2541 : memref<1x64xi32, #tpu.memory_space<vmem>> -> memref<64xi32, #tpu.memory_space<vmem>>
        %dma_start3A_2543 = arith.constant 0 : i32
        %dma_start3A_2544 = arith.constant 0 : i32
        %dma_start3A_2545 = tpu.memref_slice %arg3[%dma_start3A_2543, %dma_start3A_2544] : memref<100000x128xf32, #tpu.memory_space<hbm>> -> memref<100000x128xf32, #tpu.memory_space<hbm>>
        tpu.enqueue_indirect_dma source(%dma_start3A_2545 : memref<100000x128xf32, #tpu.memory_space<hbm>>) target(%dma_start3A_2540 : memref<64x128xf32, #tpu.memory_space<vmem>>) offsets(%dma_start3A_2542 : memref<64xi32, #tpu.memory_space<vmem>>) semaphore(%arg11 : memref<!tpu.dma_semaphore, #tpu.memory_space<semaphore_mem>>)
      } else {
      }
      %mul3A_1951 = arith.constant 12 : i32
      %mul3A_1952 = arith.muli %scan3A_366, %mul3A_1951 : i32
      %add3A_1953 = arith.constant 9 : i32
      %add3A_1954 = arith.addi %mul3A_1952, %add3A_1953 : i32
      %jit3A_1955 = arith.constant 2 : i32
      %div3A_1956 = arith.divsi %add3A_1954, %jit3A_1955 : i32
      %sign3A_1957 = arith.constant 0 : i32
      %sign3A_1958 = arith.cmpi sgt, %add3A_1954, %sign3A_1957 : i32
      %sign3A_1959 = arith.extui %sign3A_1958 : i1 to i32
      %sign3A_1960 = arith.constant 0 : i32
      %sign3A_1961 = arith.cmpi slt, %add3A_1954, %sign3A_1960 : i32
      %sign3A_1962 = arith.extui %sign3A_1961 : i1 to i32
      %sign3A_1963 = arith.subi %sign3A_1959, %sign3A_1962 : i32
      %sign3A_1964 = arith.constant 0 : i32
      %sign3A_1965 = arith.cmpi sgt, %jit3A_1955, %sign3A_1964 : i32
      %sign3A_1966 = arith.extui %sign3A_1965 : i1 to i32
      %sign3A_1967 = arith.constant 0 : i32
      %sign3A_1968 = arith.cmpi slt, %jit3A_1955, %sign3A_1967 : i32
      %sign3A_1969 = arith.extui %sign3A_1968 : i1 to i32
      %sign3A_1970 = arith.subi %sign3A_1966, %sign3A_1969 : i32
      %ne3A_1971 = arith.cmpi ne, %sign3A_1963, %sign3A_1970 : i32
      %rem3A_1972 = arith.remsi %add3A_1954, %jit3A_1955 : i32
      %ne3A_1973 = arith.constant 0 : i32
      %ne3A_1974 = arith.cmpi ne, %rem3A_1972, %ne3A_1973 : i32
      %and3A_1975 = arith.andi %ne3A_1971, %ne3A_1974 : i1
      %sub3A_1976 = arith.constant 1 : i32
      %sub3A_1977 = arith.subi %div3A_1956, %sub3A_1976 : i32
      %select_n3A_1978 = arith.select %and3A_1975, %sub3A_1977, %div3A_1956 : i32
      %jit3A_1979 = arith.constant 2 : i32
      %eq3A_1980 = arith.constant 0 : i32
      %eq3A_1981 = arith.cmpi eq, %jit3A_1979, %eq3A_1980 : i32
      %jit3A_1982 = arith.constant 1 : i32
      %select_n3A_1983 = arith.select %eq3A_1981, %jit3A_1982, %jit3A_1979 : i32
      %rem3A_1984 = arith.remsi %add3A_1954, %select_n3A_1983 : i32
      %ne3A_1985 = arith.constant 0 : i32
      %ne3A_1986 = arith.cmpi ne, %rem3A_1984, %ne3A_1985 : i32
      %lt3A_1987 = arith.constant 0 : i32
      %lt3A_1988 = arith.cmpi slt, %rem3A_1984, %lt3A_1987 : i32
      %lt3A_1989 = arith.constant 0 : i32
      %lt3A_1990 = arith.cmpi slt, %select_n3A_1983, %lt3A_1989 : i32
      %ne3A_1991 = arith.xori %lt3A_1988, %lt3A_1990 : i1
      %and3A_1992 = arith.andi %ne3A_1991, %ne3A_1986 : i1
      %add3A_1993 = arith.addi %rem3A_1984, %select_n3A_1983 : i32
      %select_n3A_1994 = arith.select %and3A_1992, %add3A_1993, %rem3A_1984 : i32
      %mul3A_1995 = arith.constant 64 : i32
      %mul3A_1996 = arith.muli %select_n3A_1994, %mul3A_1995 : i32
      %dma_wait3A_1997 = arith.constant 9 : i32
      %dma_wait3A_1998 = arith.constant 0 : i32
      %dma_wait3A_1999 = arith.constant 0 : i32
      %dma_wait3A_2000 = tpu.memref_slice %arg6[%dma_wait3A_1997, %dma_wait3A_1998, %dma_wait3A_1999] : memref<12x64x128xf32, #tpu.memory_space<vmem>> -> memref<1x64x128xf32, #tpu.memory_space<vmem>>
      %dma_wait3A_2001 = tpu.memref_squeeze %dma_wait3A_2000 : memref<1x64x128xf32, #tpu.memory_space<vmem>> -> memref<64x128xf32, #tpu.memory_space<vmem>>
      %dma_wait3A_2002 = tpu.memref_slice %arg5[%select_n3A_1978, %mul3A_1996] : memref<50x128xi32, #tpu.memory_space<vmem>> -> memref<1x64xi32, #tpu.memory_space<vmem>>
      %dma_wait3A_2003 = tpu.memref_squeeze %dma_wait3A_2002 : memref<1x64xi32, #tpu.memory_space<vmem>> -> memref<64xi32, #tpu.memory_space<vmem>>
      %dma_wait3A_2004 = arith.constant 0 : i32
      %dma_wait3A_2005 = arith.constant 0 : i32
      %dma_wait3A_2006 = tpu.memref_slice %arg3[%dma_wait3A_2004, %dma_wait3A_2005] : memref<100000x128xf32, #tpu.memory_space<hbm>> -> memref<100000x128xf32, #tpu.memory_space<hbm>>
      tpu.wait_indirect_dma semaphore(%arg16 : memref<!tpu.dma_semaphore, #tpu.memory_space<semaphore_mem>>) src(%dma_wait3A_2006 : memref<100000x128xf32, #tpu.memory_space<hbm>>) dst(%dma_wait3A_2001 : memref<64x128xf32, #tpu.memory_space<vmem>>)
      %jit3A_2007 = arith.constant 2 : i32
      %div3A_2008 = arith.divsi %add3A_1954, %jit3A_2007 : i32
      %sign3A_2009 = arith.constant 0 : i32
      %sign3A_2010 = arith.cmpi sgt, %add3A_1954, %sign3A_2009 : i32
      %sign3A_2011 = arith.extui %sign3A_2010 : i1 to i32
      %sign3A_2012 = arith.constant 0 : i32
      %sign3A_2013 = arith.cmpi slt, %add3A_1954, %sign3A_2012 : i32
      %sign3A_2014 = arith.extui %sign3A_2013 : i1 to i32
      %sign3A_2015 = arith.subi %sign3A_2011, %sign3A_2014 : i32
      %sign3A_2016 = arith.constant 0 : i32
      %sign3A_2017 = arith.cmpi sgt, %jit3A_2007, %sign3A_2016 : i32
      %sign3A_2018 = arith.extui %sign3A_2017 : i1 to i32
      %sign3A_2019 = arith.constant 0 : i32
      %sign3A_2020 = arith.cmpi slt, %jit3A_2007, %sign3A_2019 : i32
      %sign3A_2021 = arith.extui %sign3A_2020 : i1 to i32
      %sign3A_2022 = arith.subi %sign3A_2018, %sign3A_2021 : i32
      %ne3A_2023 = arith.cmpi ne, %sign3A_2015, %sign3A_2022 : i32
      %rem3A_2024 = arith.remsi %add3A_1954, %jit3A_2007 : i32
      %ne3A_2025 = arith.constant 0 : i32
      %ne3A_2026 = arith.cmpi ne, %rem3A_2024, %ne3A_2025 : i32
      %and3A_2027 = arith.andi %ne3A_2023, %ne3A_2026 : i1
      %sub3A_2028 = arith.constant 1 : i32
      %sub3A_2029 = arith.subi %div3A_2008, %sub3A_2028 : i32
      %select_n3A_2030 = arith.select %and3A_2027, %sub3A_2029, %div3A_2008 : i32
      %jit3A_2031 = arith.constant 2 : i32
      %eq3A_2032 = arith.constant 0 : i32
      %eq3A_2033 = arith.cmpi eq, %jit3A_2031, %eq3A_2032 : i32
      %jit3A_2034 = arith.constant 1 : i32
      %select_n3A_2035 = arith.select %eq3A_2033, %jit3A_2034, %jit3A_2031 : i32
      %rem3A_2036 = arith.remsi %add3A_1954, %select_n3A_2035 : i32
      %ne3A_2037 = arith.constant 0 : i32
      %ne3A_2038 = arith.cmpi ne, %rem3A_2036, %ne3A_2037 : i32
      %lt3A_2039 = arith.constant 0 : i32
      %lt3A_2040 = arith.cmpi slt, %rem3A_2036, %lt3A_2039 : i32
      %lt3A_2041 = arith.constant 0 : i32
      %lt3A_2042 = arith.cmpi slt, %select_n3A_2035, %lt3A_2041 : i32
      %ne3A_2043 = arith.xori %lt3A_2040, %lt3A_2042 : i1
      %and3A_2044 = arith.andi %ne3A_2043, %ne3A_2038 : i1
      %add3A_2045 = arith.addi %rem3A_2036, %select_n3A_2035 : i32
      %select_n3A_2046 = arith.select %and3A_2044, %add3A_2045, %rem3A_2036 : i32
      %mul3A_2047 = arith.constant 64 : i32
      %mul3A_2048 = arith.muli %select_n3A_2046, %mul3A_2047 : i32
      %add3A_2049 = arith.addi %mul3A_2, %mul3A_2048 : i32
      %dma_start3A_2050 = arith.constant 9 : i32
      %dma_start3A_2051 = arith.constant 0 : i32
      %dma_start3A_2052 = arith.constant 0 : i32
      %dma_start3A_2053 = tpu.memref_slice %arg6[%dma_start3A_2050, %dma_start3A_2051, %dma_start3A_2052] : memref<12x64x128xf32, #tpu.memory_space<vmem>> -> memref<1x64x128xf32, #tpu.memory_space<vmem>>
      %dma_start3A_2054 = tpu.memref_squeeze %dma_start3A_2053 : memref<1x64x128xf32, #tpu.memory_space<vmem>> -> memref<64x128xf32, #tpu.memory_space<vmem>>
      %dma_start3A_2055 = arith.constant 0 : i32
      %dma_start3A_2056 = tpu.memref_slice %arg4[%select_n3A_2030, %add3A_2049, %dma_start3A_2055] : memref<50x4096x128xf32, #tpu.memory_space<hbm>> -> memref<1x64x128xf32, #tpu.memory_space<hbm>>
      %dma_start3A_2057 = tpu.memref_squeeze %dma_start3A_2056 : memref<1x64x128xf32, #tpu.memory_space<hbm>> -> memref<64x128xf32, #tpu.memory_space<hbm>>
      %dma_start3A_2058 = arith.constant 0 : i32
      %dma_start3A_2059 = tpu.memref_slice %arg4[%select_n3A_2030, %add3A_2049, %dma_start3A_2058] : memref<50x4096x128xf32, #tpu.memory_space<hbm>> -> memref<1x64x128xf32, #tpu.memory_space<hbm>>
      %dma_start3A_2060 = tpu.memref_squeeze %dma_start3A_2059 : memref<1x64x128xf32, #tpu.memory_space<hbm>> -> memref<64x128xf32, #tpu.memory_space<hbm>>
      %dma_start3A_2061 = arith.constant 0 : i32
      %dma_start3A_2062 = arith.constant 0 : i32
      %dma_start3A_2063 = tpu.memref_slice %arg6[%dma_start3A_2050, %dma_start3A_2061, %dma_start3A_2062] : memref<12x64x128xf32, #tpu.memory_space<vmem>> -> memref<1x64x128xf32, #tpu.memory_space<vmem>>
      %dma_start3A_2064 = tpu.memref_squeeze %dma_start3A_2063 : memref<1x64x128xf32, #tpu.memory_space<vmem>> -> memref<64x128xf32, #tpu.memory_space<vmem>>
      tpu.enqueue_dma source(%dma_start3A_2064 : memref<64x128xf32, #tpu.memory_space<vmem>>) target(%dma_start3A_2060 : memref<64x128xf32, #tpu.memory_space<hbm>>) target_semaphore(%arg28 : memref<!tpu.dma_semaphore, #tpu.memory_space<semaphore_mem>>)
      %add3A_2065 = arith.constant 8 : i32
      %add3A_2066 = arith.addi %add3A_1954, %add3A_2065 : i32
      %sub3A_2067 = arith.constant 12 : i32
      %sub3A_2068 = arith.subi %add3A_2066, %sub3A_2067 : i32
      %jit3A_2069 = arith.constant 2 : i32
      %div3A_2070 = arith.divsi %sub3A_2068, %jit3A_2069 : i32
      %sign3A_2071 = arith.constant 0 : i32
      %sign3A_2072 = arith.cmpi sgt, %sub3A_2068, %sign3A_2071 : i32
      %sign3A_2073 = arith.extui %sign3A_2072 : i1 to i32
      %sign3A_2074 = arith.constant 0 : i32
      %sign3A_2075 = arith.cmpi slt, %sub3A_2068, %sign3A_2074 : i32
      %sign3A_2076 = arith.extui %sign3A_2075 : i1 to i32
      %sign3A_2077 = arith.subi %sign3A_2073, %sign3A_2076 : i32
      %sign3A_2078 = arith.constant 0 : i32
      %sign3A_2079 = arith.cmpi sgt, %jit3A_2069, %sign3A_2078 : i32
      %sign3A_2080 = arith.extui %sign3A_2079 : i1 to i32
      %sign3A_2081 = arith.constant 0 : i32
      %sign3A_2082 = arith.cmpi slt, %jit3A_2069, %sign3A_2081 : i32
      %sign3A_2083 = arith.extui %sign3A_2082 : i1 to i32
      %sign3A_2084 = arith.subi %sign3A_2080, %sign3A_2083 : i32
      %ne3A_2085 = arith.cmpi ne, %sign3A_2077, %sign3A_2084 : i32
      %rem3A_2086 = arith.remsi %sub3A_2068, %jit3A_2069 : i32
      %ne3A_2087 = arith.constant 0 : i32
      %ne3A_2088 = arith.cmpi ne, %rem3A_2086, %ne3A_2087 : i32
      %and3A_2089 = arith.andi %ne3A_2085, %ne3A_2088 : i1
      %sub3A_2090 = arith.constant 1 : i32
      %sub3A_2091 = arith.subi %div3A_2070, %sub3A_2090 : i32
      %select_n3A_2092 = arith.select %and3A_2089, %sub3A_2091, %div3A_2070 : i32
      %jit3A_2093 = arith.constant 2 : i32
      %eq3A_2094 = arith.constant 0 : i32
      %eq3A_2095 = arith.cmpi eq, %jit3A_2093, %eq3A_2094 : i32
      %jit3A_2096 = arith.constant 1 : i32
      %select_n3A_2097 = arith.select %eq3A_2095, %jit3A_2096, %jit3A_2093 : i32
      %rem3A_2098 = arith.remsi %sub3A_2068, %select_n3A_2097 : i32
      %ne3A_2099 = arith.constant 0 : i32
      %ne3A_2100 = arith.cmpi ne, %rem3A_2098, %ne3A_2099 : i32
      %lt3A_2101 = arith.constant 0 : i32
      %lt3A_2102 = arith.cmpi slt, %rem3A_2098, %lt3A_2101 : i32
      %lt3A_2103 = arith.constant 0 : i32
      %lt3A_2104 = arith.cmpi slt, %select_n3A_2097, %lt3A_2103 : i32
      %ne3A_2105 = arith.xori %lt3A_2102, %lt3A_2104 : i1
      %and3A_2106 = arith.andi %ne3A_2105, %ne3A_2100 : i1
      %add3A_2107 = arith.addi %rem3A_2098, %select_n3A_2097 : i32
      %select_n3A_2108 = arith.select %and3A_2106, %add3A_2107, %rem3A_2098 : i32
      %mul3A_2109 = arith.constant 64 : i32
      %mul3A_2110 = arith.muli %select_n3A_2108, %mul3A_2109 : i32
      %add3A_2111 = arith.addi %mul3A_2, %mul3A_2110 : i32
      %dma_wait3A_2112 = arith.constant 5 : i32
      %dma_wait3A_2113 = arith.constant 0 : i32
      %dma_wait3A_2114 = arith.constant 0 : i32
      %dma_wait3A_2115 = tpu.memref_slice %arg6[%dma_wait3A_2112, %dma_wait3A_2113, %dma_wait3A_2114] : memref<12x64x128xf32, #tpu.memory_space<vmem>> -> memref<1x64x128xf32, #tpu.memory_space<vmem>>
      %dma_wait3A_2116 = tpu.memref_squeeze %dma_wait3A_2115 : memref<1x64x128xf32, #tpu.memory_space<vmem>> -> memref<64x128xf32, #tpu.memory_space<vmem>>
      %dma_wait3A_2117 = arith.constant 0 : i32
      %dma_wait3A_2118 = tpu.memref_slice %arg4[%select_n3A_2092, %add3A_2111, %dma_wait3A_2117] : memref<50x4096x128xf32, #tpu.memory_space<hbm>> -> memref<1x64x128xf32, #tpu.memory_space<hbm>>
      %dma_wait3A_2119 = tpu.memref_squeeze %dma_wait3A_2118 : memref<1x64x128xf32, #tpu.memory_space<hbm>> -> memref<64x128xf32, #tpu.memory_space<hbm>>
      %dma_wait3A_2120 = arith.constant 0 : i32
      %dma_wait3A_2121 = tpu.memref_slice %arg4[%select_n3A_2092, %add3A_2111, %dma_wait3A_2120] : memref<50x4096x128xf32, #tpu.memory_space<hbm>> -> memref<1x64x128xf32, #tpu.memory_space<hbm>>
      %dma_wait3A_2122 = tpu.memref_squeeze %dma_wait3A_2121 : memref<1x64x128xf32, #tpu.memory_space<hbm>> -> memref<64x128xf32, #tpu.memory_space<hbm>>
      %dma_wait3A_2123 = arith.constant 0 : i32
      %dma_wait3A_2124 = arith.constant 0 : i32
      %dma_wait3A_2125 = tpu.memref_slice %arg6[%dma_wait3A_2112, %dma_wait3A_2123, %dma_wait3A_2124] : memref<12x64x128xf32, #tpu.memory_space<vmem>> -> memref<1x64x128xf32, #tpu.memory_space<vmem>>
      %dma_wait3A_2126 = tpu.memref_squeeze %dma_wait3A_2125 : memref<1x64x128xf32, #tpu.memory_space<vmem>> -> memref<64x128xf32, #tpu.memory_space<vmem>>
      tpu.wait_dma2 semaphore(%arg24 : memref<!tpu.dma_semaphore, #tpu.memory_space<semaphore_mem>>) src(%dma_wait3A_2126 : memref<64x128xf32, #tpu.memory_space<vmem>>) dst(%dma_wait3A_2122 : memref<64x128xf32, #tpu.memory_space<hbm>>)
      %lt3A_2127 = arith.constant 100 : i32
      %lt3A_2128 = arith.cmpi slt, %add3A_2066, %lt3A_2127 : i32
      %convert_element_type3A_2129 = arith.extui %lt3A_2128 : i1 to i32
      %cond3A_2130 = arith.constant 0 : i32
      %cond3A_2131 = arith.cmpi ne, %convert_element_type3A_2129, %cond3A_2130 : i32
      scf.if %cond3A_2131 {
        %jit3A_2494 = arith.constant 2 : i32
        %div3A_2495 = arith.divsi %add3A_2066, %jit3A_2494 : i32
        %sign3A_2496 = arith.constant 0 : i32
        %sign3A_2497 = arith.cmpi sgt, %add3A_2066, %sign3A_2496 : i32
        %sign3A_2498 = arith.extui %sign3A_2497 : i1 to i32
        %sign3A_2499 = arith.constant 0 : i32
        %sign3A_2500 = arith.cmpi slt, %add3A_2066, %sign3A_2499 : i32
        %sign3A_2501 = arith.extui %sign3A_2500 : i1 to i32
        %sign3A_2502 = arith.subi %sign3A_2498, %sign3A_2501 : i32
        %sign3A_2503 = arith.constant 0 : i32
        %sign3A_2504 = arith.cmpi sgt, %jit3A_2494, %sign3A_2503 : i32
        %sign3A_2505 = arith.extui %sign3A_2504 : i1 to i32
        %sign3A_2506 = arith.constant 0 : i32
        %sign3A_2507 = arith.cmpi slt, %jit3A_2494, %sign3A_2506 : i32
        %sign3A_2508 = arith.extui %sign3A_2507 : i1 to i32
        %sign3A_2509 = arith.subi %sign3A_2505, %sign3A_2508 : i32
        %ne3A_2510 = arith.cmpi ne, %sign3A_2502, %sign3A_2509 : i32
        %rem3A_2511 = arith.remsi %add3A_2066, %jit3A_2494 : i32
        %ne3A_2512 = arith.constant 0 : i32
        %ne3A_2513 = arith.cmpi ne, %rem3A_2511, %ne3A_2512 : i32
        %and3A_2514 = arith.andi %ne3A_2510, %ne3A_2513 : i1
        %sub3A_2515 = arith.constant 1 : i32
        %sub3A_2516 = arith.subi %div3A_2495, %sub3A_2515 : i32
        %select_n3A_2517 = arith.select %and3A_2514, %sub3A_2516, %div3A_2495 : i32
        %jit3A_2518 = arith.constant 2 : i32
        %eq3A_2519 = arith.constant 0 : i32
        %eq3A_2520 = arith.cmpi eq, %jit3A_2518, %eq3A_2519 : i32
        %jit3A_2521 = arith.constant 1 : i32
        %select_n3A_2522 = arith.select %eq3A_2520, %jit3A_2521, %jit3A_2518 : i32
        %rem3A_2523 = arith.remsi %add3A_2066, %select_n3A_2522 : i32
        %ne3A_2524 = arith.constant 0 : i32
        %ne3A_2525 = arith.cmpi ne, %rem3A_2523, %ne3A_2524 : i32
        %lt3A_2526 = arith.constant 0 : i32
        %lt3A_2527 = arith.cmpi slt, %rem3A_2523, %lt3A_2526 : i32
        %lt3A_2528 = arith.constant 0 : i32
        %lt3A_2529 = arith.cmpi slt, %select_n3A_2522, %lt3A_2528 : i32
        %ne3A_2530 = arith.xori %lt3A_2527, %lt3A_2529 : i1
        %and3A_2531 = arith.andi %ne3A_2530, %ne3A_2525 : i1
        %add3A_2532 = arith.addi %rem3A_2523, %select_n3A_2522 : i32
        %select_n3A_2533 = arith.select %and3A_2531, %add3A_2532, %rem3A_2523 : i32
        %mul3A_2534 = arith.constant 64 : i32
        %mul3A_2535 = arith.muli %select_n3A_2533, %mul3A_2534 : i32
        %dma_start3A_2536 = arith.constant 5 : i32
        %dma_start3A_2537 = arith.constant 0 : i32
        %dma_start3A_2538 = arith.constant 0 : i32
        %dma_start3A_2539 = tpu.memref_slice %arg6[%dma_start3A_2536, %dma_start3A_2537, %dma_start3A_2538] : memref<12x64x128xf32, #tpu.memory_space<vmem>> -> memref<1x64x128xf32, #tpu.memory_space<vmem>>
        %dma_start3A_2540 = tpu.memref_squeeze %dma_start3A_2539 : memref<1x64x128xf32, #tpu.memory_space<vmem>> -> memref<64x128xf32, #tpu.memory_space<vmem>>
        %dma_start3A_2541 = tpu.memref_slice %arg5[%select_n3A_2517, %mul3A_2535] : memref<50x128xi32, #tpu.memory_space<vmem>> -> memref<1x64xi32, #tpu.memory_space<vmem>>
        %dma_start3A_2542 = tpu.memref_squeeze %dma_start3A_2541 : memref<1x64xi32, #tpu.memory_space<vmem>> -> memref<64xi32, #tpu.memory_space<vmem>>
        %dma_start3A_2543 = arith.constant 0 : i32
        %dma_start3A_2544 = arith.constant 0 : i32
        %dma_start3A_2545 = tpu.memref_slice %arg3[%dma_start3A_2543, %dma_start3A_2544] : memref<100000x128xf32, #tpu.memory_space<hbm>> -> memref<100000x128xf32, #tpu.memory_space<hbm>>
        tpu.enqueue_indirect_dma source(%dma_start3A_2545 : memref<100000x128xf32, #tpu.memory_space<hbm>>) target(%dma_start3A_2540 : memref<64x128xf32, #tpu.memory_space<vmem>>) offsets(%dma_start3A_2542 : memref<64xi32, #tpu.memory_space<vmem>>) semaphore(%arg12 : memref<!tpu.dma_semaphore, #tpu.memory_space<semaphore_mem>>)
      } else {
      }
      %mul3A_2132 = arith.constant 12 : i32
      %mul3A_2133 = arith.muli %scan3A_366, %mul3A_2132 : i32
      %add3A_2134 = arith.constant 10 : i32
      %add3A_2135 = arith.addi %mul3A_2133, %add3A_2134 : i32
      %jit3A_2136 = arith.constant 2 : i32
      %div3A_2137 = arith.divsi %add3A_2135, %jit3A_2136 : i32
      %sign3A_2138 = arith.constant 0 : i32
      %sign3A_2139 = arith.cmpi sgt, %add3A_2135, %sign3A_2138 : i32
      %sign3A_2140 = arith.extui %sign3A_2139 : i1 to i32
      %sign3A_2141 = arith.constant 0 : i32
      %sign3A_2142 = arith.cmpi slt, %add3A_2135, %sign3A_2141 : i32
      %sign3A_2143 = arith.extui %sign3A_2142 : i1 to i32
      %sign3A_2144 = arith.subi %sign3A_2140, %sign3A_2143 : i32
      %sign3A_2145 = arith.constant 0 : i32
      %sign3A_2146 = arith.cmpi sgt, %jit3A_2136, %sign3A_2145 : i32
      %sign3A_2147 = arith.extui %sign3A_2146 : i1 to i32
      %sign3A_2148 = arith.constant 0 : i32
      %sign3A_2149 = arith.cmpi slt, %jit3A_2136, %sign3A_2148 : i32
      %sign3A_2150 = arith.extui %sign3A_2149 : i1 to i32
      %sign3A_2151 = arith.subi %sign3A_2147, %sign3A_2150 : i32
      %ne3A_2152 = arith.cmpi ne, %sign3A_2144, %sign3A_2151 : i32
      %rem3A_2153 = arith.remsi %add3A_2135, %jit3A_2136 : i32
      %ne3A_2154 = arith.constant 0 : i32
      %ne3A_2155 = arith.cmpi ne, %rem3A_2153, %ne3A_2154 : i32
      %and3A_2156 = arith.andi %ne3A_2152, %ne3A_2155 : i1
      %sub3A_2157 = arith.constant 1 : i32
      %sub3A_2158 = arith.subi %div3A_2137, %sub3A_2157 : i32
      %select_n3A_2159 = arith.select %and3A_2156, %sub3A_2158, %div3A_2137 : i32
      %jit3A_2160 = arith.constant 2 : i32
      %eq3A_2161 = arith.constant 0 : i32
      %eq3A_2162 = arith.cmpi eq, %jit3A_2160, %eq3A_2161 : i32
      %jit3A_2163 = arith.constant 1 : i32
      %select_n3A_2164 = arith.select %eq3A_2162, %jit3A_2163, %jit3A_2160 : i32
      %rem3A_2165 = arith.remsi %add3A_2135, %select_n3A_2164 : i32
      %ne3A_2166 = arith.constant 0 : i32
      %ne3A_2167 = arith.cmpi ne, %rem3A_2165, %ne3A_2166 : i32
      %lt3A_2168 = arith.constant 0 : i32
      %lt3A_2169 = arith.cmpi slt, %rem3A_2165, %lt3A_2168 : i32
      %lt3A_2170 = arith.constant 0 : i32
      %lt3A_2171 = arith.cmpi slt, %select_n3A_2164, %lt3A_2170 : i32
      %ne3A_2172 = arith.xori %lt3A_2169, %lt3A_2171 : i1
      %and3A_2173 = arith.andi %ne3A_2172, %ne3A_2167 : i1
      %add3A_2174 = arith.addi %rem3A_2165, %select_n3A_2164 : i32
      %select_n3A_2175 = arith.select %and3A_2173, %add3A_2174, %rem3A_2165 : i32
      %mul3A_2176 = arith.constant 64 : i32
      %mul3A_2177 = arith.muli %select_n3A_2175, %mul3A_2176 : i32
      %dma_wait3A_2178 = arith.constant 10 : i32
      %dma_wait3A_2179 = arith.constant 0 : i32
      %dma_wait3A_2180 = arith.constant 0 : i32
      %dma_wait3A_2181 = tpu.memref_slice %arg6[%dma_wait3A_2178, %dma_wait3A_2179, %dma_wait3A_2180] : memref<12x64x128xf32, #tpu.memory_space<vmem>> -> memref<1x64x128xf32, #tpu.memory_space<vmem>>
      %dma_wait3A_2182 = tpu.memref_squeeze %dma_wait3A_2181 : memref<1x64x128xf32, #tpu.memory_space<vmem>> -> memref<64x128xf32, #tpu.memory_space<vmem>>
      %dma_wait3A_2183 = tpu.memref_slice %arg5[%select_n3A_2159, %mul3A_2177] : memref<50x128xi32, #tpu.memory_space<vmem>> -> memref<1x64xi32, #tpu.memory_space<vmem>>
      %dma_wait3A_2184 = tpu.memref_squeeze %dma_wait3A_2183 : memref<1x64xi32, #tpu.memory_space<vmem>> -> memref<64xi32, #tpu.memory_space<vmem>>
      %dma_wait3A_2185 = arith.constant 0 : i32
      %dma_wait3A_2186 = arith.constant 0 : i32
      %dma_wait3A_2187 = tpu.memref_slice %arg3[%dma_wait3A_2185, %dma_wait3A_2186] : memref<100000x128xf32, #tpu.memory_space<hbm>> -> memref<100000x128xf32, #tpu.memory_space<hbm>>
      tpu.wait_indirect_dma semaphore(%arg17 : memref<!tpu.dma_semaphore, #tpu.memory_space<semaphore_mem>>) src(%dma_wait3A_2187 : memref<100000x128xf32, #tpu.memory_space<hbm>>) dst(%dma_wait3A_2182 : memref<64x128xf32, #tpu.memory_space<vmem>>)
      %jit3A_2188 = arith.constant 2 : i32
      %div3A_2189 = arith.divsi %add3A_2135, %jit3A_2188 : i32
      %sign3A_2190 = arith.constant 0 : i32
      %sign3A_2191 = arith.cmpi sgt, %add3A_2135, %sign3A_2190 : i32
      %sign3A_2192 = arith.extui %sign3A_2191 : i1 to i32
      %sign3A_2193 = arith.constant 0 : i32
      %sign3A_2194 = arith.cmpi slt, %add3A_2135, %sign3A_2193 : i32
      %sign3A_2195 = arith.extui %sign3A_2194 : i1 to i32
      %sign3A_2196 = arith.subi %sign3A_2192, %sign3A_2195 : i32
      %sign3A_2197 = arith.constant 0 : i32
      %sign3A_2198 = arith.cmpi sgt, %jit3A_2188, %sign3A_2197 : i32
      %sign3A_2199 = arith.extui %sign3A_2198 : i1 to i32
      %sign3A_2200 = arith.constant 0 : i32
      %sign3A_2201 = arith.cmpi slt, %jit3A_2188, %sign3A_2200 : i32
      %sign3A_2202 = arith.extui %sign3A_2201 : i1 to i32
      %sign3A_2203 = arith.subi %sign3A_2199, %sign3A_2202 : i32
      %ne3A_2204 = arith.cmpi ne, %sign3A_2196, %sign3A_2203 : i32
      %rem3A_2205 = arith.remsi %add3A_2135, %jit3A_2188 : i32
      %ne3A_2206 = arith.constant 0 : i32
      %ne3A_2207 = arith.cmpi ne, %rem3A_2205, %ne3A_2206 : i32
      %and3A_2208 = arith.andi %ne3A_2204, %ne3A_2207 : i1
      %sub3A_2209 = arith.constant 1 : i32
      %sub3A_2210 = arith.subi %div3A_2189, %sub3A_2209 : i32
      %select_n3A_2211 = arith.select %and3A_2208, %sub3A_2210, %div3A_2189 : i32
      %jit3A_2212 = arith.constant 2 : i32
      %eq3A_2213 = arith.constant 0 : i32
      %eq3A_2214 = arith.cmpi eq, %jit3A_2212, %eq3A_2213 : i32
      %jit3A_2215 = arith.constant 1 : i32
      %select_n3A_2216 = arith.select %eq3A_2214, %jit3A_2215, %jit3A_2212 : i32
      %rem3A_2217 = arith.remsi %add3A_2135, %select_n3A_2216 : i32
      %ne3A_2218 = arith.constant 0 : i32
      %ne3A_2219 = arith.cmpi ne, %rem3A_2217, %ne3A_2218 : i32
      %lt3A_2220 = arith.constant 0 : i32
      %lt3A_2221 = arith.cmpi slt, %rem3A_2217, %lt3A_2220 : i32
      %lt3A_2222 = arith.constant 0 : i32
      %lt3A_2223 = arith.cmpi slt, %select_n3A_2216, %lt3A_2222 : i32
      %ne3A_2224 = arith.xori %lt3A_2221, %lt3A_2223 : i1
      %and3A_2225 = arith.andi %ne3A_2224, %ne3A_2219 : i1
      %add3A_2226 = arith.addi %rem3A_2217, %select_n3A_2216 : i32
      %select_n3A_2227 = arith.select %and3A_2225, %add3A_2226, %rem3A_2217 : i32
      %mul3A_2228 = arith.constant 64 : i32
      %mul3A_2229 = arith.muli %select_n3A_2227, %mul3A_2228 : i32
      %add3A_2230 = arith.addi %mul3A_2, %mul3A_2229 : i32
      %dma_start3A_2231 = arith.constant 10 : i32
      %dma_start3A_2232 = arith.constant 0 : i32
      %dma_start3A_2233 = arith.constant 0 : i32
      %dma_start3A_2234 = tpu.memref_slice %arg6[%dma_start3A_2231, %dma_start3A_2232, %dma_start3A_2233] : memref<12x64x128xf32, #tpu.memory_space<vmem>> -> memref<1x64x128xf32, #tpu.memory_space<vmem>>
      %dma_start3A_2235 = tpu.memref_squeeze %dma_start3A_2234 : memref<1x64x128xf32, #tpu.memory_space<vmem>> -> memref<64x128xf32, #tpu.memory_space<vmem>>
      %dma_start3A_2236 = arith.constant 0 : i32
      %dma_start3A_2237 = tpu.memref_slice %arg4[%select_n3A_2211, %add3A_2230, %dma_start3A_2236] : memref<50x4096x128xf32, #tpu.memory_space<hbm>> -> memref<1x64x128xf32, #tpu.memory_space<hbm>>
      %dma_start3A_2238 = tpu.memref_squeeze %dma_start3A_2237 : memref<1x64x128xf32, #tpu.memory_space<hbm>> -> memref<64x128xf32, #tpu.memory_space<hbm>>
      %dma_start3A_2239 = arith.constant 0 : i32
      %dma_start3A_2240 = tpu.memref_slice %arg4[%select_n3A_2211, %add3A_2230, %dma_start3A_2239] : memref<50x4096x128xf32, #tpu.memory_space<hbm>> -> memref<1x64x128xf32, #tpu.memory_space<hbm>>
      %dma_start3A_2241 = tpu.memref_squeeze %dma_start3A_2240 : memref<1x64x128xf32, #tpu.memory_space<hbm>> -> memref<64x128xf32, #tpu.memory_space<hbm>>
      %dma_start3A_2242 = arith.constant 0 : i32
      %dma_start3A_2243 = arith.constant 0 : i32
      %dma_start3A_2244 = tpu.memref_slice %arg6[%dma_start3A_2231, %dma_start3A_2242, %dma_start3A_2243] : memref<12x64x128xf32, #tpu.memory_space<vmem>> -> memref<1x64x128xf32, #tpu.memory_space<vmem>>
      %dma_start3A_2245 = tpu.memref_squeeze %dma_start3A_2244 : memref<1x64x128xf32, #tpu.memory_space<vmem>> -> memref<64x128xf32, #tpu.memory_space<vmem>>
      tpu.enqueue_dma source(%dma_start3A_2245 : memref<64x128xf32, #tpu.memory_space<vmem>>) target(%dma_start3A_2241 : memref<64x128xf32, #tpu.memory_space<hbm>>) target_semaphore(%arg29 : memref<!tpu.dma_semaphore, #tpu.memory_space<semaphore_mem>>)
      %add3A_2246 = arith.constant 8 : i32
      %add3A_2247 = arith.addi %add3A_2135, %add3A_2246 : i32
      %sub3A_2248 = arith.constant 12 : i32
      %sub3A_2249 = arith.subi %add3A_2247, %sub3A_2248 : i32
      %jit3A_2250 = arith.constant 2 : i32
      %div3A_2251 = arith.divsi %sub3A_2249, %jit3A_2250 : i32
      %sign3A_2252 = arith.constant 0 : i32
      %sign3A_2253 = arith.cmpi sgt, %sub3A_2249, %sign3A_2252 : i32
      %sign3A_2254 = arith.extui %sign3A_2253 : i1 to i32
      %sign3A_2255 = arith.constant 0 : i32
      %sign3A_2256 = arith.cmpi slt, %sub3A_2249, %sign3A_2255 : i32
      %sign3A_2257 = arith.extui %sign3A_2256 : i1 to i32
      %sign3A_2258 = arith.subi %sign3A_2254, %sign3A_2257 : i32
      %sign3A_2259 = arith.constant 0 : i32
      %sign3A_2260 = arith.cmpi sgt, %jit3A_2250, %sign3A_2259 : i32
      %sign3A_2261 = arith.extui %sign3A_2260 : i1 to i32
      %sign3A_2262 = arith.constant 0 : i32
      %sign3A_2263 = arith.cmpi slt, %jit3A_2250, %sign3A_2262 : i32
      %sign3A_2264 = arith.extui %sign3A_2263 : i1 to i32
      %sign3A_2265 = arith.subi %sign3A_2261, %sign3A_2264 : i32
      %ne3A_2266 = arith.cmpi ne, %sign3A_2258, %sign3A_2265 : i32
      %rem3A_2267 = arith.remsi %sub3A_2249, %jit3A_2250 : i32
      %ne3A_2268 = arith.constant 0 : i32
      %ne3A_2269 = arith.cmpi ne, %rem3A_2267, %ne3A_2268 : i32
      %and3A_2270 = arith.andi %ne3A_2266, %ne3A_2269 : i1
      %sub3A_2271 = arith.constant 1 : i32
      %sub3A_2272 = arith.subi %div3A_2251, %sub3A_2271 : i32
      %select_n3A_2273 = arith.select %and3A_2270, %sub3A_2272, %div3A_2251 : i32
      %jit3A_2274 = arith.constant 2 : i32
      %eq3A_2275 = arith.constant 0 : i32
      %eq3A_2276 = arith.cmpi eq, %jit3A_2274, %eq3A_2275 : i32
      %jit3A_2277 = arith.constant 1 : i32
      %select_n3A_2278 = arith.select %eq3A_2276, %jit3A_2277, %jit3A_2274 : i32
      %rem3A_2279 = arith.remsi %sub3A_2249, %select_n3A_2278 : i32
      %ne3A_2280 = arith.constant 0 : i32
      %ne3A_2281 = arith.cmpi ne, %rem3A_2279, %ne3A_2280 : i32
      %lt3A_2282 = arith.constant 0 : i32
      %lt3A_2283 = arith.cmpi slt, %rem3A_2279, %lt3A_2282 : i32
      %lt3A_2284 = arith.constant 0 : i32
      %lt3A_2285 = arith.cmpi slt, %select_n3A_2278, %lt3A_2284 : i32
      %ne3A_2286 = arith.xori %lt3A_2283, %lt3A_2285 : i1
      %and3A_2287 = arith.andi %ne3A_2286, %ne3A_2281 : i1
      %add3A_2288 = arith.addi %rem3A_2279, %select_n3A_2278 : i32
      %select_n3A_2289 = arith.select %and3A_2287, %add3A_2288, %rem3A_2279 : i32
      %mul3A_2290 = arith.constant 64 : i32
      %mul3A_2291 = arith.muli %select_n3A_2289, %mul3A_2290 : i32
      %add3A_2292 = arith.addi %mul3A_2, %mul3A_2291 : i32
      %dma_wait3A_2293 = arith.constant 6 : i32
      %dma_wait3A_2294 = arith.constant 0 : i32
      %dma_wait3A_2295 = arith.constant 0 : i32
      %dma_wait3A_2296 = tpu.memref_slice %arg6[%dma_wait3A_2293, %dma_wait3A_2294, %dma_wait3A_2295] : memref<12x64x128xf32, #tpu.memory_space<vmem>> -> memref<1x64x128xf32, #tpu.memory_space<vmem>>
      %dma_wait3A_2297 = tpu.memref_squeeze %dma_wait3A_2296 : memref<1x64x128xf32, #tpu.memory_space<vmem>> -> memref<64x128xf32, #tpu.memory_space<vmem>>
      %dma_wait3A_2298 = arith.constant 0 : i32
      %dma_wait3A_2299 = tpu.memref_slice %arg4[%select_n3A_2273, %add3A_2292, %dma_wait3A_2298] : memref<50x4096x128xf32, #tpu.memory_space<hbm>> -> memref<1x64x128xf32, #tpu.memory_space<hbm>>
      %dma_wait3A_2300 = tpu.memref_squeeze %dma_wait3A_2299 : memref<1x64x128xf32, #tpu.memory_space<hbm>> -> memref<64x128xf32, #tpu.memory_space<hbm>>
      %dma_wait3A_2301 = arith.constant 0 : i32
      %dma_wait3A_2302 = tpu.memref_slice %arg4[%select_n3A_2273, %add3A_2292, %dma_wait3A_2301] : memref<50x4096x128xf32, #tpu.memory_space<hbm>> -> memref<1x64x128xf32, #tpu.memory_space<hbm>>
      %dma_wait3A_2303 = tpu.memref_squeeze %dma_wait3A_2302 : memref<1x64x128xf32, #tpu.memory_space<hbm>> -> memref<64x128xf32, #tpu.memory_space<hbm>>
      %dma_wait3A_2304 = arith.constant 0 : i32
      %dma_wait3A_2305 = arith.constant 0 : i32
      %dma_wait3A_2306 = tpu.memref_slice %arg6[%dma_wait3A_2293, %dma_wait3A_2304, %dma_wait3A_2305] : memref<12x64x128xf32, #tpu.memory_space<vmem>> -> memref<1x64x128xf32, #tpu.memory_space<vmem>>
      %dma_wait3A_2307 = tpu.memref_squeeze %dma_wait3A_2306 : memref<1x64x128xf32, #tpu.memory_space<vmem>> -> memref<64x128xf32, #tpu.memory_space<vmem>>
      tpu.wait_dma2 semaphore(%arg25 : memref<!tpu.dma_semaphore, #tpu.memory_space<semaphore_mem>>) src(%dma_wait3A_2307 : memref<64x128xf32, #tpu.memory_space<vmem>>) dst(%dma_wait3A_2303 : memref<64x128xf32, #tpu.memory_space<hbm>>)
      %lt3A_2308 = arith.constant 100 : i32
      %lt3A_2309 = arith.cmpi slt, %add3A_2247, %lt3A_2308 : i32
      %convert_element_type3A_2310 = arith.extui %lt3A_2309 : i1 to i32
      %cond3A_2311 = arith.constant 0 : i32
      %cond3A_2312 = arith.cmpi ne, %convert_element_type3A_2310, %cond3A_2311 : i32
      scf.if %cond3A_2312 {
        %jit3A_2494 = arith.constant 2 : i32
        %div3A_2495 = arith.divsi %add3A_2247, %jit3A_2494 : i32
        %sign3A_2496 = arith.constant 0 : i32
        %sign3A_2497 = arith.cmpi sgt, %add3A_2247, %sign3A_2496 : i32
        %sign3A_2498 = arith.extui %sign3A_2497 : i1 to i32
        %sign3A_2499 = arith.constant 0 : i32
        %sign3A_2500 = arith.cmpi slt, %add3A_2247, %sign3A_2499 : i32
        %sign3A_2501 = arith.extui %sign3A_2500 : i1 to i32
        %sign3A_2502 = arith.subi %sign3A_2498, %sign3A_2501 : i32
        %sign3A_2503 = arith.constant 0 : i32
        %sign3A_2504 = arith.cmpi sgt, %jit3A_2494, %sign3A_2503 : i32
        %sign3A_2505 = arith.extui %sign3A_2504 : i1 to i32
        %sign3A_2506 = arith.constant 0 : i32
        %sign3A_2507 = arith.cmpi slt, %jit3A_2494, %sign3A_2506 : i32
        %sign3A_2508 = arith.extui %sign3A_2507 : i1 to i32
        %sign3A_2509 = arith.subi %sign3A_2505, %sign3A_2508 : i32
        %ne3A_2510 = arith.cmpi ne, %sign3A_2502, %sign3A_2509 : i32
        %rem3A_2511 = arith.remsi %add3A_2247, %jit3A_2494 : i32
        %ne3A_2512 = arith.constant 0 : i32
        %ne3A_2513 = arith.cmpi ne, %rem3A_2511, %ne3A_2512 : i32
        %and3A_2514 = arith.andi %ne3A_2510, %ne3A_2513 : i1
        %sub3A_2515 = arith.constant 1 : i32
        %sub3A_2516 = arith.subi %div3A_2495, %sub3A_2515 : i32
        %select_n3A_2517 = arith.select %and3A_2514, %sub3A_2516, %div3A_2495 : i32
        %jit3A_2518 = arith.constant 2 : i32
        %eq3A_2519 = arith.constant 0 : i32
        %eq3A_2520 = arith.cmpi eq, %jit3A_2518, %eq3A_2519 : i32
        %jit3A_2521 = arith.constant 1 : i32
        %select_n3A_2522 = arith.select %eq3A_2520, %jit3A_2521, %jit3A_2518 : i32
        %rem3A_2523 = arith.remsi %add3A_2247, %select_n3A_2522 : i32
        %ne3A_2524 = arith.constant 0 : i32
        %ne3A_2525 = arith.cmpi ne, %rem3A_2523, %ne3A_2524 : i32
        %lt3A_2526 = arith.constant 0 : i32
        %lt3A_2527 = arith.cmpi slt, %rem3A_2523, %lt3A_2526 : i32
        %lt3A_2528 = arith.constant 0 : i32
        %lt3A_2529 = arith.cmpi slt, %select_n3A_2522, %lt3A_2528 : i32
        %ne3A_2530 = arith.xori %lt3A_2527, %lt3A_2529 : i1
        %and3A_2531 = arith.andi %ne3A_2530, %ne3A_2525 : i1
        %add3A_2532 = arith.addi %rem3A_2523, %select_n3A_2522 : i32
        %select_n3A_2533 = arith.select %and3A_2531, %add3A_2532, %rem3A_2523 : i32
        %mul3A_2534 = arith.constant 64 : i32
        %mul3A_2535 = arith.muli %select_n3A_2533, %mul3A_2534 : i32
        %dma_start3A_2536 = arith.constant 6 : i32
        %dma_start3A_2537 = arith.constant 0 : i32
        %dma_start3A_2538 = arith.constant 0 : i32
        %dma_start3A_2539 = tpu.memref_slice %arg6[%dma_start3A_2536, %dma_start3A_2537, %dma_start3A_2538] : memref<12x64x128xf32, #tpu.memory_space<vmem>> -> memref<1x64x128xf32, #tpu.memory_space<vmem>>
        %dma_start3A_2540 = tpu.memref_squeeze %dma_start3A_2539 : memref<1x64x128xf32, #tpu.memory_space<vmem>> -> memref<64x128xf32, #tpu.memory_space<vmem>>
        %dma_start3A_2541 = tpu.memref_slice %arg5[%select_n3A_2517, %mul3A_2535] : memref<50x128xi32, #tpu.memory_space<vmem>> -> memref<1x64xi32, #tpu.memory_space<vmem>>
        %dma_start3A_2542 = tpu.memref_squeeze %dma_start3A_2541 : memref<1x64xi32, #tpu.memory_space<vmem>> -> memref<64xi32, #tpu.memory_space<vmem>>
        %dma_start3A_2543 = arith.constant 0 : i32
        %dma_start3A_2544 = arith.constant 0 : i32
        %dma_start3A_2545 = tpu.memref_slice %arg3[%dma_start3A_2543, %dma_start3A_2544] : memref<100000x128xf32, #tpu.memory_space<hbm>> -> memref<100000x128xf32, #tpu.memory_space<hbm>>
        tpu.enqueue_indirect_dma source(%dma_start3A_2545 : memref<100000x128xf32, #tpu.memory_space<hbm>>) target(%dma_start3A_2540 : memref<64x128xf32, #tpu.memory_space<vmem>>) offsets(%dma_start3A_2542 : memref<64xi32, #tpu.memory_space<vmem>>) semaphore(%arg13 : memref<!tpu.dma_semaphore, #tpu.memory_space<semaphore_mem>>)
      } else {
      }
      %mul3A_2313 = arith.constant 12 : i32
      %mul3A_2314 = arith.muli %scan3A_366, %mul3A_2313 : i32
      %add3A_2315 = arith.constant 11 : i32
      %add3A_2316 = arith.addi %mul3A_2314, %add3A_2315 : i32
      %jit3A_2317 = arith.constant 2 : i32
      %div3A_2318 = arith.divsi %add3A_2316, %jit3A_2317 : i32
      %sign3A_2319 = arith.constant 0 : i32
      %sign3A_2320 = arith.cmpi sgt, %add3A_2316, %sign3A_2319 : i32
      %sign3A_2321 = arith.extui %sign3A_2320 : i1 to i32
      %sign3A_2322 = arith.constant 0 : i32
      %sign3A_2323 = arith.cmpi slt, %add3A_2316, %sign3A_2322 : i32
      %sign3A_2324 = arith.extui %sign3A_2323 : i1 to i32
      %sign3A_2325 = arith.subi %sign3A_2321, %sign3A_2324 : i32
      %sign3A_2326 = arith.constant 0 : i32
      %sign3A_2327 = arith.cmpi sgt, %jit3A_2317, %sign3A_2326 : i32
      %sign3A_2328 = arith.extui %sign3A_2327 : i1 to i32
      %sign3A_2329 = arith.constant 0 : i32
      %sign3A_2330 = arith.cmpi slt, %jit3A_2317, %sign3A_2329 : i32
      %sign3A_2331 = arith.extui %sign3A_2330 : i1 to i32
      %sign3A_2332 = arith.subi %sign3A_2328, %sign3A_2331 : i32
      %ne3A_2333 = arith.cmpi ne, %sign3A_2325, %sign3A_2332 : i32
      %rem3A_2334 = arith.remsi %add3A_2316, %jit3A_2317 : i32
      %ne3A_2335 = arith.constant 0 : i32
      %ne3A_2336 = arith.cmpi ne, %rem3A_2334, %ne3A_2335 : i32
      %and3A_2337 = arith.andi %ne3A_2333, %ne3A_2336 : i1
      %sub3A_2338 = arith.constant 1 : i32
      %sub3A_2339 = arith.subi %div3A_2318, %sub3A_2338 : i32
      %select_n3A_2340 = arith.select %and3A_2337, %sub3A_2339, %div3A_2318 : i32
      %jit3A_2341 = arith.constant 2 : i32
      %eq3A_2342 = arith.constant 0 : i32
      %eq3A_2343 = arith.cmpi eq, %jit3A_2341, %eq3A_2342 : i32
      %jit3A_2344 = arith.constant 1 : i32
      %select_n3A_2345 = arith.select %eq3A_2343, %jit3A_2344, %jit3A_2341 : i32
      %rem3A_2346 = arith.remsi %add3A_2316, %select_n3A_2345 : i32
      %ne3A_2347 = arith.constant 0 : i32
      %ne3A_2348 = arith.cmpi ne, %rem3A_2346, %ne3A_2347 : i32
      %lt3A_2349 = arith.constant 0 : i32
      %lt3A_2350 = arith.cmpi slt, %rem3A_2346, %lt3A_2349 : i32
      %lt3A_2351 = arith.constant 0 : i32
      %lt3A_2352 = arith.cmpi slt, %select_n3A_2345, %lt3A_2351 : i32
      %ne3A_2353 = arith.xori %lt3A_2350, %lt3A_2352 : i1
      %and3A_2354 = arith.andi %ne3A_2353, %ne3A_2348 : i1
      %add3A_2355 = arith.addi %rem3A_2346, %select_n3A_2345 : i32
      %select_n3A_2356 = arith.select %and3A_2354, %add3A_2355, %rem3A_2346 : i32
      %mul3A_2357 = arith.constant 64 : i32
      %mul3A_2358 = arith.muli %select_n3A_2356, %mul3A_2357 : i32
      %dma_wait3A_2359 = arith.constant 11 : i32
      %dma_wait3A_2360 = arith.constant 0 : i32
      %dma_wait3A_2361 = arith.constant 0 : i32
      %dma_wait3A_2362 = tpu.memref_slice %arg6[%dma_wait3A_2359, %dma_wait3A_2360, %dma_wait3A_2361] : memref<12x64x128xf32, #tpu.memory_space<vmem>> -> memref<1x64x128xf32, #tpu.memory_space<vmem>>
      %dma_wait3A_2363 = tpu.memref_squeeze %dma_wait3A_2362 : memref<1x64x128xf32, #tpu.memory_space<vmem>> -> memref<64x128xf32, #tpu.memory_space<vmem>>
      %dma_wait3A_2364 = tpu.memref_slice %arg5[%select_n3A_2340, %mul3A_2358] : memref<50x128xi32, #tpu.memory_space<vmem>> -> memref<1x64xi32, #tpu.memory_space<vmem>>
      %dma_wait3A_2365 = tpu.memref_squeeze %dma_wait3A_2364 : memref<1x64xi32, #tpu.memory_space<vmem>> -> memref<64xi32, #tpu.memory_space<vmem>>
      %dma_wait3A_2366 = arith.constant 0 : i32
      %dma_wait3A_2367 = arith.constant 0 : i32
      %dma_wait3A_2368 = tpu.memref_slice %arg3[%dma_wait3A_2366, %dma_wait3A_2367] : memref<100000x128xf32, #tpu.memory_space<hbm>> -> memref<100000x128xf32, #tpu.memory_space<hbm>>
      tpu.wait_indirect_dma semaphore(%arg18 : memref<!tpu.dma_semaphore, #tpu.memory_space<semaphore_mem>>) src(%dma_wait3A_2368 : memref<100000x128xf32, #tpu.memory_space<hbm>>) dst(%dma_wait3A_2363 : memref<64x128xf32, #tpu.memory_space<vmem>>)
      %jit3A_2369 = arith.constant 2 : i32
      %div3A_2370 = arith.divsi %add3A_2316, %jit3A_2369 : i32
      %sign3A_2371 = arith.constant 0 : i32
      %sign3A_2372 = arith.cmpi sgt, %add3A_2316, %sign3A_2371 : i32
      %sign3A_2373 = arith.extui %sign3A_2372 : i1 to i32
      %sign3A_2374 = arith.constant 0 : i32
      %sign3A_2375 = arith.cmpi slt, %add3A_2316, %sign3A_2374 : i32
      %sign3A_2376 = arith.extui %sign3A_2375 : i1 to i32
      %sign3A_2377 = arith.subi %sign3A_2373, %sign3A_2376 : i32
      %sign3A_2378 = arith.constant 0 : i32
      %sign3A_2379 = arith.cmpi sgt, %jit3A_2369, %sign3A_2378 : i32
      %sign3A_2380 = arith.extui %sign3A_2379 : i1 to i32
      %sign3A_2381 = arith.constant 0 : i32
      %sign3A_2382 = arith.cmpi slt, %jit3A_2369, %sign3A_2381 : i32
      %sign3A_2383 = arith.extui %sign3A_2382 : i1 to i32
      %sign3A_2384 = arith.subi %sign3A_2380, %sign3A_2383 : i32
      %ne3A_2385 = arith.cmpi ne, %sign3A_2377, %sign3A_2384 : i32
      %rem3A_2386 = arith.remsi %add3A_2316, %jit3A_2369 : i32
      %ne3A_2387 = arith.constant 0 : i32
      %ne3A_2388 = arith.cmpi ne, %rem3A_2386, %ne3A_2387 : i32
      %and3A_2389 = arith.andi %ne3A_2385, %ne3A_2388 : i1
      %sub3A_2390 = arith.constant 1 : i32
      %sub3A_2391 = arith.subi %div3A_2370, %sub3A_2390 : i32
      %select_n3A_2392 = arith.select %and3A_2389, %sub3A_2391, %div3A_2370 : i32
      %jit3A_2393 = arith.constant 2 : i32
      %eq3A_2394 = arith.constant 0 : i32
      %eq3A_2395 = arith.cmpi eq, %jit3A_2393, %eq3A_2394 : i32
      %jit3A_2396 = arith.constant 1 : i32
      %select_n3A_2397 = arith.select %eq3A_2395, %jit3A_2396, %jit3A_2393 : i32
      %rem3A_2398 = arith.remsi %add3A_2316, %select_n3A_2397 : i32
      %ne3A_2399 = arith.constant 0 : i32
      %ne3A_2400 = arith.cmpi ne, %rem3A_2398, %ne3A_2399 : i32
      %lt3A_2401 = arith.constant 0 : i32
      %lt3A_2402 = arith.cmpi slt, %rem3A_2398, %lt3A_2401 : i32
      %lt3A_2403 = arith.constant 0 : i32
      %lt3A_2404 = arith.cmpi slt, %select_n3A_2397, %lt3A_2403 : i32
      %ne3A_2405 = arith.xori %lt3A_2402, %lt3A_2404 : i1
      %and3A_2406 = arith.andi %ne3A_2405, %ne3A_2400 : i1
      %add3A_2407 = arith.addi %rem3A_2398, %select_n3A_2397 : i32
      %select_n3A_2408 = arith.select %and3A_2406, %add3A_2407, %rem3A_2398 : i32
      %mul3A_2409 = arith.constant 64 : i32
      %mul3A_2410 = arith.muli %select_n3A_2408, %mul3A_2409 : i32
      %add3A_2411 = arith.addi %mul3A_2, %mul3A_2410 : i32
      %dma_start3A_2412 = arith.constant 11 : i32
      %dma_start3A_2413 = arith.constant 0 : i32
      %dma_start3A_2414 = arith.constant 0 : i32
      %dma_start3A_2415 = tpu.memref_slice %arg6[%dma_start3A_2412, %dma_start3A_2413, %dma_start3A_2414] : memref<12x64x128xf32, #tpu.memory_space<vmem>> -> memref<1x64x128xf32, #tpu.memory_space<vmem>>
      %dma_start3A_2416 = tpu.memref_squeeze %dma_start3A_2415 : memref<1x64x128xf32, #tpu.memory_space<vmem>> -> memref<64x128xf32, #tpu.memory_space<vmem>>
      %dma_start3A_2417 = arith.constant 0 : i32
      %dma_start3A_2418 = tpu.memref_slice %arg4[%select_n3A_2392, %add3A_2411, %dma_start3A_2417] : memref<50x4096x128xf32, #tpu.memory_space<hbm>> -> memref<1x64x128xf32, #tpu.memory_space<hbm>>
      %dma_start3A_2419 = tpu.memref_squeeze %dma_start3A_2418 : memref<1x64x128xf32, #tpu.memory_space<hbm>> -> memref<64x128xf32, #tpu.memory_space<hbm>>
      %dma_start3A_2420 = arith.constant 0 : i32
      %dma_start3A_2421 = tpu.memref_slice %arg4[%select_n3A_2392, %add3A_2411, %dma_start3A_2420] : memref<50x4096x128xf32, #tpu.memory_space<hbm>> -> memref<1x64x128xf32, #tpu.memory_space<hbm>>
      %dma_start3A_2422 = tpu.memref_squeeze %dma_start3A_2421 : memref<1x64x128xf32, #tpu.memory_space<hbm>> -> memref<64x128xf32, #tpu.memory_space<hbm>>
      %dma_start3A_2423 = arith.constant 0 : i32
      %dma_start3A_2424 = arith.constant 0 : i32
      %dma_start3A_2425 = tpu.memref_slice %arg6[%dma_start3A_2412, %dma_start3A_2423, %dma_start3A_2424] : memref<12x64x128xf32, #tpu.memory_space<vmem>> -> memref<1x64x128xf32, #tpu.memory_space<vmem>>
      %dma_start3A_2426 = tpu.memref_squeeze %dma_start3A_2425 : memref<1x64x128xf32, #tpu.memory_space<vmem>> -> memref<64x128xf32, #tpu.memory_space<vmem>>
      tpu.enqueue_dma source(%dma_start3A_2426 : memref<64x128xf32, #tpu.memory_space<vmem>>) target(%dma_start3A_2422 : memref<64x128xf32, #tpu.memory_space<hbm>>) target_semaphore(%arg30 : memref<!tpu.dma_semaphore, #tpu.memory_space<semaphore_mem>>)
      %add3A_2427 = arith.constant 8 : i32
      %add3A_2428 = arith.addi %add3A_2316, %add3A_2427 : i32
      %sub3A_2429 = arith.constant 12 : i32
      %sub3A_2430 = arith.subi %add3A_2428, %sub3A_2429 : i32
      %jit3A_2431 = arith.constant 2 : i32
      %div3A_2432 = arith.divsi %sub3A_2430, %jit3A_2431 : i32
      %sign3A_2433 = arith.constant 0 : i32
      %sign3A_2434 = arith.cmpi sgt, %sub3A_2430, %sign3A_2433 : i32
      %sign3A_2435 = arith.extui %sign3A_2434 : i1 to i32
      %sign3A_2436 = arith.constant 0 : i32
      %sign3A_2437 = arith.cmpi slt, %sub3A_2430, %sign3A_2436 : i32
      %sign3A_2438 = arith.extui %sign3A_2437 : i1 to i32
      %sign3A_2439 = arith.subi %sign3A_2435, %sign3A_2438 : i32
      %sign3A_2440 = arith.constant 0 : i32
      %sign3A_2441 = arith.cmpi sgt, %jit3A_2431, %sign3A_2440 : i32
      %sign3A_2442 = arith.extui %sign3A_2441 : i1 to i32
      %sign3A_2443 = arith.constant 0 : i32
      %sign3A_2444 = arith.cmpi slt, %jit3A_2431, %sign3A_2443 : i32
      %sign3A_2445 = arith.extui %sign3A_2444 : i1 to i32
      %sign3A_2446 = arith.subi %sign3A_2442, %sign3A_2445 : i32
      %ne3A_2447 = arith.cmpi ne, %sign3A_2439, %sign3A_2446 : i32
      %rem3A_2448 = arith.remsi %sub3A_2430, %jit3A_2431 : i32
      %ne3A_2449 = arith.constant 0 : i32
      %ne3A_2450 = arith.cmpi ne, %rem3A_2448, %ne3A_2449 : i32
      %and3A_2451 = arith.andi %ne3A_2447, %ne3A_2450 : i1
      %sub3A_2452 = arith.constant 1 : i32
      %sub3A_2453 = arith.subi %div3A_2432, %sub3A_2452 : i32
      %select_n3A_2454 = arith.select %and3A_2451, %sub3A_2453, %div3A_2432 : i32
      %jit3A_2455 = arith.constant 2 : i32
      %eq3A_2456 = arith.constant 0 : i32
      %eq3A_2457 = arith.cmpi eq, %jit3A_2455, %eq3A_2456 : i32
      %jit3A_2458 = arith.constant 1 : i32
      %select_n3A_2459 = arith.select %eq3A_2457, %jit3A_2458, %jit3A_2455 : i32
      %rem3A_2460 = arith.remsi %sub3A_2430, %select_n3A_2459 : i32
      %ne3A_2461 = arith.constant 0 : i32
      %ne3A_2462 = arith.cmpi ne, %rem3A_2460, %ne3A_2461 : i32
      %lt3A_2463 = arith.constant 0 : i32
      %lt3A_2464 = arith.cmpi slt, %rem3A_2460, %lt3A_2463 : i32
      %lt3A_2465 = arith.constant 0 : i32
      %lt3A_2466 = arith.cmpi slt, %select_n3A_2459, %lt3A_2465 : i32
      %ne3A_2467 = arith.xori %lt3A_2464, %lt3A_2466 : i1
      %and3A_2468 = arith.andi %ne3A_2467, %ne3A_2462 : i1
      %add3A_2469 = arith.addi %rem3A_2460, %select_n3A_2459 : i32
      %select_n3A_2470 = arith.select %and3A_2468, %add3A_2469, %rem3A_2460 : i32
      %mul3A_2471 = arith.constant 64 : i32
      %mul3A_2472 = arith.muli %select_n3A_2470, %mul3A_2471 : i32
      %add3A_2473 = arith.addi %mul3A_2, %mul3A_2472 : i32
      %dma_wait3A_2474 = arith.constant 7 : i32
      %dma_wait3A_2475 = arith.constant 0 : i32
      %dma_wait3A_2476 = arith.constant 0 : i32
      %dma_wait3A_2477 = tpu.memref_slice %arg6[%dma_wait3A_2474, %dma_wait3A_2475, %dma_wait3A_2476] : memref<12x64x128xf32, #tpu.memory_space<vmem>> -> memref<1x64x128xf32, #tpu.memory_space<vmem>>
      %dma_wait3A_2478 = tpu.memref_squeeze %dma_wait3A_2477 : memref<1x64x128xf32, #tpu.memory_space<vmem>> -> memref<64x128xf32, #tpu.memory_space<vmem>>
      %dma_wait3A_2479 = arith.constant 0 : i32
      %dma_wait3A_2480 = tpu.memref_slice %arg4[%select_n3A_2454, %add3A_2473, %dma_wait3A_2479] : memref<50x4096x128xf32, #tpu.memory_space<hbm>> -> memref<1x64x128xf32, #tpu.memory_space<hbm>>
      %dma_wait3A_2481 = tpu.memref_squeeze %dma_wait3A_2480 : memref<1x64x128xf32, #tpu.memory_space<hbm>> -> memref<64x128xf32, #tpu.memory_space<hbm>>
      %dma_wait3A_2482 = arith.constant 0 : i32
      %dma_wait3A_2483 = tpu.memref_slice %arg4[%select_n3A_2454, %add3A_2473, %dma_wait3A_2482] : memref<50x4096x128xf32, #tpu.memory_space<hbm>> -> memref<1x64x128xf32, #tpu.memory_space<hbm>>
      %dma_wait3A_2484 = tpu.memref_squeeze %dma_wait3A_2483 : memref<1x64x128xf32, #tpu.memory_space<hbm>> -> memref<64x128xf32, #tpu.memory_space<hbm>>
      %dma_wait3A_2485 = arith.constant 0 : i32
      %dma_wait3A_2486 = arith.constant 0 : i32
      %dma_wait3A_2487 = tpu.memref_slice %arg6[%dma_wait3A_2474, %dma_wait3A_2485, %dma_wait3A_2486] : memref<12x64x128xf32, #tpu.memory_space<vmem>> -> memref<1x64x128xf32, #tpu.memory_space<vmem>>
      %dma_wait3A_2488 = tpu.memref_squeeze %dma_wait3A_2487 : memref<1x64x128xf32, #tpu.memory_space<vmem>> -> memref<64x128xf32, #tpu.memory_space<vmem>>
      tpu.wait_dma2 semaphore(%arg26 : memref<!tpu.dma_semaphore, #tpu.memory_space<semaphore_mem>>) src(%dma_wait3A_2488 : memref<64x128xf32, #tpu.memory_space<vmem>>) dst(%dma_wait3A_2484 : memref<64x128xf32, #tpu.memory_space<hbm>>)
      %lt3A_2489 = arith.constant 100 : i32
      %lt3A_2490 = arith.cmpi slt, %add3A_2428, %lt3A_2489 : i32
      %convert_element_type3A_2491 = arith.extui %lt3A_2490 : i1 to i32
      %cond3A_2492 = arith.constant 0 : i32
      %cond3A_2493 = arith.cmpi ne, %convert_element_type3A_2491, %cond3A_2492 : i32
      scf.if %cond3A_2493 {
        %jit3A_2494 = arith.constant 2 : i32
        %div3A_2495 = arith.divsi %add3A_2428, %jit3A_2494 : i32
        %sign3A_2496 = arith.constant 0 : i32
        %sign3A_2497 = arith.cmpi sgt, %add3A_2428, %sign3A_2496 : i32
        %sign3A_2498 = arith.extui %sign3A_2497 : i1 to i32
        %sign3A_2499 = arith.constant 0 : i32
        %sign3A_2500 = arith.cmpi slt, %add3A_2428, %sign3A_2499 : i32
        %sign3A_2501 = arith.extui %sign3A_2500 : i1 to i32
        %sign3A_2502 = arith.subi %sign3A_2498, %sign3A_2501 : i32
        %sign3A_2503 = arith.constant 0 : i32
        %sign3A_2504 = arith.cmpi sgt, %jit3A_2494, %sign3A_2503 : i32
        %sign3A_2505 = arith.extui %sign3A_2504 : i1 to i32
        %sign3A_2506 = arith.constant 0 : i32
        %sign3A_2507 = arith.cmpi slt, %jit3A_2494, %sign3A_2506 : i32
        %sign3A_2508 = arith.extui %sign3A_2507 : i1 to i32
        %sign3A_2509 = arith.subi %sign3A_2505, %sign3A_2508 : i32
        %ne3A_2510 = arith.cmpi ne, %sign3A_2502, %sign3A_2509 : i32
        %rem3A_2511 = arith.remsi %add3A_2428, %jit3A_2494 : i32
        %ne3A_2512 = arith.constant 0 : i32
        %ne3A_2513 = arith.cmpi ne, %rem3A_2511, %ne3A_2512 : i32
        %and3A_2514 = arith.andi %ne3A_2510, %ne3A_2513 : i1
        %sub3A_2515 = arith.constant 1 : i32
        %sub3A_2516 = arith.subi %div3A_2495, %sub3A_2515 : i32
        %select_n3A_2517 = arith.select %and3A_2514, %sub3A_2516, %div3A_2495 : i32
        %jit3A_2518 = arith.constant 2 : i32
        %eq3A_2519 = arith.constant 0 : i32
        %eq3A_2520 = arith.cmpi eq, %jit3A_2518, %eq3A_2519 : i32
        %jit3A_2521 = arith.constant 1 : i32
        %select_n3A_2522 = arith.select %eq3A_2520, %jit3A_2521, %jit3A_2518 : i32
        %rem3A_2523 = arith.remsi %add3A_2428, %select_n3A_2522 : i32
        %ne3A_2524 = arith.constant 0 : i32
        %ne3A_2525 = arith.cmpi ne, %rem3A_2523, %ne3A_2524 : i32
        %lt3A_2526 = arith.constant 0 : i32
        %lt3A_2527 = arith.cmpi slt, %rem3A_2523, %lt3A_2526 : i32
        %lt3A_2528 = arith.constant 0 : i32
        %lt3A_2529 = arith.cmpi slt, %select_n3A_2522, %lt3A_2528 : i32
        %ne3A_2530 = arith.xori %lt3A_2527, %lt3A_2529 : i1
        %and3A_2531 = arith.andi %ne3A_2530, %ne3A_2525 : i1
        %add3A_2532 = arith.addi %rem3A_2523, %select_n3A_2522 : i32
        %select_n3A_2533 = arith.select %and3A_2531, %add3A_2532, %rem3A_2523 : i32
        %mul3A_2534 = arith.constant 64 : i32
        %mul3A_2535 = arith.muli %select_n3A_2533, %mul3A_2534 : i32
        %dma_start3A_2536 = arith.constant 7 : i32
        %dma_start3A_2537 = arith.constant 0 : i32
        %dma_start3A_2538 = arith.constant 0 : i32
        %dma_start3A_2539 = tpu.memref_slice %arg6[%dma_start3A_2536, %dma_start3A_2537, %dma_start3A_2538] : memref<12x64x128xf32, #tpu.memory_space<vmem>> -> memref<1x64x128xf32, #tpu.memory_space<vmem>>
        %dma_start3A_2540 = tpu.memref_squeeze %dma_start3A_2539 : memref<1x64x128xf32, #tpu.memory_space<vmem>> -> memref<64x128xf32, #tpu.memory_space<vmem>>
        %dma_start3A_2541 = tpu.memref_slice %arg5[%select_n3A_2517, %mul3A_2535] : memref<50x128xi32, #tpu.memory_space<vmem>> -> memref<1x64xi32, #tpu.memory_space<vmem>>
        %dma_start3A_2542 = tpu.memref_squeeze %dma_start3A_2541 : memref<1x64xi32, #tpu.memory_space<vmem>> -> memref<64xi32, #tpu.memory_space<vmem>>
        %dma_start3A_2543 = arith.constant 0 : i32
        %dma_start3A_2544 = arith.constant 0 : i32
        %dma_start3A_2545 = tpu.memref_slice %arg3[%dma_start3A_2543, %dma_start3A_2544] : memref<100000x128xf32, #tpu.memory_space<hbm>> -> memref<100000x128xf32, #tpu.memory_space<hbm>>
        tpu.enqueue_indirect_dma source(%dma_start3A_2545 : memref<100000x128xf32, #tpu.memory_space<hbm>>) target(%dma_start3A_2540 : memref<64x128xf32, #tpu.memory_space<vmem>>) offsets(%dma_start3A_2542 : memref<64xi32, #tpu.memory_space<vmem>>) semaphore(%arg14 : memref<!tpu.dma_semaphore, #tpu.memory_space<semaphore_mem>>)
      } else {
      }
    }
    %scan3A_102 = arith.constant 8 : i32
    %dma_wait3A = arith.constant 48 : i32
    %dma_wait3A_103 = arith.constant 0 : i32
    %dma_wait3A_104 = arith.constant 0 : i32
    %dma_wait3A_105 = arith.constant 0 : i32
    %dma_wait3A_106 = tpu.memref_slice %arg6[%dma_wait3A_103, %dma_wait3A_104, %dma_wait3A_105] : memref<12x64x128xf32, #tpu.memory_space<vmem>> -> memref<1x64x128xf32, #tpu.memory_space<vmem>>
    %dma_wait3A_107 = tpu.memref_squeeze %dma_wait3A_106 : memref<1x64x128xf32, #tpu.memory_space<vmem>> -> memref<64x128xf32, #tpu.memory_space<vmem>>
    %dma_wait3A_108 = arith.constant 0 : i32
    %dma_wait3A_109 = tpu.memref_slice %arg5[%dma_wait3A, %dma_wait3A_108] : memref<50x128xi32, #tpu.memory_space<vmem>> -> memref<1x64xi32, #tpu.memory_space<vmem>>
    %dma_wait3A_110 = tpu.memref_squeeze %dma_wait3A_109 : memref<1x64xi32, #tpu.memory_space<vmem>> -> memref<64xi32, #tpu.memory_space<vmem>>
    %dma_wait3A_111 = arith.constant 0 : i32
    %dma_wait3A_112 = arith.constant 0 : i32
    %dma_wait3A_113 = tpu.memref_slice %arg3[%dma_wait3A_111, %dma_wait3A_112] : memref<100000x128xf32, #tpu.memory_space<hbm>> -> memref<100000x128xf32, #tpu.memory_space<hbm>>
    tpu.wait_indirect_dma semaphore(%arg7 : memref<!tpu.dma_semaphore, #tpu.memory_space<semaphore_mem>>) src(%dma_wait3A_113 : memref<100000x128xf32, #tpu.memory_space<hbm>>) dst(%dma_wait3A_107 : memref<64x128xf32, #tpu.memory_space<vmem>>)
    %add3A_114 = arith.constant 0 : i32
    %add3A_115 = arith.addi %mul3A_2, %add3A_114 : i32
    %dma_start3A_116 = arith.constant 0 : i32
    %dma_start3A_117 = arith.constant 48 : i32
    %dma_start3A_118 = arith.constant 0 : i32
    %dma_start3A_119 = arith.constant 0 : i32
    %dma_start3A_120 = tpu.memref_slice %arg6[%dma_start3A_116, %dma_start3A_118, %dma_start3A_119] : memref<12x64x128xf32, #tpu.memory_space<vmem>> -> memref<1x64x128xf32, #tpu.memory_space<vmem>>
    %dma_start3A_121 = tpu.memref_squeeze %dma_start3A_120 : memref<1x64x128xf32, #tpu.memory_space<vmem>> -> memref<64x128xf32, #tpu.memory_space<vmem>>
    %dma_start3A_122 = arith.constant 0 : i32
    %dma_start3A_123 = tpu.memref_slice %arg4[%dma_start3A_117, %add3A_115, %dma_start3A_122] : memref<50x4096x128xf32, #tpu.memory_space<hbm>> -> memref<1x64x128xf32, #tpu.memory_space<hbm>>
    %dma_start3A_124 = tpu.memref_squeeze %dma_start3A_123 : memref<1x64x128xf32, #tpu.memory_space<hbm>> -> memref<64x128xf32, #tpu.memory_space<hbm>>
    %dma_start3A_125 = arith.constant 0 : i32
    %dma_start3A_126 = tpu.memref_slice %arg4[%dma_start3A_117, %add3A_115, %dma_start3A_125] : memref<50x4096x128xf32, #tpu.memory_space<hbm>> -> memref<1x64x128xf32, #tpu.memory_space<hbm>>
    %dma_start3A_127 = tpu.memref_squeeze %dma_start3A_126 : memref<1x64x128xf32, #tpu.memory_space<hbm>> -> memref<64x128xf32, #tpu.memory_space<hbm>>
    %dma_start3A_128 = arith.constant 0 : i32
    %dma_start3A_129 = arith.constant 0 : i32
    %dma_start3A_130 = tpu.memref_slice %arg6[%dma_start3A_116, %dma_start3A_128, %dma_start3A_129] : memref<12x64x128xf32, #tpu.memory_space<vmem>> -> memref<1x64x128xf32, #tpu.memory_space<vmem>>
    %dma_start3A_131 = tpu.memref_squeeze %dma_start3A_130 : memref<1x64x128xf32, #tpu.memory_space<vmem>> -> memref<64x128xf32, #tpu.memory_space<vmem>>
    tpu.enqueue_dma source(%dma_start3A_131 : memref<64x128xf32, #tpu.memory_space<vmem>>) target(%dma_start3A_127 : memref<64x128xf32, #tpu.memory_space<hbm>>) target_semaphore(%arg19 : memref<!tpu.dma_semaphore, #tpu.memory_space<semaphore_mem>>)
    %dma_wait3A_132 = arith.constant 48 : i32
    %dma_wait3A_133 = arith.constant 1 : i32
    %dma_wait3A_134 = arith.constant 0 : i32
    %dma_wait3A_135 = arith.constant 0 : i32
    %dma_wait3A_136 = tpu.memref_slice %arg6[%dma_wait3A_133, %dma_wait3A_134, %dma_wait3A_135] : memref<12x64x128xf32, #tpu.memory_space<vmem>> -> memref<1x64x128xf32, #tpu.memory_space<vmem>>
    %dma_wait3A_137 = tpu.memref_squeeze %dma_wait3A_136 : memref<1x64x128xf32, #tpu.memory_space<vmem>> -> memref<64x128xf32, #tpu.memory_space<vmem>>
    %dma_wait3A_138 = arith.constant 64 : i32
    %dma_wait3A_139 = tpu.memref_slice %arg5[%dma_wait3A_132, %dma_wait3A_138] : memref<50x128xi32, #tpu.memory_space<vmem>> -> memref<1x64xi32, #tpu.memory_space<vmem>>
    %dma_wait3A_140 = tpu.memref_squeeze %dma_wait3A_139 : memref<1x64xi32, #tpu.memory_space<vmem>> -> memref<64xi32, #tpu.memory_space<vmem>>
    %dma_wait3A_141 = arith.constant 0 : i32
    %dma_wait3A_142 = arith.constant 0 : i32
    %dma_wait3A_143 = tpu.memref_slice %arg3[%dma_wait3A_141, %dma_wait3A_142] : memref<100000x128xf32, #tpu.memory_space<hbm>> -> memref<100000x128xf32, #tpu.memory_space<hbm>>
    tpu.wait_indirect_dma semaphore(%arg8 : memref<!tpu.dma_semaphore, #tpu.memory_space<semaphore_mem>>) src(%dma_wait3A_143 : memref<100000x128xf32, #tpu.memory_space<hbm>>) dst(%dma_wait3A_137 : memref<64x128xf32, #tpu.memory_space<vmem>>)
    %add3A_144 = arith.constant 64 : i32
    %add3A_145 = arith.addi %mul3A_2, %add3A_144 : i32
    %dma_start3A_146 = arith.constant 1 : i32
    %dma_start3A_147 = arith.constant 48 : i32
    %dma_start3A_148 = arith.constant 0 : i32
    %dma_start3A_149 = arith.constant 0 : i32
    %dma_start3A_150 = tpu.memref_slice %arg6[%dma_start3A_146, %dma_start3A_148, %dma_start3A_149] : memref<12x64x128xf32, #tpu.memory_space<vmem>> -> memref<1x64x128xf32, #tpu.memory_space<vmem>>
    %dma_start3A_151 = tpu.memref_squeeze %dma_start3A_150 : memref<1x64x128xf32, #tpu.memory_space<vmem>> -> memref<64x128xf32, #tpu.memory_space<vmem>>
    %dma_start3A_152 = arith.constant 0 : i32
    %dma_start3A_153 = tpu.memref_slice %arg4[%dma_start3A_147, %add3A_145, %dma_start3A_152] : memref<50x4096x128xf32, #tpu.memory_space<hbm>> -> memref<1x64x128xf32, #tpu.memory_space<hbm>>
    %dma_start3A_154 = tpu.memref_squeeze %dma_start3A_153 : memref<1x64x128xf32, #tpu.memory_space<hbm>> -> memref<64x128xf32, #tpu.memory_space<hbm>>
    %dma_start3A_155 = arith.constant 0 : i32
    %dma_start3A_156 = tpu.memref_slice %arg4[%dma_start3A_147, %add3A_145, %dma_start3A_155] : memref<50x4096x128xf32, #tpu.memory_space<hbm>> -> memref<1x64x128xf32, #tpu.memory_space<hbm>>
    %dma_start3A_157 = tpu.memref_squeeze %dma_start3A_156 : memref<1x64x128xf32, #tpu.memory_space<hbm>> -> memref<64x128xf32, #tpu.memory_space<hbm>>
    %dma_start3A_158 = arith.constant 0 : i32
    %dma_start3A_159 = arith.constant 0 : i32
    %dma_start3A_160 = tpu.memref_slice %arg6[%dma_start3A_146, %dma_start3A_158, %dma_start3A_159] : memref<12x64x128xf32, #tpu.memory_space<vmem>> -> memref<1x64x128xf32, #tpu.memory_space<vmem>>
    %dma_start3A_161 = tpu.memref_squeeze %dma_start3A_160 : memref<1x64x128xf32, #tpu.memory_space<vmem>> -> memref<64x128xf32, #tpu.memory_space<vmem>>
    tpu.enqueue_dma source(%dma_start3A_161 : memref<64x128xf32, #tpu.memory_space<vmem>>) target(%dma_start3A_157 : memref<64x128xf32, #tpu.memory_space<hbm>>) target_semaphore(%arg20 : memref<!tpu.dma_semaphore, #tpu.memory_space<semaphore_mem>>)
    %dma_wait3A_162 = arith.constant 49 : i32
    %dma_wait3A_163 = arith.constant 2 : i32
    %dma_wait3A_164 = arith.constant 0 : i32
    %dma_wait3A_165 = arith.constant 0 : i32
    %dma_wait3A_166 = tpu.memref_slice %arg6[%dma_wait3A_163, %dma_wait3A_164, %dma_wait3A_165] : memref<12x64x128xf32, #tpu.memory_space<vmem>> -> memref<1x64x128xf32, #tpu.memory_space<vmem>>
    %dma_wait3A_167 = tpu.memref_squeeze %dma_wait3A_166 : memref<1x64x128xf32, #tpu.memory_space<vmem>> -> memref<64x128xf32, #tpu.memory_space<vmem>>
    %dma_wait3A_168 = arith.constant 0 : i32
    %dma_wait3A_169 = tpu.memref_slice %arg5[%dma_wait3A_162, %dma_wait3A_168] : memref<50x128xi32, #tpu.memory_space<vmem>> -> memref<1x64xi32, #tpu.memory_space<vmem>>
    %dma_wait3A_170 = tpu.memref_squeeze %dma_wait3A_169 : memref<1x64xi32, #tpu.memory_space<vmem>> -> memref<64xi32, #tpu.memory_space<vmem>>
    %dma_wait3A_171 = arith.constant 0 : i32
    %dma_wait3A_172 = arith.constant 0 : i32
    %dma_wait3A_173 = tpu.memref_slice %arg3[%dma_wait3A_171, %dma_wait3A_172] : memref<100000x128xf32, #tpu.memory_space<hbm>> -> memref<100000x128xf32, #tpu.memory_space<hbm>>
    tpu.wait_indirect_dma semaphore(%arg9 : memref<!tpu.dma_semaphore, #tpu.memory_space<semaphore_mem>>) src(%dma_wait3A_173 : memref<100000x128xf32, #tpu.memory_space<hbm>>) dst(%dma_wait3A_167 : memref<64x128xf32, #tpu.memory_space<vmem>>)
    %add3A_174 = arith.constant 0 : i32
    %add3A_175 = arith.addi %mul3A_2, %add3A_174 : i32
    %dma_start3A_176 = arith.constant 2 : i32
    %dma_start3A_177 = arith.constant 49 : i32
    %dma_start3A_178 = arith.constant 0 : i32
    %dma_start3A_179 = arith.constant 0 : i32
    %dma_start3A_180 = tpu.memref_slice %arg6[%dma_start3A_176, %dma_start3A_178, %dma_start3A_179] : memref<12x64x128xf32, #tpu.memory_space<vmem>> -> memref<1x64x128xf32, #tpu.memory_space<vmem>>
    %dma_start3A_181 = tpu.memref_squeeze %dma_start3A_180 : memref<1x64x128xf32, #tpu.memory_space<vmem>> -> memref<64x128xf32, #tpu.memory_space<vmem>>
    %dma_start3A_182 = arith.constant 0 : i32
    %dma_start3A_183 = tpu.memref_slice %arg4[%dma_start3A_177, %add3A_175, %dma_start3A_182] : memref<50x4096x128xf32, #tpu.memory_space<hbm>> -> memref<1x64x128xf32, #tpu.memory_space<hbm>>
    %dma_start3A_184 = tpu.memref_squeeze %dma_start3A_183 : memref<1x64x128xf32, #tpu.memory_space<hbm>> -> memref<64x128xf32, #tpu.memory_space<hbm>>
    %dma_start3A_185 = arith.constant 0 : i32
    %dma_start3A_186 = tpu.memref_slice %arg4[%dma_start3A_177, %add3A_175, %dma_start3A_185] : memref<50x4096x128xf32, #tpu.memory_space<hbm>> -> memref<1x64x128xf32, #tpu.memory_space<hbm>>
    %dma_start3A_187 = tpu.memref_squeeze %dma_start3A_186 : memref<1x64x128xf32, #tpu.memory_space<hbm>> -> memref<64x128xf32, #tpu.memory_space<hbm>>
    %dma_start3A_188 = arith.constant 0 : i32
    %dma_start3A_189 = arith.constant 0 : i32
    %dma_start3A_190 = tpu.memref_slice %arg6[%dma_start3A_176, %dma_start3A_188, %dma_start3A_189] : memref<12x64x128xf32, #tpu.memory_space<vmem>> -> memref<1x64x128xf32, #tpu.memory_space<vmem>>
    %dma_start3A_191 = tpu.memref_squeeze %dma_start3A_190 : memref<1x64x128xf32, #tpu.memory_space<vmem>> -> memref<64x128xf32, #tpu.memory_space<vmem>>
    tpu.enqueue_dma source(%dma_start3A_191 : memref<64x128xf32, #tpu.memory_space<vmem>>) target(%dma_start3A_187 : memref<64x128xf32, #tpu.memory_space<hbm>>) target_semaphore(%arg21 : memref<!tpu.dma_semaphore, #tpu.memory_space<semaphore_mem>>)
    %dma_wait3A_192 = arith.constant 49 : i32
    %dma_wait3A_193 = arith.constant 3 : i32
    %dma_wait3A_194 = arith.constant 0 : i32
    %dma_wait3A_195 = arith.constant 0 : i32
    %dma_wait3A_196 = tpu.memref_slice %arg6[%dma_wait3A_193, %dma_wait3A_194, %dma_wait3A_195] : memref<12x64x128xf32, #tpu.memory_space<vmem>> -> memref<1x64x128xf32, #tpu.memory_space<vmem>>
    %dma_wait3A_197 = tpu.memref_squeeze %dma_wait3A_196 : memref<1x64x128xf32, #tpu.memory_space<vmem>> -> memref<64x128xf32, #tpu.memory_space<vmem>>
    %dma_wait3A_198 = arith.constant 64 : i32
    %dma_wait3A_199 = tpu.memref_slice %arg5[%dma_wait3A_192, %dma_wait3A_198] : memref<50x128xi32, #tpu.memory_space<vmem>> -> memref<1x64xi32, #tpu.memory_space<vmem>>
    %dma_wait3A_200 = tpu.memref_squeeze %dma_wait3A_199 : memref<1x64xi32, #tpu.memory_space<vmem>> -> memref<64xi32, #tpu.memory_space<vmem>>
    %dma_wait3A_201 = arith.constant 0 : i32
    %dma_wait3A_202 = arith.constant 0 : i32
    %dma_wait3A_203 = tpu.memref_slice %arg3[%dma_wait3A_201, %dma_wait3A_202] : memref<100000x128xf32, #tpu.memory_space<hbm>> -> memref<100000x128xf32, #tpu.memory_space<hbm>>
    tpu.wait_indirect_dma semaphore(%arg10 : memref<!tpu.dma_semaphore, #tpu.memory_space<semaphore_mem>>) src(%dma_wait3A_203 : memref<100000x128xf32, #tpu.memory_space<hbm>>) dst(%dma_wait3A_197 : memref<64x128xf32, #tpu.memory_space<vmem>>)
    %add3A_204 = arith.constant 64 : i32
    %add3A_205 = arith.addi %mul3A_2, %add3A_204 : i32
    %dma_start3A_206 = arith.constant 3 : i32
    %dma_start3A_207 = arith.constant 49 : i32
    %dma_start3A_208 = arith.constant 0 : i32
    %dma_start3A_209 = arith.constant 0 : i32
    %dma_start3A_210 = tpu.memref_slice %arg6[%dma_start3A_206, %dma_start3A_208, %dma_start3A_209] : memref<12x64x128xf32, #tpu.memory_space<vmem>> -> memref<1x64x128xf32, #tpu.memory_space<vmem>>
    %dma_start3A_211 = tpu.memref_squeeze %dma_start3A_210 : memref<1x64x128xf32, #tpu.memory_space<vmem>> -> memref<64x128xf32, #tpu.memory_space<vmem>>
    %dma_start3A_212 = arith.constant 0 : i32
    %dma_start3A_213 = tpu.memref_slice %arg4[%dma_start3A_207, %add3A_205, %dma_start3A_212] : memref<50x4096x128xf32, #tpu.memory_space<hbm>> -> memref<1x64x128xf32, #tpu.memory_space<hbm>>
    %dma_start3A_214 = tpu.memref_squeeze %dma_start3A_213 : memref<1x64x128xf32, #tpu.memory_space<hbm>> -> memref<64x128xf32, #tpu.memory_space<hbm>>
    %dma_start3A_215 = arith.constant 0 : i32
    %dma_start3A_216 = tpu.memref_slice %arg4[%dma_start3A_207, %add3A_205, %dma_start3A_215] : memref<50x4096x128xf32, #tpu.memory_space<hbm>> -> memref<1x64x128xf32, #tpu.memory_space<hbm>>
    %dma_start3A_217 = tpu.memref_squeeze %dma_start3A_216 : memref<1x64x128xf32, #tpu.memory_space<hbm>> -> memref<64x128xf32, #tpu.memory_space<hbm>>
    %dma_start3A_218 = arith.constant 0 : i32
    %dma_start3A_219 = arith.constant 0 : i32
    %dma_start3A_220 = tpu.memref_slice %arg6[%dma_start3A_206, %dma_start3A_218, %dma_start3A_219] : memref<12x64x128xf32, #tpu.memory_space<vmem>> -> memref<1x64x128xf32, #tpu.memory_space<vmem>>
    %dma_start3A_221 = tpu.memref_squeeze %dma_start3A_220 : memref<1x64x128xf32, #tpu.memory_space<vmem>> -> memref<64x128xf32, #tpu.memory_space<vmem>>
    tpu.enqueue_dma source(%dma_start3A_221 : memref<64x128xf32, #tpu.memory_space<vmem>>) target(%dma_start3A_217 : memref<64x128xf32, #tpu.memory_space<hbm>>) target_semaphore(%arg22 : memref<!tpu.dma_semaphore, #tpu.memory_space<semaphore_mem>>)
    %add3A_222 = arith.constant 0 : i32
    %add3A_223 = arith.addi %mul3A_2, %add3A_222 : i32
    %dma_wait3A_224 = arith.constant 8 : i32
    %dma_wait3A_225 = arith.constant 46 : i32
    %dma_wait3A_226 = arith.constant 0 : i32
    %dma_wait3A_227 = arith.constant 0 : i32
    %dma_wait3A_228 = tpu.memref_slice %arg6[%dma_wait3A_224, %dma_wait3A_226, %dma_wait3A_227] : memref<12x64x128xf32, #tpu.memory_space<vmem>> -> memref<1x64x128xf32, #tpu.memory_space<vmem>>
    %dma_wait3A_229 = tpu.memref_squeeze %dma_wait3A_228 : memref<1x64x128xf32, #tpu.memory_space<vmem>> -> memref<64x128xf32, #tpu.memory_space<vmem>>
    %dma_wait3A_230 = arith.constant 0 : i32
    %dma_wait3A_231 = tpu.memref_slice %arg4[%dma_wait3A_225, %add3A_223, %dma_wait3A_230] : memref<50x4096x128xf32, #tpu.memory_space<hbm>> -> memref<1x64x128xf32, #tpu.memory_space<hbm>>
    %dma_wait3A_232 = tpu.memref_squeeze %dma_wait3A_231 : memref<1x64x128xf32, #tpu.memory_space<hbm>> -> memref<64x128xf32, #tpu.memory_space<hbm>>
    %dma_wait3A_233 = arith.constant 0 : i32
    %dma_wait3A_234 = tpu.memref_slice %arg4[%dma_wait3A_225, %add3A_223, %dma_wait3A_233] : memref<50x4096x128xf32, #tpu.memory_space<hbm>> -> memref<1x64x128xf32, #tpu.memory_space<hbm>>
    %dma_wait3A_235 = tpu.memref_squeeze %dma_wait3A_234 : memref<1x64x128xf32, #tpu.memory_space<hbm>> -> memref<64x128xf32, #tpu.memory_space<hbm>>
    %dma_wait3A_236 = arith.constant 0 : i32
    %dma_wait3A_237 = arith.constant 0 : i32
    %dma_wait3A_238 = tpu.memref_slice %arg6[%dma_wait3A_224, %dma_wait3A_236, %dma_wait3A_237] : memref<12x64x128xf32, #tpu.memory_space<vmem>> -> memref<1x64x128xf32, #tpu.memory_space<vmem>>
    %dma_wait3A_239 = tpu.memref_squeeze %dma_wait3A_238 : memref<1x64x128xf32, #tpu.memory_space<vmem>> -> memref<64x128xf32, #tpu.memory_space<vmem>>
    tpu.wait_dma2 semaphore(%arg27 : memref<!tpu.dma_semaphore, #tpu.memory_space<semaphore_mem>>) src(%dma_wait3A_239 : memref<64x128xf32, #tpu.memory_space<vmem>>) dst(%dma_wait3A_235 : memref<64x128xf32, #tpu.memory_space<hbm>>)
    %add3A_240 = arith.constant 64 : i32
    %add3A_241 = arith.addi %mul3A_2, %add3A_240 : i32
    %dma_wait3A_242 = arith.constant 9 : i32
    %dma_wait3A_243 = arith.constant 46 : i32
    %dma_wait3A_244 = arith.constant 0 : i32
    %dma_wait3A_245 = arith.constant 0 : i32
    %dma_wait3A_246 = tpu.memref_slice %arg6[%dma_wait3A_242, %dma_wait3A_244, %dma_wait3A_245] : memref<12x64x128xf32, #tpu.memory_space<vmem>> -> memref<1x64x128xf32, #tpu.memory_space<vmem>>
    %dma_wait3A_247 = tpu.memref_squeeze %dma_wait3A_246 : memref<1x64x128xf32, #tpu.memory_space<vmem>> -> memref<64x128xf32, #tpu.memory_space<vmem>>
    %dma_wait3A_248 = arith.constant 0 : i32
    %dma_wait3A_249 = tpu.memref_slice %arg4[%dma_wait3A_243, %add3A_241, %dma_wait3A_248] : memref<50x4096x128xf32, #tpu.memory_space<hbm>> -> memref<1x64x128xf32, #tpu.memory_space<hbm>>
    %dma_wait3A_250 = tpu.memref_squeeze %dma_wait3A_249 : memref<1x64x128xf32, #tpu.memory_space<hbm>> -> memref<64x128xf32, #tpu.memory_space<hbm>>
    %dma_wait3A_251 = arith.constant 0 : i32
    %dma_wait3A_252 = tpu.memref_slice %arg4[%dma_wait3A_243, %add3A_241, %dma_wait3A_251] : memref<50x4096x128xf32, #tpu.memory_space<hbm>> -> memref<1x64x128xf32, #tpu.memory_space<hbm>>
    %dma_wait3A_253 = tpu.memref_squeeze %dma_wait3A_252 : memref<1x64x128xf32, #tpu.memory_space<hbm>> -> memref<64x128xf32, #tpu.memory_space<hbm>>
    %dma_wait3A_254 = arith.constant 0 : i32
    %dma_wait3A_255 = arith.constant 0 : i32
    %dma_wait3A_256 = tpu.memref_slice %arg6[%dma_wait3A_242, %dma_wait3A_254, %dma_wait3A_255] : memref<12x64x128xf32, #tpu.memory_space<vmem>> -> memref<1x64x128xf32, #tpu.memory_space<vmem>>
    %dma_wait3A_257 = tpu.memref_squeeze %dma_wait3A_256 : memref<1x64x128xf32, #tpu.memory_space<vmem>> -> memref<64x128xf32, #tpu.memory_space<vmem>>
    tpu.wait_dma2 semaphore(%arg28 : memref<!tpu.dma_semaphore, #tpu.memory_space<semaphore_mem>>) src(%dma_wait3A_257 : memref<64x128xf32, #tpu.memory_space<vmem>>) dst(%dma_wait3A_253 : memref<64x128xf32, #tpu.memory_space<hbm>>)
    %add3A_258 = arith.constant 0 : i32
    %add3A_259 = arith.addi %mul3A_2, %add3A_258 : i32
    %dma_wait3A_260 = arith.constant 10 : i32
    %dma_wait3A_261 = arith.constant 47 : i32
    %dma_wait3A_262 = arith.constant 0 : i32
    %dma_wait3A_263 = arith.constant 0 : i32
    %dma_wait3A_264 = tpu.memref_slice %arg6[%dma_wait3A_260, %dma_wait3A_262, %dma_wait3A_263] : memref<12x64x128xf32, #tpu.memory_space<vmem>> -> memref<1x64x128xf32, #tpu.memory_space<vmem>>
    %dma_wait3A_265 = tpu.memref_squeeze %dma_wait3A_264 : memref<1x64x128xf32, #tpu.memory_space<vmem>> -> memref<64x128xf32, #tpu.memory_space<vmem>>
    %dma_wait3A_266 = arith.constant 0 : i32
    %dma_wait3A_267 = tpu.memref_slice %arg4[%dma_wait3A_261, %add3A_259, %dma_wait3A_266] : memref<50x4096x128xf32, #tpu.memory_space<hbm>> -> memref<1x64x128xf32, #tpu.memory_space<hbm>>
    %dma_wait3A_268 = tpu.memref_squeeze %dma_wait3A_267 : memref<1x64x128xf32, #tpu.memory_space<hbm>> -> memref<64x128xf32, #tpu.memory_space<hbm>>
    %dma_wait3A_269 = arith.constant 0 : i32
    %dma_wait3A_270 = tpu.memref_slice %arg4[%dma_wait3A_261, %add3A_259, %dma_wait3A_269] : memref<50x4096x128xf32, #tpu.memory_space<hbm>> -> memref<1x64x128xf32, #tpu.memory_space<hbm>>
    %dma_wait3A_271 = tpu.memref_squeeze %dma_wait3A_270 : memref<1x64x128xf32, #tpu.memory_space<hbm>> -> memref<64x128xf32, #tpu.memory_space<hbm>>
    %dma_wait3A_272 = arith.constant 0 : i32
    %dma_wait3A_273 = arith.constant 0 : i32
    %dma_wait3A_274 = tpu.memref_slice %arg6[%dma_wait3A_260, %dma_wait3A_272, %dma_wait3A_273] : memref<12x64x128xf32, #tpu.memory_space<vmem>> -> memref<1x64x128xf32, #tpu.memory_space<vmem>>
    %dma_wait3A_275 = tpu.memref_squeeze %dma_wait3A_274 : memref<1x64x128xf32, #tpu.memory_space<vmem>> -> memref<64x128xf32, #tpu.memory_space<vmem>>
    tpu.wait_dma2 semaphore(%arg29 : memref<!tpu.dma_semaphore, #tpu.memory_space<semaphore_mem>>) src(%dma_wait3A_275 : memref<64x128xf32, #tpu.memory_space<vmem>>) dst(%dma_wait3A_271 : memref<64x128xf32, #tpu.memory_space<hbm>>)
    %add3A_276 = arith.constant 64 : i32
    %add3A_277 = arith.addi %mul3A_2, %add3A_276 : i32
    %dma_wait3A_278 = arith.constant 11 : i32
    %dma_wait3A_279 = arith.constant 47 : i32
    %dma_wait3A_280 = arith.constant 0 : i32
    %dma_wait3A_281 = arith.constant 0 : i32
    %dma_wait3A_282 = tpu.memref_slice %arg6[%dma_wait3A_278, %dma_wait3A_280, %dma_wait3A_281] : memref<12x64x128xf32, #tpu.memory_space<vmem>> -> memref<1x64x128xf32, #tpu.memory_space<vmem>>
    %dma_wait3A_283 = tpu.memref_squeeze %dma_wait3A_282 : memref<1x64x128xf32, #tpu.memory_space<vmem>> -> memref<64x128xf32, #tpu.memory_space<vmem>>
    %dma_wait3A_284 = arith.constant 0 : i32
    %dma_wait3A_285 = tpu.memref_slice %arg4[%dma_wait3A_279, %add3A_277, %dma_wait3A_284] : memref<50x4096x128xf32, #tpu.memory_space<hbm>> -> memref<1x64x128xf32, #tpu.memory_space<hbm>>
    %dma_wait3A_286 = tpu.memref_squeeze %dma_wait3A_285 : memref<1x64x128xf32, #tpu.memory_space<hbm>> -> memref<64x128xf32, #tpu.memory_space<hbm>>
    %dma_wait3A_287 = arith.constant 0 : i32
    %dma_wait3A_288 = tpu.memref_slice %arg4[%dma_wait3A_279, %add3A_277, %dma_wait3A_287] : memref<50x4096x128xf32, #tpu.memory_space<hbm>> -> memref<1x64x128xf32, #tpu.memory_space<hbm>>
    %dma_wait3A_289 = tpu.memref_squeeze %dma_wait3A_288 : memref<1x64x128xf32, #tpu.memory_space<hbm>> -> memref<64x128xf32, #tpu.memory_space<hbm>>
    %dma_wait3A_290 = arith.constant 0 : i32
    %dma_wait3A_291 = arith.constant 0 : i32
    %dma_wait3A_292 = tpu.memref_slice %arg6[%dma_wait3A_278, %dma_wait3A_290, %dma_wait3A_291] : memref<12x64x128xf32, #tpu.memory_space<vmem>> -> memref<1x64x128xf32, #tpu.memory_space<vmem>>
    %dma_wait3A_293 = tpu.memref_squeeze %dma_wait3A_292 : memref<1x64x128xf32, #tpu.memory_space<vmem>> -> memref<64x128xf32, #tpu.memory_space<vmem>>
    tpu.wait_dma2 semaphore(%arg30 : memref<!tpu.dma_semaphore, #tpu.memory_space<semaphore_mem>>) src(%dma_wait3A_293 : memref<64x128xf32, #tpu.memory_space<vmem>>) dst(%dma_wait3A_289 : memref<64x128xf32, #tpu.memory_space<hbm>>)
    %add3A_294 = arith.constant 0 : i32
    %add3A_295 = arith.addi %mul3A_2, %add3A_294 : i32
    %dma_wait3A_296 = arith.constant 0 : i32
    %dma_wait3A_297 = arith.constant 48 : i32
    %dma_wait3A_298 = arith.constant 0 : i32
    %dma_wait3A_299 = arith.constant 0 : i32
    %dma_wait3A_300 = tpu.memref_slice %arg6[%dma_wait3A_296, %dma_wait3A_298, %dma_wait3A_299] : memref<12x64x128xf32, #tpu.memory_space<vmem>> -> memref<1x64x128xf32, #tpu.memory_space<vmem>>
    %dma_wait3A_301 = tpu.memref_squeeze %dma_wait3A_300 : memref<1x64x128xf32, #tpu.memory_space<vmem>> -> memref<64x128xf32, #tpu.memory_space<vmem>>
    %dma_wait3A_302 = arith.constant 0 : i32
    %dma_wait3A_303 = tpu.memref_slice %arg4[%dma_wait3A_297, %add3A_295, %dma_wait3A_302] : memref<50x4096x128xf32, #tpu.memory_space<hbm>> -> memref<1x64x128xf32, #tpu.memory_space<hbm>>
    %dma_wait3A_304 = tpu.memref_squeeze %dma_wait3A_303 : memref<1x64x128xf32, #tpu.memory_space<hbm>> -> memref<64x128xf32, #tpu.memory_space<hbm>>
    %dma_wait3A_305 = arith.constant 0 : i32
    %dma_wait3A_306 = tpu.memref_slice %arg4[%dma_wait3A_297, %add3A_295, %dma_wait3A_305] : memref<50x4096x128xf32, #tpu.memory_space<hbm>> -> memref<1x64x128xf32, #tpu.memory_space<hbm>>
    %dma_wait3A_307 = tpu.memref_squeeze %dma_wait3A_306 : memref<1x64x128xf32, #tpu.memory_space<hbm>> -> memref<64x128xf32, #tpu.memory_space<hbm>>
    %dma_wait3A_308 = arith.constant 0 : i32
    %dma_wait3A_309 = arith.constant 0 : i32
    %dma_wait3A_310 = tpu.memref_slice %arg6[%dma_wait3A_296, %dma_wait3A_308, %dma_wait3A_309] : memref<12x64x128xf32, #tpu.memory_space<vmem>> -> memref<1x64x128xf32, #tpu.memory_space<vmem>>
    %dma_wait3A_311 = tpu.memref_squeeze %dma_wait3A_310 : memref<1x64x128xf32, #tpu.memory_space<vmem>> -> memref<64x128xf32, #tpu.memory_space<vmem>>
    tpu.wait_dma2 semaphore(%arg19 : memref<!tpu.dma_semaphore, #tpu.memory_space<semaphore_mem>>) src(%dma_wait3A_311 : memref<64x128xf32, #tpu.memory_space<vmem>>) dst(%dma_wait3A_307 : memref<64x128xf32, #tpu.memory_space<hbm>>)
    %add3A_312 = arith.constant 64 : i32
    %add3A_313 = arith.addi %mul3A_2, %add3A_312 : i32
    %dma_wait3A_314 = arith.constant 1 : i32
    %dma_wait3A_315 = arith.constant 48 : i32
    %dma_wait3A_316 = arith.constant 0 : i32
    %dma_wait3A_317 = arith.constant 0 : i32
    %dma_wait3A_318 = tpu.memref_slice %arg6[%dma_wait3A_314, %dma_wait3A_316, %dma_wait3A_317] : memref<12x64x128xf32, #tpu.memory_space<vmem>> -> memref<1x64x128xf32, #tpu.memory_space<vmem>>
    %dma_wait3A_319 = tpu.memref_squeeze %dma_wait3A_318 : memref<1x64x128xf32, #tpu.memory_space<vmem>> -> memref<64x128xf32, #tpu.memory_space<vmem>>
    %dma_wait3A_320 = arith.constant 0 : i32
    %dma_wait3A_321 = tpu.memref_slice %arg4[%dma_wait3A_315, %add3A_313, %dma_wait3A_320] : memref<50x4096x128xf32, #tpu.memory_space<hbm>> -> memref<1x64x128xf32, #tpu.memory_space<hbm>>
    %dma_wait3A_322 = tpu.memref_squeeze %dma_wait3A_321 : memref<1x64x128xf32, #tpu.memory_space<hbm>> -> memref<64x128xf32, #tpu.memory_space<hbm>>
    %dma_wait3A_323 = arith.constant 0 : i32
    %dma_wait3A_324 = tpu.memref_slice %arg4[%dma_wait3A_315, %add3A_313, %dma_wait3A_323] : memref<50x4096x128xf32, #tpu.memory_space<hbm>> -> memref<1x64x128xf32, #tpu.memory_space<hbm>>
    %dma_wait3A_325 = tpu.memref_squeeze %dma_wait3A_324 : memref<1x64x128xf32, #tpu.memory_space<hbm>> -> memref<64x128xf32, #tpu.memory_space<hbm>>
    %dma_wait3A_326 = arith.constant 0 : i32
    %dma_wait3A_327 = arith.constant 0 : i32
    %dma_wait3A_328 = tpu.memref_slice %arg6[%dma_wait3A_314, %dma_wait3A_326, %dma_wait3A_327] : memref<12x64x128xf32, #tpu.memory_space<vmem>> -> memref<1x64x128xf32, #tpu.memory_space<vmem>>
    %dma_wait3A_329 = tpu.memref_squeeze %dma_wait3A_328 : memref<1x64x128xf32, #tpu.memory_space<vmem>> -> memref<64x128xf32, #tpu.memory_space<vmem>>
    tpu.wait_dma2 semaphore(%arg20 : memref<!tpu.dma_semaphore, #tpu.memory_space<semaphore_mem>>) src(%dma_wait3A_329 : memref<64x128xf32, #tpu.memory_space<vmem>>) dst(%dma_wait3A_325 : memref<64x128xf32, #tpu.memory_space<hbm>>)
    %add3A_330 = arith.constant 0 : i32
    %add3A_331 = arith.addi %mul3A_2, %add3A_330 : i32
    %dma_wait3A_332 = arith.constant 2 : i32
    %dma_wait3A_333 = arith.constant 49 : i32
    %dma_wait3A_334 = arith.constant 0 : i32
    %dma_wait3A_335 = arith.constant 0 : i32
    %dma_wait3A_336 = tpu.memref_slice %arg6[%dma_wait3A_332, %dma_wait3A_334, %dma_wait3A_335] : memref<12x64x128xf32, #tpu.memory_space<vmem>> -> memref<1x64x128xf32, #tpu.memory_space<vmem>>
    %dma_wait3A_337 = tpu.memref_squeeze %dma_wait3A_336 : memref<1x64x128xf32, #tpu.memory_space<vmem>> -> memref<64x128xf32, #tpu.memory_space<vmem>>
    %dma_wait3A_338 = arith.constant 0 : i32
    %dma_wait3A_339 = tpu.memref_slice %arg4[%dma_wait3A_333, %add3A_331, %dma_wait3A_338] : memref<50x4096x128xf32, #tpu.memory_space<hbm>> -> memref<1x64x128xf32, #tpu.memory_space<hbm>>
    %dma_wait3A_340 = tpu.memref_squeeze %dma_wait3A_339 : memref<1x64x128xf32, #tpu.memory_space<hbm>> -> memref<64x128xf32, #tpu.memory_space<hbm>>
    %dma_wait3A_341 = arith.constant 0 : i32
    %dma_wait3A_342 = tpu.memref_slice %arg4[%dma_wait3A_333, %add3A_331, %dma_wait3A_341] : memref<50x4096x128xf32, #tpu.memory_space<hbm>> -> memref<1x64x128xf32, #tpu.memory_space<hbm>>
    %dma_wait3A_343 = tpu.memref_squeeze %dma_wait3A_342 : memref<1x64x128xf32, #tpu.memory_space<hbm>> -> memref<64x128xf32, #tpu.memory_space<hbm>>
    %dma_wait3A_344 = arith.constant 0 : i32
    %dma_wait3A_345 = arith.constant 0 : i32
    %dma_wait3A_346 = tpu.memref_slice %arg6[%dma_wait3A_332, %dma_wait3A_344, %dma_wait3A_345] : memref<12x64x128xf32, #tpu.memory_space<vmem>> -> memref<1x64x128xf32, #tpu.memory_space<vmem>>
    %dma_wait3A_347 = tpu.memref_squeeze %dma_wait3A_346 : memref<1x64x128xf32, #tpu.memory_space<vmem>> -> memref<64x128xf32, #tpu.memory_space<vmem>>
    tpu.wait_dma2 semaphore(%arg21 : memref<!tpu.dma_semaphore, #tpu.memory_space<semaphore_mem>>) src(%dma_wait3A_347 : memref<64x128xf32, #tpu.memory_space<vmem>>) dst(%dma_wait3A_343 : memref<64x128xf32, #tpu.memory_space<hbm>>)
    %add3A_348 = arith.constant 64 : i32
    %add3A_349 = arith.addi %mul3A_2, %add3A_348 : i32
    %dma_wait3A_350 = arith.constant 3 : i32
    %dma_wait3A_351 = arith.constant 49 : i32
    %dma_wait3A_352 = arith.constant 0 : i32
    %dma_wait3A_353 = arith.constant 0 : i32
    %dma_wait3A_354 = tpu.memref_slice %arg6[%dma_wait3A_350, %dma_wait3A_352, %dma_wait3A_353] : memref<12x64x128xf32, #tpu.memory_space<vmem>> -> memref<1x64x128xf32, #tpu.memory_space<vmem>>
    %dma_wait3A_355 = tpu.memref_squeeze %dma_wait3A_354 : memref<1x64x128xf32, #tpu.memory_space<vmem>> -> memref<64x128xf32, #tpu.memory_space<vmem>>
    %dma_wait3A_356 = arith.constant 0 : i32
    %dma_wait3A_357 = tpu.memref_slice %arg4[%dma_wait3A_351, %add3A_349, %dma_wait3A_356] : memref<50x4096x128xf32, #tpu.memory_space<hbm>> -> memref<1x64x128xf32, #tpu.memory_space<hbm>>
    %dma_wait3A_358 = tpu.memref_squeeze %dma_wait3A_357 : memref<1x64x128xf32, #tpu.memory_space<hbm>> -> memref<64x128xf32, #tpu.memory_space<hbm>>
    %dma_wait3A_359 = arith.constant 0 : i32
    %dma_wait3A_360 = tpu.memref_slice %arg4[%dma_wait3A_351, %add3A_349, %dma_wait3A_359] : memref<50x4096x128xf32, #tpu.memory_space<hbm>> -> memref<1x64x128xf32, #tpu.memory_space<hbm>>
    %dma_wait3A_361 = tpu.memref_squeeze %dma_wait3A_360 : memref<1x64x128xf32, #tpu.memory_space<hbm>> -> memref<64x128xf32, #tpu.memory_space<hbm>>
    %dma_wait3A_362 = arith.constant 0 : i32
    %dma_wait3A_363 = arith.constant 0 : i32
    %dma_wait3A_364 = tpu.memref_slice %arg6[%dma_wait3A_350, %dma_wait3A_362, %dma_wait3A_363] : memref<12x64x128xf32, #tpu.memory_space<vmem>> -> memref<1x64x128xf32, #tpu.memory_space<vmem>>
    %dma_wait3A_365 = tpu.memref_squeeze %dma_wait3A_364 : memref<1x64x128xf32, #tpu.memory_space<vmem>> -> memref<64x128xf32, #tpu.memory_space<vmem>>
    tpu.wait_dma2 semaphore(%arg22 : memref<!tpu.dma_semaphore, #tpu.memory_space<semaphore_mem>>) src(%dma_wait3A_365 : memref<64x128xf32, #tpu.memory_space<vmem>>) dst(%dma_wait3A_361 : memref<64x128xf32, #tpu.memory_space<hbm>>)
    return
  }
}

</mosaic_0001>

<sc_bundles>
// kernel: kernel.3.cloned.1.call-start
scs
__scs_entry_jumppad:
0x0: {  	(pc) =	sbr.rel $0x88, $3  }
0x1: {  	(tag) =	ssettag $0x0;
	lr =	simm.s32 $0x1  }
0x2: {  	[smem:$0x3F9F] =	sst lr;
	_ =	strace $0xD0000000  }
0x3: {  	_ = 	snop  }
0x4: {  	_ = 	snop  }
0x5: {  	_ = 	snop  }
0x6: {  	_ = 	snop  }
0x7: {  	_ = 	snop  }
__scs_overlays_trampoline_lowered:
0x8: {  	[smem:$0x3FAE] =	sst s0  }
0x9: {  	[smem:$0x3FAF] =	sst s1  }
0xa: {  	[smem:$0x3FB0] =	sst s2  }
0xb: {  	[smem:$0x3FB1] =	sst s3  }
0xc: {  	[smem:$0x3FB2] =	sst s4  }
0xd: {  	[smem:$0x3FB3] =	sst s5  }
0xe: {  	[smem:$0x3FB4] =	sst s6  }
0xf: {  	[smem:$0x3FB5] =	sst s7  }
0x10: {  	[smem:$0x3FB6] =	sst s8  }
0x11: {  	[smem:$0x3FB7] =	sst s9;
	s0 =	simm.s32 @!p0 $0x0  }
0x12: {  	s1 =	sld [smem:$0x3F9D];
	s0 =	simm.s32 @p0 $0x1  }
0x13: {  	[smem:$0x3FB8] =	sst s0;
	s0 =	simm.s32 @!p1 $0x0  }
0x14: {  	s2 =	sld [smem:$0x3F9C];
	s0 =	simm.s32 @p1 $0x1  }
0x15: {  	[smem:$0x3FB9] =	sst s0;
	s0 =	simm.s32 @!p2 $0x0  }
0x16: {  	s3 =	sld [smem:$0x3FDB];
	s0 =	simm.s32 @p2 $0x1  }
0x17: {  	s4 =	simm.s32 $0x1BF5;
	[smem:$0x3FBB] =	sst s0  }
0x18: {  	s0 =	sld [smem:$0x3F9E];
	_ =	swait.ge [sflag:s4], $0x0  }
0x19: {  	s7 =	sld [smem:$0x3F9F]  }
0x1a: {  	s8 =	sadd.s32 $0xFFFFE003, lr  }
0x1b: {  	s9 =	sadd.s32 $0xFFFFFEF7, lr;
	s5 =	simm.s32 $0xFFFFFFFF;
	p2 =	slt.u32 s8, $0xFFFFF086  }
0x1c: {  	p1 =	slt.u32 s9, $0xF7A;
	s5 =	simm.s32 @!p2 $0x0  }
0x1d: {  	s5 =	simm.s32 @p1 $0x1;
	p0 =	seq.s32 s7, s2  }
0x1e: {  	s7 =	smul.u32 @!p0 $0xF7A, s2;
	p2 =	seq.s32 @!p0 s5, $0x0  }
0x1f: {  	s9 =	smul.u32 $0xF7A, s1;
	s8 =	simm.s32 @!p0 $0x1BF5;
	p2 =	por !p2, p0  }
0x20: {  	[sflag:s8] =	ssyncset.s32 @!p0 $0xFFFFF086;
	s6 =	sadd.s32 @!p0 s3, s7;
	s7 =	simm.s32 @!p0 $0x108  }
0x21: {  	s3 =	sadd.s32 s3, s9;
	s6 =	sadd.s32 @!p0 $0x88, s6;
	s7 =	simm.s32 @p2 $0x1082  }
0x22: {  	[simem:s7], [sflag:s8] =	dma.local @!p0 [hbm:s6], $0xF7A  }
0x23: {  	s9 =	sor.u32 $0xD0000000, s2;
	s6 =	simm.s32 $0x108;
	_ =	swait.ge @!p0 [sflag:s8], $0x0  }
0x24: {  	s3 =	sadd.s32 $0x88, s3;
	s6 =	simm.s32 @!p1 $0x1082;
	[sflag:s4] =	ssyncset.s32 $0xFFFFF086  }
0x25: {  	[simem:s6], [sflag:s4] =	dma.local [hbm:s3], $0xF7A  }
0x26: {  	[smem:$0x3F9F] =	sst s1;
	(tag) =	ssettag s2;
	_ =	strace s9  }
0x27: {  	s1 =	sld [smem:$0x3FAF]  }
0x28: {  	s2 =	sld [smem:$0x3FB0]  }
0x29: {  	s4 =	sld [smem:$0x3FB2]  }
0x2a: {  	p0 =	seq.s32 s5, $0x0;
	s5 =	sld [smem:$0x3FB3]  }
0x2b: {  	s6 =	sld [smem:$0x3FB4]  }
0x2c: {  	s7 =	sld [smem:$0x3FB5]  }
0x2d: {  	s3 =	simm.s32 $0x108;
	s8 =	sld [smem:$0x3FB6]  }
0x2e: {  	s3 =	simm.s32 @!p0 $0x1082;
	s9 =	sld [smem:$0x3FB7]  }
0x2f: {  	lr =	sadd.s32 s0, s3;
	s0 =	sld [smem:$0x3FAE]  }
0x30: {  	s3 =	sld [smem:$0x3FB1]  }
0x31: {  	[smem:$0x3FBA] =	sst s10  }
0x32: {  	s10 =	sld [smem:$0x3FB8];
	_ =	sdelay $0x3  }
0x33: {  	p0 =	seq.s32 s10, $0x1;
	s10 =	sld [smem:$0x3FBA];
	_ =	sdelay $0x3  }
0x34: {  	[smem:$0x3FBA] =	sst s10  }
0x35: {  	s10 =	sld [smem:$0x3FB9];
	_ =	sdelay $0x3  }
0x36: {  	p1 =	seq.s32 s10, $0x1;
	s10 =	sld [smem:$0x3FBA];
	_ =	sdelay $0x3  }
0x37: {  	[smem:$0x3FBA] =	sst s10  }
0x38: {  	s10 =	sld [smem:$0x3FBB]  }
0x39: {  	_ = 	snop;
	(pc) =	sbr.ind lr, $3  }
0x3a: {  	_ = 	snop  }
0x3b: {  	_ = 	snop  }
0x3c: {  	p2 =	seq.s32 s10, $0x1;
	s10 =	sld [smem:$0x3FBA]  }
0x3d: {  	_ =	shalt  }
0x3e: {  	_ =	shalt  }
0x3f: {  	_ =	shalt  }
0x40: {  	_ =	shalt  }
0x41: {  	_ =	shalt  }
0x42: {  	_ =	shalt  }
0x43: {  	_ =	shalt  }
0x44: {  	_ =	shalt  }
0x45: {  	_ =	shalt  }
0x46: {  	_ =	shalt  }
0x47: {  	_ =	shalt  }
0x48: {  	_ =	shalt  }
0x49: {  	_ =	shalt  }
0x4a: {  	_ =	shalt  }
0x4b: {  	_ =	shalt  }
0x4c: {  	_ =	shalt  }
0x4d: {  	_ =	shalt  }
0x4e: {  	_ =	shalt  }
0x4f: {  	_ =	shalt  }
0x50: {  	_ =	shalt  }
0x51: {  	_ =	shalt  }
0x52: {  	_ =	shalt  }
0x53: {  	_ =	shalt  }
0x54: {  	_ =	shalt  }
0x55: {  	_ =	shalt  }
0x56: {  	_ =	shalt  }
0x57: {  	_ =	shalt  }
0x58: {  	_ =	shalt  }
0x59: {  	_ =	shalt  }
0x5a: {  	_ =	shalt  }
0x5b: {  	_ =	shalt  }
0x5c: {  	_ =	shalt  }
0x5d: {  	_ =	shalt  }
0x5e: {  	_ =	shalt  }
0x5f: {  	_ =	shalt  }
0x60: {  	_ =	shalt  }
0x61: {  	_ =	shalt  }
0x62: {  	_ =	shalt  }
0x63: {  	_ =	shalt  }
0x64: {  	_ =	shalt  }
0x65: {  	_ =	shalt  }
0x66: {  	_ =	shalt  }
0x67: {  	_ =	shalt  }
0x68: {  	_ =	shalt  }
0x69: {  	_ =	shalt  }
0x6a: {  	_ =	shalt  }
0x6b: {  	_ =	shalt  }
0x6c: {  	_ =	shalt  }
0x6d: {  	_ =	shalt  }
0x6e: {  	_ =	shalt  }
0x6f: {  	_ =	shalt  }
0x70: {  	_ =	shalt  }
0x71: {  	_ =	shalt  }
0x72: {  	_ =	shalt  }
0x73: {  	_ =	shalt  }
0x74: {  	_ =	shalt  }
0x75: {  	_ =	shalt  }
0x76: {  	_ =	shalt  }
0x77: {  	_ =	shalt  }
0x78: {  	_ =	shalt  }
0x79: {  	_ =	shalt  }
0x7a: {  	_ =	shalt  }
0x7b: {  	_ =	shalt  }
0x7c: {  	_ =	shalt  }
0x7d: {  	_ =	shalt  }
0x7e: {  	_ =	shalt  }
0x7f: {  	_ =	shalt  }
0x80: {  	_ =	shalt  }
0x81: {  	_ =	shalt  }
0x82: {  	_ =	shalt  }
0x83: {  	_ =	shalt  }
0x84: {  	_ =	shalt  }
0x85: {  	_ =	shalt  }
0x86: {  	_ =	shalt  }
0x87: {  	_ =	shalt  }
.Lfunc_end0:
.L_simem_size_0:
called_computation_lowered:
.L_overlay_start_0:
0x88: {  	s2 =	sld [smem:$0x3FD9]  }
0x89: {  	s3 =	sld [smem:$0x3FFE];
	_ =	sdelay $0x1  }
0x8a: {  	s1 =	srdreg.scid  }
0x8b: {  	s0 =	sand.u32 $0x1, s1  }
0x8c: {  	s18 =	sshll.u32 s0, $0xA;
	s2 =	sadd.s32 s3, s2  }
0x8d: {  	s2 =	sadd.s32 s2, s18  }
0x8e: {  	[smem:$0x3FC6] =	sst s2  }
0x8f: {  	_ = 	snop  }
0x90: {  	s2 =	sld [smem:$0x3FC9]  }
0x91: {  	s19 =	sld [smem:$0x3FC8]  }
0x92: {  	s4 =	sld [smem:$0x3FD0];
	(tm) =	ssettm $0x1  }
0x93: {  	s5 =	sld [smem:$0x3FFB];
	_ =	sdelay $0x3  }
0x94: {  	_ =	strace s5  }
0x95: {  	s5 =	sld [smem:$0x3FFC];
	_ =	sdelay $0x3  }
0x96: {  	_ =	strace s5  }
0x97: {  	s5 =	sld [smem:$0x3FFD];
	_ =	sdelay $0x3  }
0x98: {  	_ =	strace s5  }
0x99: {  	_ =	strace $0x8FFFFFFF  }
0x9a: {  	s20 =	sld [smem:$0x3FDB];
	_ =	sdelay $0x1  }
0x9b: {  	s6 =	simm.s32 $_scs_section_size  }
0x9c: {  	s7 =	simm.s32 $_size__tile_overlayer_lowered;
	s8 =	simm.s32 $_tile_overlayer_lowered  }
0x9d: {  	s23 =	simm.s32 $0x1BFF;
	s22 =	sshll.u32 s8, $0x1;
	s5 =	sadd.s32 s6, s20  }
0x9e: {  	s9 =	simm.s32 $0x0;
	s21 =	sshll.u32 s7, $0x1;
	s7 =	sadd.s32 s22, s5  }
0x9f: {  	[timem:s9], [sflag:s23] =	dma.local [hbm:s7], s21  }
0xa0: {  	_ =	swait.ge [sflag:s23], s21  }
0xa1: {  	s6 =	ssub.s32 $0x0, s21;
	[sflag:s23] =	ssyncset.done $0x0  }
0xa2: {  	[sflag:s23] =	ssyncadd.s32 s6;
	_ =	sdelay $0x1  }
0xa3: {  	s24 =	simm.s32 $0x1B8B  }
0xa4: {  	_ =	swait.ge [sflag:s24], $0x1  }
0xa5: {  	[sflag:s24] =	ssyncset.done $0x0  }
0xa6: {  	s25 =	simm.s32 $0x1B8E;
	[sflag:s24] =	ssyncadd.s32 $0xFFFFFFFF  }
0xa7: {  	s26 =	simm.s32 $execute0_lowered;
	[smem:$0x3FD2] =	sst s25  }
0xa8: {  	s6 =	sshll.u32 s26, $0x1;
	_ =	strace $0x80000046;
	[dreg:$0x1] =	wrdreg $0xFFFFFFFF  }
0xa9: {  	s28 =	simm.s32 $_size_execute0_lowered;
	s5 =	sadd.s32 s5, s6;
	[dreg:$0x0] =	wrdreg $0x0  }
0xaa: {  	s6 =	sshll.u32 s28, $0x1;
	[dreg:$0x2] =	wrdreg s5  }
0xab: {  	[dreg:$0x3] =	wrdreg s6  }
0xac: {  	[dreg:$0x4] =	wrdreg $0xC0  }
0xad: {  	_ =	task [dreg:s9], $0x5FFFF  }
0xae: {  	[dreg:$0x1] =	wrdreg $0xFFFFFFFF  }
0xaf: {  	[dreg:$0x0] =	wrdreg $0x60  }
0xb0: {  	[dreg:$0x2] =	wrdreg s2  }
0xb1: {  	[dreg:$0x3] =	wrdreg s19  }
0xb2: {  	[dreg:$0x4] =	wrdreg s4  }
0xb3: {  	[dreg:$0x5] =	wrdreg $0x9  }
0xb4: {  	_ =	task.clear_ibuf [dreg:s9], $0x6FFFF;
	_ =	strace $0x90000046  }
0xb5: {  	s29 =	simm.s32 $0x9;
	_ =	strace $0x80000048  }
0xb6: {  	_ =	swait.ge [sflag:s29], $0x1  }
0xb7: {  	[sflag:s29] =	ssyncadd.s32 $0xFFFFFFFF  }
0xb8: {  	_ =	strace $0x90000048  }
0xb9: {  	_ =	sfence  }
0xba: {  	s30 =	sld [smem:$0x0];
	_ =	sdelay $0x2  }
0xbb: {  	s31 =	sshll.u32 s1, $0xD;
	s1 =	sshrl.u32 s1, $0x2  }
0xbc: {  	s3 =	sand.u32 $0x4000, s31;
	s1 =	sadd.s32 s1, s30  }
0xbd: {  	s0 =	sor.u32 s3, s0;
	s1 =	sshll.u32 s1, $0x11  }
0xbe: {  	s0 =	sor.u32 s1, s0  }
0xbf: {  	s0 =	sadd.s32 $0x8F2B, s0  }
0xc0: {  	[sflag:s0] =	ssyncadd.remote.s32 $0x1  }
0xc1: {  	_ =	sfence.sel $0xFFFF  }
0xc2: {  	[dreg:$0x0] =	wrdreg $0xFFFFFFFF;
	(pc) =	sbr.abs _section_cstart, $3  }
0xc3: {  	[dreg:$0x1] =	wrdreg $0xFFFFFFFF  }
0xc4: {  	_ =	task.clear_ibuf [dreg:s9], $0x2FFFF;
	_ =	strace $0x9FFFFFFF  }
0xc5: {  	(tm) =	ssettm $0x7FFFFFFF  }
tec
execute0_lowered:
.L_overlay_start_1:
0x0: {  	(tag) =	ssettag $0x1  }
0x1: {  	s0 =	rddreg [dreg:$0x0]  }
0x2: {  	s2 =	rddreg [dreg:$0x1]  }
0x3: {  	s1 =	rddreg [dreg:$0x2]  }
0x4: {  	s3 =	srdreg.scid;
	s8 =	stileid.u32  }
0x5: {  	s30 =	simm.s32 $0x1C00;
	s29 =	simm.s32 $0x5C00;
	s31 =	simm.s32 $0xF  }
0x6: {  	s4 =	sand.u32 $0x1, s3;
	s3 =	simm.s32 $0x0;
	s5 =	sshll.u32 s8, $0x8  }
0x7: {  	s10 =	sshll.u32 s8, $0xF;
	s25 =	sshll.u32 s8, $0xC;
	s8 =	simm.s32 $0xD  }
0x8: {  	s6 =	sshll.u32 s4, $0x7;
	[smem:$0x7FF] =	sst s3;
	s7 =	ssub.s32 $0x2, s4  }
0x9: {  	s11 =	sshll.u32 s4, $0xE;
	s4 =	sshll.u32 s4, $0xB;
	s5 =	sor.u32 s6, s5  }
0xa: {  	_ =	strace $0x80000047;
	s26 =	sshrl.u32 s7, $0x1;
	s6 =	sor.u32 s11, s10  }
0xb: {  	s10 =	simm.s32 $0xE;
	s11 =	simm.s32 $0x9;
	s9 =	sadd.s32 s0, s5  }
0xc: {  	s28 =	ssub.s32 s7, s26;
	s5 =	sshll.u32 s5, $0x4;
	s15 =	sor.u32 $0x182000, s6  }
0xd: {  	s17 =	sor.u32 $0x180000, s6;
	s19 =	sor.u32 $0x102000, s6;
	s21 =	sor.u32 $0x100000, s6  }
0xe: {  	s23 =	sor.u32 $0x2000, s6;
	s6 =	sshrl.u32 s6, $0x3;
	[dreg:$0x4] =	wrdreg s9  }
0xf: {  	s9 =	sadd.s32 $0x6000, s9;
	s5 =	sadd.s32 s5, s1;
	s0 =	smax.u32 s28, $0x1  }
0x10: {  	s16 =	sshrl.u32 s15, $0x3;
	s18 =	sshrl.u32 s17, $0x3;
	s20 =	sshrl.u32 s19, $0x3  }
0x11: {  	s22 =	sshrl.u32 s21, $0x3;
	s24 =	sshrl.u32 s23, $0x3;
	s26 =	sadd.s32 s6, s1  }
0x12: {  	s6 =	simm.s32 $0x4;
	s21 =	simm.s32 $0x7;
	[dreg:$0x5] =	wrdreg s9  }
0x13: {  	s19 =	simm.s32 $0x10;
	s15 =	simm.s32 $0xB;
	[dreg:$0xa] =	wrdreg s0  }
0x14: {  	s17 =	simm.s32 $0xC;
	s12 =	sadd.s32 $0x300000, s5;
	[dreg:$0x10] =	wrdreg s26  }
0x15: {  	s23 =	simm.s32 $0x14;
	s13 =	sadd.s32 $0x300400, s5;
	[dreg:$0x6] =	wrdreg s12  }
0x16: {  	s14 =	sadd.s32 $0x310000, s5;
	s5 =	sadd.s32 $0x310400, s5;
	[dreg:$0x7] =	wrdreg s13  }
0x17: {  	s0 =	sadd.s32 s16, s1;
	s26 =	simm.s32 $0x3C00;
	[dreg:$0x8] =	wrdreg s14  }
0x18: {  	s16 =	simm.s32 $0x13;
	s9 =	simm.s32 $0x15C00;
	[dreg:$0x9] =	wrdreg s5  }
0x19: {  	[dreg:$0xb] =	wrdreg s0;
	s0 =	sadd.s32 s18, s1;
	s5 =	sadd.s32 s25, s1  }
0x1a: {  	s12 =	simm.s32 $0x11;
	s13 =	simm.s32 $0xA;
	s14 =	simm.s32 $0x12  }
.Ltmp0:
0x1b: {  	[dreg:$0xc] =	wrdreg s0;
	s0 =	sadd.s32 s20, s1;
	(pc) =	sbr.rel .LBB2_1-.Ltmp0, $4  }
0x1c: {  	s28 =	sadd.s32 s4, s5;
	s4 =	simm.s32 $0x11C00;
	[dreg:$0xd] =	wrdreg s0  }
0x1d: {  	s20 =	simm.s32 $0x17C00;
	s0 =	sadd.s32 s22, s1;
	[dreg:$0x11] =	wrdreg s28  }
0x1e: {  	s22 =	simm.s32 $0x40;
	[dreg:$0xe] =	wrdreg s0;
	s0 =	sadd.s32 s24, s1  }
0x1f: {  	s1 =	simm.s32 $0x8;
	[dreg:$0xf] =	wrdreg s0;
	s0 =	simm.s32 $0x0  }
.LBB2_4:
0x20: {  	s5 =	simm.s32 $0x1  }
0x21: {  	_ =	swait.ge [sflag:s5], $0x2000  }
0x22: {  	s30 =	simm.s32 $0x1C00;
	[sflag:s5] =	ssyncset.done $0x0  }
0x23: {  	s0 =	simm.s32 $0x2;
	s18 =	rddreg [dreg:$0x6];
	[sflag:s5] =	ssyncadd.s32 $0xFFFFE000  }
0x24: {  	[hbm4b:s18+s3] =	stream.linear.scatter [tilespmem:s30], [sflag:$0xD], $0x2000, $0x38;
	[tilespmem:$0x19C00] =	vst v63  }
0x25: {  	_ =	swait.ge [sflag:s0], $0x2000  }
0x26: {  	s26 =	simm.s32 $0x3C00;
	[sflag:s0] =	ssyncset.done $0x0  }
0x27: {  	s24 =	simm.s32 $0x3;
	s7 =	rddreg [dreg:$0x7];
	[sflag:s0] =	ssyncadd.s32 $0xFFFFE000  }
0x28: {  	[hbm4b:s7+s3] =	stream.linear.scatter [tilespmem:s26], [sflag:$0xE], $0x2000, $0x38;
	[tilespmem:$0x19C00] =	vst v63  }
0x29: {  	_ =	swait.ge [sflag:s24], $0x2000  }
0x2a: {  	[sflag:s24] =	ssyncset.done $0x0  }
0x2b: {  	s29 =	simm.s32 $0x5C00;
	s25 =	rddreg [dreg:$0x8];
	[sflag:s24] =	ssyncadd.s32 $0xFFFFE000  }
0x2c: {  	[hbm4b:s25+s3] =	stream.linear.scatter [tilespmem:s29], [sflag:$0xF], $0x2000, $0x38;
	[tilespmem:$0x19C00] =	vst v63  }
0x2d: {  	_ =	swait.ge [sflag:s6], $0x2000  }
0x2e: {  	s5 =	simm.s32 $0x15;
	[sflag:s6] =	ssyncset.done $0x0  }
0x2f: {  	s0 =	simm.s32 $0x7C00;
	s28 =	rddreg [dreg:$0x9];
	[sflag:s6] =	ssyncadd.s32 $0xFFFFE000  }
0x30: {  	[hbm4b:s28+s3] =	stream.linear.scatter [tilespmem:s0], [sflag:$0x10], $0x2000, $0x38;
	[tilespmem:$0x19C00] =	vst v63  }
0x31: {  	_ =	swait.ge [sflag:s5], $0x2000  }
0x32: {  	[sflag:s5] =	ssyncset.done $0x0  }
0x33: {  	s7 =	simm.s32 $0x16;
	[sflag:s5] =	ssyncadd.s32 $0xFFFFE000  }
0x34: {  	_ =	swait.ge [sflag:s7], $0x2000  }
0x35: {  	[sflag:s7] =	ssyncset.done $0x0  }
0x36: {  	s18 =	simm.s32 $0x17;
	[sflag:s7] =	ssyncadd.s32 $0xFFFFE000  }
0x37: {  	_ =	swait.ge [sflag:s18], $0x2000  }
0x38: {  	[sflag:s18] =	ssyncset.done $0x0  }
0x39: {  	s24 =	simm.s32 $0x18;
	[sflag:s18] =	ssyncadd.s32 $0xFFFFE000  }
0x3a: {  	_ =	swait.ge [sflag:s24], $0x2000  }
0x3b: {  	[sflag:s24] =	ssyncset.done $0x0  }
0x3c: {  	[sflag:s24] =	ssyncadd.s32 $0xFFFFE000  }
0x3d: {  	_ =	swait.ge [sflag:s8], $0x2000  }
0x3e: {  	[sflag:s8] =	ssyncset.done $0x0  }
0x3f: {  	[sflag:s8] =	ssyncadd.s32 $0xFFFFE000  }
0x40: {  	_ =	swait.ge [sflag:s10], $0x2000  }
0x41: {  	[sflag:s10] =	ssyncset.done $0x0  }
0x42: {  	[sflag:s10] =	ssyncadd.s32 $0xFFFFE000  }
0x43: {  	_ =	swait.ge [sflag:s31], $0x2000  }
0x44: {  	[sflag:s31] =	ssyncset.done $0x0  }
0x45: {  	[sflag:s31] =	ssyncadd.s32 $0xFFFFE000  }
0x46: {  	_ =	swait.ge [sflag:s19], $0x2000  }
0x47: {  	s25 =	rddreg [dreg:$0x12]  }
0x48: {  	s28 =	rddreg [dreg:$0xa];
	s0 =	sadd.s32 $0x1, s25  }
0x49: {  	p0 =	sne.s32 s0, s28  }
.Ltmp1:
0x4a: {  	_ = 	snop;
	(pc) =	sbr.rel @!p0 .LBB2_5-.Ltmp1, $3  }
0x4b: {  	_ =	sdelay $0x1  }
0x4c: {  	[sflag:s19] =	ssyncset.done $0x0  }
0x4d: {  	[sflag:s19] =	ssyncadd.s32 $0xFFFFE000  }
.LBB2_1:
0x4e: {  	[dreg:$0x12] =	wrdreg s0  }
0x4f: {  	s18 =	rddreg [dreg:$0x4];
	s24 =	simm.s32 $0x400;
	s25 =	simm.s32 $0x8000  }
0x50: {  	[tilespmem:s3], [sflag:$0x19] =	stream.strided.gather [hbm4b:s18+s24], $0x1800, s25, s24, $0x38;
	[tilespmem:$0x19C00] =	vst v63  }
0x51: {  	s0 =	rddreg [dreg:$0x5];
	s5 =	simm.s32 $0x1800;
	s25 =	simm.s32 $0x19  }
0x52: {  	[tilespmem:s5], [sflag:$0x19] =	stream.linear.gather [hbm4b:s0+s3], $0x100, $0x38;
	[tilespmem:$0x19C00] =	vst v63  }
0x53: {  	_ =	swait.ge [sflag:s25], $0x1900  }
0x54: {  	[sflag:s25] =	ssyncset.done $0x0  }
0x55: {  	[sflag:s25] =	ssyncadd.s32 $0xFFFFE700  }
0x56: {  	[tilespmem:s30], [sflag:$0x1] =	stream.indirect.gather [hbm4b:s2+s22], $0x80, s3, s22, $0xb8;
	[tilespmem:$0x19C00] =	vst v63  }
0x57: {  	_ = 	snop  }
0x58: {  	[tilespmem:s26], [sflag:$0x2] =	stream.indirect.gather [hbm4b:s2+s22], $0x80, s22, s22, $0xb8;
	[tilespmem:$0x19C00] =	vst v63  }
0x59: {  	s5 =	simm.s32 $0x80  }
0x5a: {  	[tilespmem:s29], [sflag:$0x3] =	stream.indirect.gather [hbm4b:s2+s22], $0x80, s5, s22, $0xb8;
	[tilespmem:$0x19C00] =	vst v63  }
0x5b: {  	s7 =	simm.s32 $0x7C00;
	s26 =	simm.s32 $0xC0  }
0x5c: {  	[tilespmem:s7], [sflag:$0x4] =	stream.indirect.gather [hbm4b:s2+s22], $0x80, s26, s22, $0xb8;
	[tilespmem:$0x19C00] =	vst v63  }
0x5d: {  	s0 =	simm.s32 $0x9C00;
	s29 =	simm.s32 $0x100  }
0x5e: {  	[tilespmem:s0], [sflag:$0x5] =	stream.indirect.gather [hbm4b:s2+s22], $0x80, s29, s22, $0xb8;
	[tilespmem:$0x19C00] =	vst v63  }
0x5f: {  	s18 =	simm.s32 $0x140;
	s24 =	simm.s32 $0xBC00  }
0x60: {  	[tilespmem:s24], [sflag:$0x6] =	stream.indirect.gather [hbm4b:s2+s22], $0x80, s18, s22, $0xb8;
	[tilespmem:$0x19C00] =	vst v63  }
0x61: {  	s28 =	simm.s32 $0xFC00;
	s25 =	simm.s32 $0x180;
	s26 =	simm.s32 $0xDC00  }
0x62: {  	[tilespmem:s26], [sflag:$0x7] =	stream.indirect.gather [hbm4b:s2+s22], $0x80, s25, s22, $0xb8;
	[tilespmem:$0x19C00] =	vst v63  }
0x63: {  	s29 =	simm.s32 $0x1C0;
	s24 =	simm.s32 $0x280;
	s26 =	simm.s32 $0x0  }
0x64: {  	[tilespmem:s28], [sflag:$0x8] =	stream.indirect.gather [hbm4b:s2+s22], $0x80, s29, s22, $0xb8;
	[tilespmem:$0x19C00] =	vst v63  }
.LBB2_2:
0x65: {  	s5 =	simm.s32 $0x1  }
0x66: {  	_ =	swait.ge [sflag:s5], $0x2000  }
0x67: {  	p0 =	seq.s32 s26, $0x0;
	[sflag:s5] =	ssyncset.done $0x0;
	s18 =	rddreg [dreg:$0x10]  }
0x68: {  	s25 =	simm.s32 @!p0 $0x15;
	[sflag:s5] =	ssyncadd.s32 $0xFFFFE000;
	s29 =	sadd.s32 s26, s18  }
0x69: {  	[hbm4b:s29+s3] =	stream.linear.scatter [tilespmem:s30], [sflag:$0xD], $0x2000, $0x38;
	[tilespmem:$0x19C00] =	vst v63  }
0x6a: {  	_ =	swait.ge @!p0 [sflag:s25], $0x2000  }
0x6b: {  	[sflag:s25] =	ssyncset.done @!p0 $0x0  }
0x6c: {  	s0 =	simm.s32 $0x2;
	s18 =	sadd.s32 $0xFFFFFF80, s24;
	[sflag:s25] =	ssyncadd.s32 @!p0 $0xFFFFE000  }
0x6d: {  	[tilespmem:s4], [sflag:$0x9] =	stream.indirect.gather [hbm4b:s2+s22], $0x80, s18, s22, $0xb8;
	[tilespmem:$0x19C00] =	vst v63  }
0x6e: {  	_ =	swait.ge [sflag:s0], $0x2000  }
0x6f: {  	s5 =	simm.s32 $0x3C00;
	[sflag:s0] =	ssyncset.done $0x0;
	s25 =	rddreg [dreg:$0xf]  }
0x70: {  	[sflag:s0] =	ssyncadd.s32 $0xFFFFE000;
	s0 =	sadd.s32 s26, s25;
	s25 =	simm.s32 @!p0 $0x16  }
0x71: {  	[hbm4b:s0+s3] =	stream.linear.scatter [tilespmem:s5], [sflag:$0xE], $0x2000, $0x38;
	[tilespmem:$0x19C00] =	vst v63  }
0x72: {  	_ =	swait.ge @!p0 [sflag:s25], $0x2000  }
0x73: {  	[sflag:s25] =	ssyncset.done @!p0 $0x0  }
0x74: {  	s7 =	sadd.s32 $0xFFFFFFC0, s24;
	s0 =	simm.s32 $0x13C00;
	[sflag:s25] =	ssyncadd.s32 @!p0 $0xFFFFE000  }
0x75: {  	[tilespmem:s0], [sflag:$0xA] =	stream.indirect.gather [hbm4b:s2+s22], $0x80, s7, s22, $0xb8;
	[tilespmem:$0x19C00] =	vst v63  }
0x76: {  	s7 =	simm.s32 $0x3  }
0x77: {  	_ =	swait.ge [sflag:s7], $0x2000  }
0x78: {  	s18 =	sadd.s32 $0x10000, s29;
	[sflag:s7] =	ssyncset.done $0x0  }
0x79: {  	s25 =	simm.s32 @!p0 $0x17;
	[sflag:s7] =	ssyncadd.s32 $0xFFFFE000;
	s7 =	simm.s32 $0x5C00  }
0x7a: {  	[hbm4b:s18+s3] =	stream.linear.scatter [tilespmem:s7], [sflag:$0xF], $0x2000, $0x38;
	[tilespmem:$0x19C00] =	vst v63  }
0x7b: {  	_ =	swait.ge @!p0 [sflag:s25], $0x2000  }
0x7c: {  	[sflag:s25] =	ssyncset.done @!p0 $0x0  }
0x7d: {  	[sflag:s25] =	ssyncadd.s32 @!p0 $0xFFFFE000  }
0x7e: {  	[tilespmem:s9], [sflag:$0xB] =	stream.indirect.gather [hbm4b:s2+s22], $0x80, s24, s22, $0xb8;
	[tilespmem:$0x19C00] =	vst v63  }
0x7f: {  	_ =	swait.ge [sflag:s6], $0x2000  }
0x80: {  	s18 =	sadd.s32 $0x10400, s29;
	[sflag:s6] =	ssyncset.done $0x0  }
0x81: {  	s29 =	simm.s32 $0x7C00;
	s25 =	simm.s32 @!p0 $0x18;
	[sflag:s6] =	ssyncadd.s32 $0xFFFFE000  }
0x82: {  	[hbm4b:s18+s3] =	stream.linear.scatter [tilespmem:s29], [sflag:$0x10], $0x2000, $0x38;
	[tilespmem:$0x19C00] =	vst v63  }
0x83: {  	_ =	swait.ge @!p0 [sflag:s25], $0x2000  }
0x84: {  	[sflag:s25] =	ssyncset.done @!p0 $0x0  }
0x85: {  	s18 =	sadd.s32 $0x40, s24;
	[sflag:s25] =	ssyncadd.s32 @!p0 $0xFFFFE000;
	s25 =	simm.s32 $0x5  }
0x86: {  	[tilespmem:s20], [sflag:$0xC] =	stream.indirect.gather [hbm4b:s2+s22], $0x80, s18, s22, $0xb8;
	[tilespmem:$0x19C00] =	vst v63  }
0x87: {  	_ =	swait.ge [sflag:s25], $0x2000  }
0x88: {  	[sflag:s25] =	ssyncset.done $0x0  }
0x89: {  	[sflag:s25] =	ssyncadd.s32 $0xFFFFE000;
	s25 =	rddreg [dreg:$0xe]  }
0x8a: {  	s18 =	simm.s32 $0x9C00;
	s25 =	sadd.s32 s26, s25  }
0x8b: {  	[hbm4b:s25+s3] =	stream.linear.scatter [tilespmem:s18], [sflag:$0x11], $0x2000, $0x38;
	[tilespmem:$0x19C00] =	vst v63  }
0x8c: {  	_ =	swait.ge [sflag:s8], $0x2000  }
0x8d: {  	[sflag:s8] =	ssyncset.done $0x0  }
0x8e: {  	s18 =	sadd.s32 $0x80, s24;
	s25 =	simm.s32 $0x6;
	[sflag:s8] =	ssyncadd.s32 $0xFFFFE000  }
0x8f: {  	[tilespmem:s30], [sflag:$0x1] =	stream.indirect.gather [hbm4b:s2+s22], $0x80, s18, s22, $0xb8;
	[tilespmem:$0x19C00] =	vst v63  }
0x90: {  	_ =	swait.ge [sflag:s25], $0x2000  }
0x91: {  	[sflag:s25] =	ssyncset.done $0x0;
	s30 =	rddreg [dreg:$0xd]  }
0x92: {  	[sflag:s25] =	ssyncadd.s32 $0xFFFFE000;
	s18 =	sadd.s32 s26, s30;
	s30 =	simm.s32 $0xBC00  }
0x93: {  	[hbm4b:s18+s3] =	stream.linear.scatter [tilespmem:s30], [sflag:$0x12], $0x2000, $0x38;
	[tilespmem:$0x19C00] =	vst v63  }
0x94: {  	_ =	swait.ge [sflag:s10], $0x2000  }
0x95: {  	[sflag:s10] =	ssyncset.done $0x0  }
0x96: {  	s30 =	sadd.s32 $0xC0, s24;
	[sflag:s10] =	ssyncadd.s32 $0xFFFFE000  }
0x97: {  	[tilespmem:s5], [sflag:$0x2] =	stream.indirect.gather [hbm4b:s2+s22], $0x80, s30, s22, $0xb8;
	[tilespmem:$0x19C00] =	vst v63  }
0x98: {  	_ =	swait.ge [sflag:s21], $0x2000  }
0x99: {  	[sflag:s21] =	ssyncset.done $0x0;
	s5 =	rddreg [dreg:$0xc]  }
0x9a: {  	s30 =	simm.s32 $0xDC00;
	[sflag:s21] =	ssyncadd.s32 $0xFFFFE000;
	s18 =	sadd.s32 s26, s5  }
0x9b: {  	[hbm4b:s18+s3] =	stream.linear.scatter [tilespmem:s30], [sflag:$0x13], $0x2000, $0x38;
	[tilespmem:$0x19C00] =	vst v63  }
0x9c: {  	_ =	swait.ge [sflag:s31], $0x2000  }
0x9d: {  	[sflag:s31] =	ssyncset.done $0x0  }
0x9e: {  	s5 =	sadd.s32 $0x100, s24;
	[sflag:s31] =	ssyncadd.s32 $0xFFFFE000  }
0x9f: {  	[tilespmem:s7], [sflag:$0x3] =	stream.indirect.gather [hbm4b:s2+s22], $0x80, s5, s22, $0xb8;
	[tilespmem:$0x19C00] =	vst v63  }
0xa0: {  	_ =	swait.ge [sflag:s1], $0x2000  }
0xa1: {  	[sflag:s1] =	ssyncset.done $0x0;
	s7 =	rddreg [dreg:$0xb]  }
0xa2: {  	[sflag:s1] =	ssyncadd.s32 $0xFFFFE000;
	s18 =	sadd.s32 s26, s7  }
0xa3: {  	[hbm4b:s18+s3] =	stream.linear.scatter [tilespmem:s28], [sflag:$0x14], $0x2000, $0x38;
	[tilespmem:$0x19C00] =	vst v63  }
0xa4: {  	_ =	swait.ge [sflag:s19], $0x2000  }
0xa5: {  	[sflag:s19] =	ssyncset.done $0x0  }
0xa6: {  	s30 =	sadd.s32 $0x140, s24;
	[sflag:s19] =	ssyncadd.s32 $0xFFFFE000  }
0xa7: {  	[tilespmem:s29], [sflag:$0x4] =	stream.indirect.gather [hbm4b:s2+s22], $0x80, s30, s22, $0xb8;
	[tilespmem:$0x19C00] =	vst v63  }
0xa8: {  	_ =	swait.ge [sflag:s11], $0x2000  }
0xa9: {  	s5 =	rddreg [dreg:$0x11]  }
0xaa: {  	[sflag:s11] =	ssyncset.done $0x0;
	s7 =	sadd.s32 s26, s5  }
0xab: {  	[sflag:s11] =	ssyncadd.s32 $0xFFFFE000;
	s18 =	sadd.s32 $0x40000, s7  }
0xac: {  	[hbm4b:s18+s3] =	stream.linear.scatter [tilespmem:s4], [sflag:$0x15], $0x2000, $0x38;
	[tilespmem:$0x19C00] =	vst v63  }
0xad: {  	p0 =	seq.s32 s26, $0x2A0000;
	_ =	swait.ge [sflag:s12], $0x2000  }
0xae: {  	s29 =	sadd.s32 @!p0 $0x180, s24;
	[sflag:s12] =	ssyncset.done $0x0  }
0xaf: {  	s30 =	simm.s32 @!p0 $0x40;
	s18 =	simm.s32 @!p0 $0x9C00;
	[sflag:s12] =	ssyncadd.s32 $0xFFFFE000  }
0xb0: {  	[tilespmem:s18], [sflag:$0x5] =	stream.indirect.gather @!p0 [hbm4b:s2+s30], $0x80, s29, s30, $0xb8;
	[tilespmem:$0x19C00] =	vst v63  }
0xb1: {  	_ =	swait.ge [sflag:s13], $0x2000  }
0xb2: {  	[sflag:s13] =	ssyncset.done $0x0  }
0xb3: {  	s28 =	sadd.s32 $0x40400, s7;
	[sflag:s13] =	ssyncadd.s32 $0xFFFFE000  }
0xb4: {  	[hbm4b:s28+s3] =	stream.linear.scatter [tilespmem:s0], [sflag:$0x16], $0x2000, $0x38;
	[tilespmem:$0x19C00] =	vst v63  }
0xb5: {  	_ =	swait.ge [sflag:s14], $0x2000  }
0xb6: {  	[sflag:s14] =	ssyncset.done $0x0  }
0xb7: {  	s18 =	sadd.s32 @!p0 $0x1C0, s24;
	s29 =	simm.s32 @!p0 $0xBC00;
	[sflag:s14] =	ssyncadd.s32 $0xFFFFE000  }
0xb8: {  	[tilespmem:s29], [sflag:$0x6] =	stream.indirect.gather @!p0 [hbm4b:s2+s30], $0x80, s18, s30, $0xb8;
	[tilespmem:$0x19C00] =	vst v63  }
0xb9: {  	_ =	swait.ge [sflag:s15], $0x2000  }
0xba: {  	[sflag:s15] =	ssyncset.done $0x0  }
0xbb: {  	s29 =	sadd.s32 $0x50000, s7;
	[sflag:s15] =	ssyncadd.s32 $0xFFFFE000  }
0xbc: {  	[hbm4b:s29+s3] =	stream.linear.scatter [tilespmem:s9], [sflag:$0x17], $0x2000, $0x38;
	[tilespmem:$0x19C00] =	vst v63  }
0xbd: {  	_ =	swait.ge [sflag:s16], $0x2000  }
0xbe: {  	[sflag:s16] =	ssyncset.done $0x0  }
0xbf: {  	s18 =	sadd.s32 @!p0 $0x200, s24;
	s29 =	simm.s32 @!p0 $0xDC00;
	[sflag:s16] =	ssyncadd.s32 $0xFFFFE000  }
0xc0: {  	[tilespmem:s29], [sflag:$0x7] =	stream.indirect.gather @!p0 [hbm4b:s2+s30], $0x80, s18, s30, $0xb8;
	[tilespmem:$0x19C00] =	vst v63  }
0xc1: {  	_ =	swait.ge [sflag:s17], $0x2000  }
0xc2: {  	[sflag:s17] =	ssyncset.done $0x0  }
.Ltmp2:
0xc3: {  	s30 =	sadd.s32 $0x50400, s7;
	[sflag:s17] =	ssyncadd.s32 $0xFFFFE000;
	(pc) =	sbr.rel @p0 .LBB2_4-.Ltmp2, $4  }
0xc4: {  	[hbm4b:s30+s3] =	stream.linear.scatter [tilespmem:s20], [sflag:$0x18], $0x2000, $0x38;
	[tilespmem:$0x19C00] =	vst v63  }
0xc5: {  	_ =	swait.ge [sflag:s23], $0x2000  }
0xc6: {  	[sflag:s23] =	ssyncset.done $0x0  }
0xc7: {  	s5 =	simm.s32 $0xFC00;
	[sflag:s23] =	ssyncadd.s32 $0xFFFFE000  }
.Ltmp3:
0xc8: {  	(pc) =	sbr.rel .LBB2_2-.Ltmp3, $4  }
0xc9: {  	_ = 	snop  }
0xca: {  	s18 =	sadd.s32 $0x240, s24;
	s26 =	sadd.s32 $0x60000, s26  }
0xcb: {  	s24 =	sadd.s32 $0x300, s24;
	s30 =	simm.s32 $0x1C00;
	s28 =	simm.s32 $0xFC00  }
0xcc: {  	[tilespmem:s5], [sflag:$0x8] =	stream.indirect.gather [hbm4b:s2+s22], $0x80, s18, s22, $0xb8;
	[tilespmem:$0x19C00] =	vst v63  }
.LBB2_5:
0xcd: {  	_ =	sfence.sel $0x180000  }
0xce: {  	[bflag:$0x0] =	sbarrier.arrive $0xFFFF  }
0xcf: {  	_ =	strace $0x90000047  }
0xd0: {  	s0 =	stileid.u32;
	[bflag:$0x2] =	sbarrier.arrive $0xFFFF  }
0xd1: {  	p0 =	sne.s32 s0, $0x0;
	s0 =	rddreg [dreg:$0x3]  }
0xd2: {  	s0 =	sadd.s32 @!p0 $0x100000, s0  }
0xd3: {  	[sflag:s0] =	ssyncadd.tile.s32 @!p0 $0x1;
	_ =	shalt  }
.Lfunc_end2:
_tile_overlayer_lowered:
.L_overlay_start_2:
0xd4: {  	(tag) =	ssettag $0x2  }
0xd5: {  	s0 =	rddreg [dreg:$0x0];
	s2 =	stileid.u32  }
0xd6: {  	s1 =	rddreg [dreg:$0x1];
	p0 =	sne.s32 s2, $0x0  }
0xd7: {  	s3 =	rddreg [dreg:$0x2];
	[bflag:$0x3] =	sbarrier.arrive $0xFFFF;
	s2 =	simm.s32 @!p0 $0x1C19  }
0xd8: {  	[timem:s3], [sflag:s2] =	dma.local @!p0 [hbm:s0], s1  }
0xd9: {  	s0 =	simm.s32 @!p0 $0x19  }
0xda: {  	_ =	swait.ge @!p0 [sflag:s0], s1  }
0xdb: {  	s1 =	ssub.s32 @!p0 $0x0, s1;
	[sflag:s0] =	ssyncset.done @!p0 $0x0  }
0xdc: {  	[sflag:s0] =	ssyncadd.s32 @!p0 s1  }
0xdd: {  	[bflag:$0x3] =	sbarrier.arrive $0xFFFF  }
0xde: {  	_ =	shalt  }

</sc_bundles>
